<compile_context>
chip_gen: v7x
topology: tpu7x:2x2x1
jax: 0.10.2.dev20260603
libtpu: 0.0.44.dev20260713+nightly
codegen_flags: <defaults>
</compile_context>

<pallas_src>
import functools

import jax
import jax.numpy as jnp
from jax import lax
from jax.experimental import pallas as pl
from jax.experimental.pallas import tpu as pltpu
from jax.experimental.pallas import tpu_sc as plsc

_N = 10000
_E = 320000
_D = 128
_NC = 2
_NS = 16
_NW = _NC * _NS
_EPW = _E // _NW
_CH = 80
_NCHUNK = _EPW // _CH
_NB = 5
_RPT = _N // _NS


def _sc_spmm(xb, src, dst, w):
    mesh = plsc.VectorSubcoreMesh(core_axis_name="c", subcore_axis_name="s")

    @functools.partial(
        pl.kernel,
        out_type=jax.ShapeDtypeStruct((_NC, _N, _D), jnp.bfloat16),
        mesh=mesh,
        scratch_types=[
            pltpu.VMEM((_NCHUNK, _CH), jnp.int32),
            pltpu.VMEM((_NCHUNK, _CH), jnp.int32),
            pltpu.VMEM((_NCHUNK, _CH), jnp.float32),
        ] + [pltpu.VMEM((_CH, _D), jnp.bfloat16)] * (2 * _NB)
          + [pltpu.VMEM_SHARED((_N, _D), jnp.bfloat16)]
          + [pltpu.SemaphoreType.DMA] * (2 * _NB),
        compiler_params=pltpu.CompilerParams(use_tc_tiling_on_sc=False,
                                             needs_layout_passes=False),
    )
    def k(x_hbm, src_hbm, dst_hbm, w_hbm, out_hbm, sidx, didx, wv, *bufs):
        rb = bufs[0:_NB]
        rf = bufs[_NB:2 * _NB]
        acc = bufs[2 * _NB]
        gsem = bufs[2 * _NB + 1:3 * _NB + 1]
        ssem = bufs[3 * _NB + 1:4 * _NB + 1]
        c = lax.axis_index("c")
        s = lax.axis_index("s")
        wid = s * _NC + c

        pltpu.sync_copy(src_hbm.at[wid], sidx)
        pltpu.sync_copy(dst_hbm.at[wid], didx)
        pltpu.sync_copy(w_hbm.at[wid], wv)

        zero32 = jnp.zeros((32,), jnp.bfloat16)

        def zrow(i, carry):
            for kk in range(_D // 32):
                rf[0][i, pl.ds(kk * 32, 32)] = zero32
            return carry

        lax.fori_loop(0, _CH, zrow, 0)
        for j in range(_RPT // _CH):
            pltpu.sync_copy(rf[0], acc.at[pl.ds(s * _RPT + j * _CH, _CH)])
        tail = _RPT - (_RPT // _CH) * _CH
        if tail:
            pltpu.sync_copy(
                rf[0].at[pl.ds(0, tail)],
                acc.at[pl.ds(s * _RPT + (_RPT // _CH) * _CH, tail)])
        plsc.subcore_barrier()

        def start_gather(cix, b):
            pltpu.async_copy(x_hbm.at[sidx.at[cix]], rb[b], gsem[b])

        def wait_gather(b):
            pltpu.make_async_copy(x_hbm.at[sidx.at[0]], rb[b],
                                  gsem[b]).wait()

        def scale(cix, b):
            @plsc.parallel_loop(0, _CH, 1, unroll=2)
            def _s(e):
                wb = plsc.load_gather(
                    wv, [jnp.full((16,), cix, jnp.int32),
                         jnp.full((16,), e, jnp.int32)])
                wb2 = plsc.pack(wb, wb, format=plsc.PackFormat.INTERLEAVED)
                for g in range(_D // 32):
                    sl = pl.ds(32 * g, 32)
                    rf[b][e, sl] = rb[b][e, sl] * wb2

        def start_scatter(cix, b):
            pltpu.async_copy(rf[b], acc.at[didx.at[cix]], ssem[b], add=True)

        def wait_scatter(b):
            pltpu.make_async_copy(rf[b], acc.at[didx.at[0]],
                                  ssem[b]).wait()

        for b in range(_NB):
            start_gather(b, b)
        for cc in range(_NB):
            wait_gather(cc)
            scale(cc, cc)
            start_scatter(cc, cc)
            start_gather(cc + _NB, cc)

        def group(i, carry):
            c0 = _NB * i
            for j in range(_NB):
                cix = c0 + j
                wait_gather(j)
                wait_scatter(j)
                scale(cix, j)
                start_scatter(cix, j)

                @pl.when(cix + _NB < _NCHUNK)
                def _():
                    start_gather(cix + _NB, j)
            return carry

        lax.fori_loop(1, _NCHUNK // _NB, group, 0)
        for b in range(_NB):
            wait_scatter(b)
        plsc.subcore_barrier()

        r0 = s * _RPT
        pltpu.sync_copy(acc.at[pl.ds(r0, _RPT)],
                        out_hbm.at[c, pl.ds(r0, _RPT)])

    return k(xb, src.reshape(_NW, _NCHUNK, _CH),
             dst.reshape(_NW, _NCHUNK, _CH), w.reshape(_NW, _NCHUNK, _CH))


def _combine_body(scal_ref, p_ref, x_ref, o_ref):
    w0 = scal_ref[0]
    w1 = scal_ref[1]
    b = scal_ref[2]
    agg = (p_ref[0].astype(jnp.float32) + p_ref[1].astype(jnp.float32))
    o_ref[...] = agg * w0 + x_ref[...] * w1 + b


def _combine(partials, x, scal):
    blk = 1000
    grid = (_N // blk,)
    return pl.pallas_call(
        _combine_body,
        grid=grid,
        in_specs=[
            pl.BlockSpec(memory_space=pltpu.SMEM),
            pl.BlockSpec((_NC, blk, _D), lambda i: (0, i, 0)),
            pl.BlockSpec((blk, _D), lambda i: (i, 0)),
        ],
        out_specs=pl.BlockSpec((blk, _D), lambda i: (i, 0)),
        out_shape=jax.ShapeDtypeStruct((_N, _D), jnp.float32),
    )(scal, partials, x)


def kernel(x, edge_index, edge_weight, conv_w, conv_b):
    dst = edge_index[0]
    src = edge_index[1]
    xb = x.astype(jnp.bfloat16)
    partials = _sc_spmm(xb, src, dst, edge_weight)
    scal = jnp.stack([conv_w[0, 0, 0, 0], conv_w[0, 0, 0, 1], conv_b[0]])
    return _combine(partials, x, scal)

# --- scband reference (transcript-rebuilt; emitter-appended) ---
"""Pipeline reference for scband-co-ggnn-29566554865684 (READ-ONLY COPY).

The authoritative reference and input builder live on the scoring server;
editing this copy changes nothing except your own understanding.
"""

import jax, jax.numpy as jnp
import numpy as np

N = 10000
E = 320000
D = 128

def setup_inputs(seed: int = 0) -> dict:
    key = jax.random.key(seed)
    k1, k2, k3, k4, k5 = jax.random.split(key, 5)
    x = jax.random.normal(k1, (N, D), dtype=jnp.float32)
    # COO representation of the sparse adjacency graph_in: row 0 = dst, row 1 = src
    edge_index = jax.random.randint(k2, (2, E), 0, N, dtype=jnp.int32)
    edge_weight = jax.random.uniform(k3, (E,), dtype=jnp.float32)
    # Conv2d(1, 1, (1, 2)) parameters, init uniform(-stdv, stdv), stdv = 1/sqrt(embedding_size)
    stdv = 1.0 / np.sqrt(128.0)
    conv_w = jax.random.uniform(k4, (1, 1, 1, 2), minval=-stdv, maxval=stdv, dtype=jnp.float32)
    conv_b = jax.random.uniform(k5, (1,), minval=-stdv, maxval=stdv, dtype=jnp.float32)
    return {"x": x, "edge_index": edge_index, "edge_weight": edge_weight, "conv_w": conv_w, "conv_b": conv_b}

def reference(x, edge_index, edge_weight, conv_w, conv_b):
    # CoGGNN.forward: for each layer, gnn_cell(x, graph_in)
    layers = 1
    dst = edge_index[0]
    src = edge_index[1]
    h = x
    for _ in range(layers):
        # torch.sparse.mm(graph_in, x): gather src features, weight, scatter-add to dst
        msgs = edge_weight[:, None] * h[src]
        neighbor_feature = jax.ops.segment_sum(msgs, dst, num_segments=h.shape[0])
        # agg = stack((neighbor, x), dim=2) -> [N, D, 2]; unsqueeze -> [N, 1, D, 2]
        # Conv2d(1,1,(1,2)) over last dim of size 2 collapses to a weighted sum + bias
        h = neighbor_feature * conv_w[0, 0, 0, 0] + h * conv_w[0, 0, 0, 1] + conv_b[0]
        # feat_drop has p=0 -> identity
    return h

if __name__ == "__main__":
    import jax
    _d = setup_inputs()
    print(jax.jit(kernel)(*tuple(_d.values())))

</pallas_src>

<mosaic_0001>
#map = affine_map<(d0, d1) -> (0, 0)>
#map1 = affine_map<(d0, d1) -> (0, 0, 0)>
module attributes {stable_mosaic.version = 14 : i64} {
  func.func @k(%arg0: i32, %arg1: i32, %arg2: memref<10000x128xbf16, #tpu.memory_space<hbm>>, %arg3: memref<32x125x80xi32, #tpu.memory_space<hbm>>, %arg4: memref<32x125x80xi32, #tpu.memory_space<hbm>>, %arg5: memref<32x125x80xf32, #tpu.memory_space<hbm>>, %arg6: memref<2x10000x128xbf16, #tpu.memory_space<hbm>>, %arg7: memref<125x80xi32, #tpu.memory_space<vmem>>, %arg8: memref<125x80xi32, #tpu.memory_space<vmem>>, %arg9: memref<125x80xf32, #tpu.memory_space<vmem>>, %arg10: memref<80x128xbf16, #tpu.memory_space<vmem>>, %arg11: memref<80x128xbf16, #tpu.memory_space<vmem>>, %arg12: memref<80x128xbf16, #tpu.memory_space<vmem>>, %arg13: memref<80x128xbf16, #tpu.memory_space<vmem>>, %arg14: memref<80x128xbf16, #tpu.memory_space<vmem>>, %arg15: memref<80x128xbf16, #tpu.memory_space<vmem>>, %arg16: memref<80x128xbf16, #tpu.memory_space<vmem>>, %arg17: memref<80x128xbf16, #tpu.memory_space<vmem>>, %arg18: memref<80x128xbf16, #tpu.memory_space<vmem>>, %arg19: memref<80x128xbf16, #tpu.memory_space<vmem>>, %arg20: memref<10000x128xbf16, #tpu.memory_space<vmem_shared>>, %arg21: memref<!tpu.dma_semaphore, #tpu.memory_space<semaphore_mem>>, %arg22: memref<!tpu.dma_semaphore, #tpu.memory_space<semaphore_mem>>, %arg23: memref<!tpu.dma_semaphore, #tpu.memory_space<semaphore_mem>>, %arg24: memref<!tpu.dma_semaphore, #tpu.memory_space<semaphore_mem>>, %arg25: memref<!tpu.dma_semaphore, #tpu.memory_space<semaphore_mem>>, %arg26: memref<!tpu.dma_semaphore, #tpu.memory_space<semaphore_mem>>, %arg27: memref<!tpu.dma_semaphore, #tpu.memory_space<semaphore_mem>>, %arg28: memref<!tpu.dma_semaphore, #tpu.memory_space<semaphore_mem>>, %arg29: memref<!tpu.dma_semaphore, #tpu.memory_space<semaphore_mem>>, %arg30: memref<!tpu.dma_semaphore, #tpu.memory_space<semaphore_mem>>) attributes {dimension_semantics = [#tpu.dimension_semantics<core_parallel>, #tpu.dimension_semantics<subcore_parallel>], iteration_bounds = array<i64: 2, 16>, scalar_prefetch = 0 : i64, scratch_operands = 24 : i64, tpu.core_type = #tpu.core_type<sc_vector_subcore>, window_params = [{transform_indices = #map}, {transform_indices = #map1}, {transform_indices = #map1}, {transform_indices = #map1}, {transform_indices = #map1}]} {
    %mul3A = arith.constant 2 : i32
    %mul3A_0 = arith.muli %arg1, %mul3A : i32
    %add3A = arith.addi %mul3A_0, %arg0 : i32
    "tpu.region"() ({
      %run_scoped3A = tpu.sem_alloc : memref<!tpu.dma_semaphore, #tpu.memory_space<semaphore_mem>>
      %dma_start3A_235 = arith.constant 0 : i32
      %dma_start3A_236 = arith.constant 0 : i32
      %dma_start3A_237 = tpu.memref_slice %arg3[%add3A, %dma_start3A_235, %dma_start3A_236] : memref<32x125x80xi32, #tpu.memory_space<hbm>> -> memref<1x125x80xi32, #tpu.memory_space<hbm>>
      %dma_start3A_238 = tpu.memref_squeeze %dma_start3A_237 : memref<1x125x80xi32, #tpu.memory_space<hbm>> -> memref<125x80xi32, #tpu.memory_space<hbm>>
      %dma_start3A_239 = arith.constant 0 : i32
      %dma_start3A_240 = arith.constant 0 : i32
      %dma_start3A_241 = tpu.memref_slice %arg3[%add3A, %dma_start3A_239, %dma_start3A_240] : memref<32x125x80xi32, #tpu.memory_space<hbm>> -> memref<1x125x80xi32, #tpu.memory_space<hbm>>
      %dma_start3A_242 = tpu.memref_squeeze %dma_start3A_241 : memref<1x125x80xi32, #tpu.memory_space<hbm>> -> memref<125x80xi32, #tpu.memory_space<hbm>>
      tpu.enqueue_dma source(%dma_start3A_242 : memref<125x80xi32, #tpu.memory_space<hbm>>) target(%arg7 : memref<125x80xi32, #tpu.memory_space<vmem>>) target_semaphore(%run_scoped3A : memref<!tpu.dma_semaphore, #tpu.memory_space<semaphore_mem>>)
      %dma_wait3A_243 = arith.constant 0 : i32
      %dma_wait3A_244 = arith.constant 0 : i32
      %dma_wait3A_245 = tpu.memref_slice %arg3[%add3A, %dma_wait3A_243, %dma_wait3A_244] : memref<32x125x80xi32, #tpu.memory_space<hbm>> -> memref<1x125x80xi32, #tpu.memory_space<hbm>>
      %dma_wait3A_246 = tpu.memref_squeeze %dma_wait3A_245 : memref<1x125x80xi32, #tpu.memory_space<hbm>> -> memref<125x80xi32, #tpu.memory_space<hbm>>
      %dma_wait3A_247 = arith.constant 0 : i32
      %dma_wait3A_248 = arith.constant 0 : i32
      %dma_wait3A_249 = tpu.memref_slice %arg3[%add3A, %dma_wait3A_247, %dma_wait3A_248] : memref<32x125x80xi32, #tpu.memory_space<hbm>> -> memref<1x125x80xi32, #tpu.memory_space<hbm>>
      %dma_wait3A_250 = tpu.memref_squeeze %dma_wait3A_249 : memref<1x125x80xi32, #tpu.memory_space<hbm>> -> memref<125x80xi32, #tpu.memory_space<hbm>>
      tpu.wait_dma2 semaphore(%run_scoped3A : memref<!tpu.dma_semaphore, #tpu.memory_space<semaphore_mem>>) src(%dma_wait3A_250 : memref<125x80xi32, #tpu.memory_space<hbm>>) dst(%arg7 : memref<125x80xi32, #tpu.memory_space<vmem>>)
      tpu.yield
    }) : () -> ()
    "tpu.region"() ({
      %run_scoped3A = tpu.sem_alloc : memref<!tpu.dma_semaphore, #tpu.memory_space<semaphore_mem>>
      %dma_start3A_235 = arith.constant 0 : i32
      %dma_start3A_236 = arith.constant 0 : i32
      %dma_start3A_237 = tpu.memref_slice %arg4[%add3A, %dma_start3A_235, %dma_start3A_236] : memref<32x125x80xi32, #tpu.memory_space<hbm>> -> memref<1x125x80xi32, #tpu.memory_space<hbm>>
      %dma_start3A_238 = tpu.memref_squeeze %dma_start3A_237 : memref<1x125x80xi32, #tpu.memory_space<hbm>> -> memref<125x80xi32, #tpu.memory_space<hbm>>
      %dma_start3A_239 = arith.constant 0 : i32
      %dma_start3A_240 = arith.constant 0 : i32
      %dma_start3A_241 = tpu.memref_slice %arg4[%add3A, %dma_start3A_239, %dma_start3A_240] : memref<32x125x80xi32, #tpu.memory_space<hbm>> -> memref<1x125x80xi32, #tpu.memory_space<hbm>>
      %dma_start3A_242 = tpu.memref_squeeze %dma_start3A_241 : memref<1x125x80xi32, #tpu.memory_space<hbm>> -> memref<125x80xi32, #tpu.memory_space<hbm>>
      tpu.enqueue_dma source(%dma_start3A_242 : memref<125x80xi32, #tpu.memory_space<hbm>>) target(%arg8 : memref<125x80xi32, #tpu.memory_space<vmem>>) target_semaphore(%run_scoped3A : memref<!tpu.dma_semaphore, #tpu.memory_space<semaphore_mem>>)
      %dma_wait3A_243 = arith.constant 0 : i32
      %dma_wait3A_244 = arith.constant 0 : i32
      %dma_wait3A_245 = tpu.memref_slice %arg4[%add3A, %dma_wait3A_243, %dma_wait3A_244] : memref<32x125x80xi32, #tpu.memory_space<hbm>> -> memref<1x125x80xi32, #tpu.memory_space<hbm>>
      %dma_wait3A_246 = tpu.memref_squeeze %dma_wait3A_245 : memref<1x125x80xi32, #tpu.memory_space<hbm>> -> memref<125x80xi32, #tpu.memory_space<hbm>>
      %dma_wait3A_247 = arith.constant 0 : i32
      %dma_wait3A_248 = arith.constant 0 : i32
      %dma_wait3A_249 = tpu.memref_slice %arg4[%add3A, %dma_wait3A_247, %dma_wait3A_248] : memref<32x125x80xi32, #tpu.memory_space<hbm>> -> memref<1x125x80xi32, #tpu.memory_space<hbm>>
      %dma_wait3A_250 = tpu.memref_squeeze %dma_wait3A_249 : memref<1x125x80xi32, #tpu.memory_space<hbm>> -> memref<125x80xi32, #tpu.memory_space<hbm>>
      tpu.wait_dma2 semaphore(%run_scoped3A : memref<!tpu.dma_semaphore, #tpu.memory_space<semaphore_mem>>) src(%dma_wait3A_250 : memref<125x80xi32, #tpu.memory_space<hbm>>) dst(%arg8 : memref<125x80xi32, #tpu.memory_space<vmem>>)
      tpu.yield
    }) : () -> ()
    "tpu.region"() ({
      %run_scoped3A = tpu.sem_alloc : memref<!tpu.dma_semaphore, #tpu.memory_space<semaphore_mem>>
      %dma_start3A_235 = arith.constant 0 : i32
      %dma_start3A_236 = arith.constant 0 : i32
      %dma_start3A_237 = tpu.memref_slice %arg5[%add3A, %dma_start3A_235, %dma_start3A_236] : memref<32x125x80xf32, #tpu.memory_space<hbm>> -> memref<1x125x80xf32, #tpu.memory_space<hbm>>
      %dma_start3A_238 = tpu.memref_squeeze %dma_start3A_237 : memref<1x125x80xf32, #tpu.memory_space<hbm>> -> memref<125x80xf32, #tpu.memory_space<hbm>>
      %dma_start3A_239 = arith.constant 0 : i32
      %dma_start3A_240 = arith.constant 0 : i32
      %dma_start3A_241 = tpu.memref_slice %arg5[%add3A, %dma_start3A_239, %dma_start3A_240] : memref<32x125x80xf32, #tpu.memory_space<hbm>> -> memref<1x125x80xf32, #tpu.memory_space<hbm>>
      %dma_start3A_242 = tpu.memref_squeeze %dma_start3A_241 : memref<1x125x80xf32, #tpu.memory_space<hbm>> -> memref<125x80xf32, #tpu.memory_space<hbm>>
      tpu.enqueue_dma source(%dma_start3A_242 : memref<125x80xf32, #tpu.memory_space<hbm>>) target(%arg9 : memref<125x80xf32, #tpu.memory_space<vmem>>) target_semaphore(%run_scoped3A : memref<!tpu.dma_semaphore, #tpu.memory_space<semaphore_mem>>)
      %dma_wait3A_243 = arith.constant 0 : i32
      %dma_wait3A_244 = arith.constant 0 : i32
      %dma_wait3A_245 = tpu.memref_slice %arg5[%add3A, %dma_wait3A_243, %dma_wait3A_244] : memref<32x125x80xf32, #tpu.memory_space<hbm>> -> memref<1x125x80xf32, #tpu.memory_space<hbm>>
      %dma_wait3A_246 = tpu.memref_squeeze %dma_wait3A_245 : memref<1x125x80xf32, #tpu.memory_space<hbm>> -> memref<125x80xf32, #tpu.memory_space<hbm>>
      %dma_wait3A_247 = arith.constant 0 : i32
      %dma_wait3A_248 = arith.constant 0 : i32
      %dma_wait3A_249 = tpu.memref_slice %arg5[%add3A, %dma_wait3A_247, %dma_wait3A_248] : memref<32x125x80xf32, #tpu.memory_space<hbm>> -> memref<1x125x80xf32, #tpu.memory_space<hbm>>
      %dma_wait3A_250 = tpu.memref_squeeze %dma_wait3A_249 : memref<1x125x80xf32, #tpu.memory_space<hbm>> -> memref<125x80xf32, #tpu.memory_space<hbm>>
      tpu.wait_dma2 semaphore(%run_scoped3A : memref<!tpu.dma_semaphore, #tpu.memory_space<semaphore_mem>>) src(%dma_wait3A_250 : memref<125x80xf32, #tpu.memory_space<hbm>>) dst(%arg9 : memref<125x80xf32, #tpu.memory_space<vmem>>)
      tpu.yield
    }) : () -> ()
    %broadcast_in_dim3A = arith.constant 0.000000e+00 : bf16
    %broadcast_in_dim3A_1 = vector.broadcast %broadcast_in_dim3A : bf16 to vector<32xbf16>
    %scan3A = arith.constant 0 : i32
    %scan3A_2 = arith.constant 0 : i32
    %scan3A_3 = arith.constant 80 : i32
    %scan3A_4 = arith.addi %scan3A_2, %scan3A_3 : i32
    %scan3A_5 = arith.constant 1 : i32
    scf.for %scan3A_235 = %scan3A_2 to %scan3A_4 step %scan3A_5  : i32 {
      %swap3A = arith.index_cast %scan3A_235 : i32 to index
      %swap3A_236 = arith.constant 0 : index
      %swap3A_237 = tpu.vector_load %arg15[%swap3A, %swap3A_236] {strides = array<i32>} : memref<80x128xbf16, #tpu.memory_space<vmem>>, vector<32xbf16>,
      tpu.vector_store %arg15[%swap3A, %swap3A_236], %broadcast_in_dim3A_1 {strides = array<i32>} : memref<80x128xbf16, #tpu.memory_space<vmem>>, vector<32xbf16>,
      %swap3A_238 = arith.index_cast %scan3A_235 : i32 to index
      %swap3A_239 = arith.constant 32 : index
      %swap3A_240 = tpu.vector_load %arg15[%swap3A_238, %swap3A_239] {strides = array<i32>} : memref<80x128xbf16, #tpu.memory_space<vmem>>, vector<32xbf16>,
      tpu.vector_store %arg15[%swap3A_238, %swap3A_239], %broadcast_in_dim3A_1 {strides = array<i32>} : memref<80x128xbf16, #tpu.memory_space<vmem>>, vector<32xbf16>,
      %swap3A_241 = arith.index_cast %scan3A_235 : i32 to index
      %swap3A_242 = arith.constant 64 : index
      %swap3A_243 = tpu.vector_load %arg15[%swap3A_241, %swap3A_242] {strides = array<i32>} : memref<80x128xbf16, #tpu.memory_space<vmem>>, vector<32xbf16>,
      tpu.vector_store %arg15[%swap3A_241, %swap3A_242], %broadcast_in_dim3A_1 {strides = array<i32>} : memref<80x128xbf16, #tpu.memory_space<vmem>>, vector<32xbf16>,
      %swap3A_244 = arith.index_cast %scan3A_235 : i32 to index
      %swap3A_245 = arith.constant 96 : index
      %swap3A_246 = tpu.vector_load %arg15[%swap3A_244, %swap3A_245] {strides = array<i32>} : memref<80x128xbf16, #tpu.memory_space<vmem>>, vector<32xbf16>,
      tpu.vector_store %arg15[%swap3A_244, %swap3A_245], %broadcast_in_dim3A_1 {strides = array<i32>} : memref<80x128xbf16, #tpu.memory_space<vmem>>, vector<32xbf16>,
    }
    %scan3A_6 = arith.constant 80 : i32
    %mul3A_7 = arith.constant 625 : i32
    %mul3A_8 = arith.muli %arg1, %mul3A_7 : i32
    %add3A_9 = arith.constant 0 : i32
    %add3A_10 = arith.addi %mul3A_8, %add3A_9 : i32
    "tpu.region"() ({
      %run_scoped3A = tpu.sem_alloc : memref<!tpu.dma_semaphore, #tpu.memory_space<semaphore_mem>>
      %dma_start3A_235 = arith.constant 0 : i32
      %dma_start3A_236 = tpu.memref_slice %arg20[%add3A_10, %dma_start3A_235] : memref<10000x128xbf16, #tpu.memory_space<vmem_shared>> -> memref<80x128xbf16, #tpu.memory_space<vmem_shared>>
      %dma_start3A_237 = arith.constant 0 : i32
      %dma_start3A_238 = tpu.memref_slice %arg20[%add3A_10, %dma_start3A_237] : memref<10000x128xbf16, #tpu.memory_space<vmem_shared>> -> memref<80x128xbf16, #tpu.memory_space<vmem_shared>>
      tpu.enqueue_dma source(%arg15 : memref<80x128xbf16, #tpu.memory_space<vmem>>) target(%dma_start3A_238 : memref<80x128xbf16, #tpu.memory_space<vmem_shared>>) target_semaphore(%run_scoped3A : memref<!tpu.dma_semaphore, #tpu.memory_space<semaphore_mem>>)
      %dma_wait3A_239 = arith.constant 0 : i32
      %dma_wait3A_240 = tpu.memref_slice %arg20[%add3A_10, %dma_wait3A_239] : memref<10000x128xbf16, #tpu.memory_space<vmem_shared>> -> memref<80x128xbf16, #tpu.memory_space<vmem_shared>>
      %dma_wait3A_241 = arith.constant 0 : i32
      %dma_wait3A_242 = tpu.memref_slice %arg20[%add3A_10, %dma_wait3A_241] : memref<10000x128xbf16, #tpu.memory_space<vmem_shared>> -> memref<80x128xbf16, #tpu.memory_space<vmem_shared>>
      tpu.wait_dma2 semaphore(%run_scoped3A : memref<!tpu.dma_semaphore, #tpu.memory_space<semaphore_mem>>) src(%arg15 : memref<80x128xbf16, #tpu.memory_space<vmem>>) dst(%dma_wait3A_242 : memref<80x128xbf16, #tpu.memory_space<vmem_shared>>)
      tpu.yield
    }) : () -> ()
    %mul3A_11 = arith.constant 625 : i32
    %mul3A_12 = arith.muli %arg1, %mul3A_11 : i32
    %add3A_13 = arith.constant 80 : i32
    %add3A_14 = arith.addi %mul3A_12, %add3A_13 : i32
    "tpu.region"() ({
      %run_scoped3A = tpu.sem_alloc : memref<!tpu.dma_semaphore, #tpu.memory_space<semaphore_mem>>
      %dma_start3A_235 = arith.constant 0 : i32
      %dma_start3A_236 = tpu.memref_slice %arg20[%add3A_14, %dma_start3A_235] : memref<10000x128xbf16, #tpu.memory_space<vmem_shared>> -> memref<80x128xbf16, #tpu.memory_space<vmem_shared>>
      %dma_start3A_237 = arith.constant 0 : i32
      %dma_start3A_238 = tpu.memref_slice %arg20[%add3A_14, %dma_start3A_237] : memref<10000x128xbf16, #tpu.memory_space<vmem_shared>> -> memref<80x128xbf16, #tpu.memory_space<vmem_shared>>
      tpu.enqueue_dma source(%arg15 : memref<80x128xbf16, #tpu.memory_space<vmem>>) target(%dma_start3A_238 : memref<80x128xbf16, #tpu.memory_space<vmem_shared>>) target_semaphore(%run_scoped3A : memref<!tpu.dma_semaphore, #tpu.memory_space<semaphore_mem>>)
      %dma_wait3A_239 = arith.constant 0 : i32
      %dma_wait3A_240 = tpu.memref_slice %arg20[%add3A_14, %dma_wait3A_239] : memref<10000x128xbf16, #tpu.memory_space<vmem_shared>> -> memref<80x128xbf16, #tpu.memory_space<vmem_shared>>
      %dma_wait3A_241 = arith.constant 0 : i32
      %dma_wait3A_242 = tpu.memref_slice %arg20[%add3A_14, %dma_wait3A_241] : memref<10000x128xbf16, #tpu.memory_space<vmem_shared>> -> memref<80x128xbf16, #tpu.memory_space<vmem_shared>>
      tpu.wait_dma2 semaphore(%run_scoped3A : memref<!tpu.dma_semaphore, #tpu.memory_space<semaphore_mem>>) src(%arg15 : memref<80x128xbf16, #tpu.memory_space<vmem>>) dst(%dma_wait3A_242 : memref<80x128xbf16, #tpu.memory_space<vmem_shared>>)
      tpu.yield
    }) : () -> ()
    %mul3A_15 = arith.constant 625 : i32
    %mul3A_16 = arith.muli %arg1, %mul3A_15 : i32
    %add3A_17 = arith.constant 160 : i32
    %add3A_18 = arith.addi %mul3A_16, %add3A_17 : i32
    "tpu.region"() ({
      %run_scoped3A = tpu.sem_alloc : memref<!tpu.dma_semaphore, #tpu.memory_space<semaphore_mem>>
      %dma_start3A_235 = arith.constant 0 : i32
      %dma_start3A_236 = tpu.memref_slice %arg20[%add3A_18, %dma_start3A_235] : memref<10000x128xbf16, #tpu.memory_space<vmem_shared>> -> memref<80x128xbf16, #tpu.memory_space<vmem_shared>>
      %dma_start3A_237 = arith.constant 0 : i32
      %dma_start3A_238 = tpu.memref_slice %arg20[%add3A_18, %dma_start3A_237] : memref<10000x128xbf16, #tpu.memory_space<vmem_shared>> -> memref<80x128xbf16, #tpu.memory_space<vmem_shared>>
      tpu.enqueue_dma source(%arg15 : memref<80x128xbf16, #tpu.memory_space<vmem>>) target(%dma_start3A_238 : memref<80x128xbf16, #tpu.memory_space<vmem_shared>>) target_semaphore(%run_scoped3A : memref<!tpu.dma_semaphore, #tpu.memory_space<semaphore_mem>>)
      %dma_wait3A_239 = arith.constant 0 : i32
      %dma_wait3A_240 = tpu.memref_slice %arg20[%add3A_18, %dma_wait3A_239] : memref<10000x128xbf16, #tpu.memory_space<vmem_shared>> -> memref<80x128xbf16, #tpu.memory_space<vmem_shared>>
      %dma_wait3A_241 = arith.constant 0 : i32
      %dma_wait3A_242 = tpu.memref_slice %arg20[%add3A_18, %dma_wait3A_241] : memref<10000x128xbf16, #tpu.memory_space<vmem_shared>> -> memref<80x128xbf16, #tpu.memory_space<vmem_shared>>
      tpu.wait_dma2 semaphore(%run_scoped3A : memref<!tpu.dma_semaphore, #tpu.memory_space<semaphore_mem>>) src(%arg15 : memref<80x128xbf16, #tpu.memory_space<vmem>>) dst(%dma_wait3A_242 : memref<80x128xbf16, #tpu.memory_space<vmem_shared>>)
      tpu.yield
    }) : () -> ()
    %mul3A_19 = arith.constant 625 : i32
    %mul3A_20 = arith.muli %arg1, %mul3A_19 : i32
    %add3A_21 = arith.constant 240 : i32
    %add3A_22 = arith.addi %mul3A_20, %add3A_21 : i32
    "tpu.region"() ({
      %run_scoped3A = tpu.sem_alloc : memref<!tpu.dma_semaphore, #tpu.memory_space<semaphore_mem>>
      %dma_start3A_235 = arith.constant 0 : i32
      %dma_start3A_236 = tpu.memref_slice %arg20[%add3A_22, %dma_start3A_235] : memref<10000x128xbf16, #tpu.memory_space<vmem_shared>> -> memref<80x128xbf16, #tpu.memory_space<vmem_shared>>
      %dma_start3A_237 = arith.constant 0 : i32
      %dma_start3A_238 = tpu.memref_slice %arg20[%add3A_22, %dma_start3A_237] : memref<10000x128xbf16, #tpu.memory_space<vmem_shared>> -> memref<80x128xbf16, #tpu.memory_space<vmem_shared>>
      tpu.enqueue_dma source(%arg15 : memref<80x128xbf16, #tpu.memory_space<vmem>>) target(%dma_start3A_238 : memref<80x128xbf16, #tpu.memory_space<vmem_shared>>) target_semaphore(%run_scoped3A : memref<!tpu.dma_semaphore, #tpu.memory_space<semaphore_mem>>)
      %dma_wait3A_239 = arith.constant 0 : i32
      %dma_wait3A_240 = tpu.memref_slice %arg20[%add3A_22, %dma_wait3A_239] : memref<10000x128xbf16, #tpu.memory_space<vmem_shared>> -> memref<80x128xbf16, #tpu.memory_space<vmem_shared>>
      %dma_wait3A_241 = arith.constant 0 : i32
      %dma_wait3A_242 = tpu.memref_slice %arg20[%add3A_22, %dma_wait3A_241] : memref<10000x128xbf16, #tpu.memory_space<vmem_shared>> -> memref<80x128xbf16, #tpu.memory_space<vmem_shared>>
      tpu.wait_dma2 semaphore(%run_scoped3A : memref<!tpu.dma_semaphore, #tpu.memory_space<semaphore_mem>>) src(%arg15 : memref<80x128xbf16, #tpu.memory_space<vmem>>) dst(%dma_wait3A_242 : memref<80x128xbf16, #tpu.memory_space<vmem_shared>>)
      tpu.yield
    }) : () -> ()
    %mul3A_23 = arith.constant 625 : i32
    %mul3A_24 = arith.muli %arg1, %mul3A_23 : i32
    %add3A_25 = arith.constant 320 : i32
    %add3A_26 = arith.addi %mul3A_24, %add3A_25 : i32
    "tpu.region"() ({
      %run_scoped3A = tpu.sem_alloc : memref<!tpu.dma_semaphore, #tpu.memory_space<semaphore_mem>>
      %dma_start3A_235 = arith.constant 0 : i32
      %dma_start3A_236 = tpu.memref_slice %arg20[%add3A_26, %dma_start3A_235] : memref<10000x128xbf16, #tpu.memory_space<vmem_shared>> -> memref<80x128xbf16, #tpu.memory_space<vmem_shared>>
      %dma_start3A_237 = arith.constant 0 : i32
      %dma_start3A_238 = tpu.memref_slice %arg20[%add3A_26, %dma_start3A_237] : memref<10000x128xbf16, #tpu.memory_space<vmem_shared>> -> memref<80x128xbf16, #tpu.memory_space<vmem_shared>>
      tpu.enqueue_dma source(%arg15 : memref<80x128xbf16, #tpu.memory_space<vmem>>) target(%dma_start3A_238 : memref<80x128xbf16, #tpu.memory_space<vmem_shared>>) target_semaphore(%run_scoped3A : memref<!tpu.dma_semaphore, #tpu.memory_space<semaphore_mem>>)
      %dma_wait3A_239 = arith.constant 0 : i32
      %dma_wait3A_240 = tpu.memref_slice %arg20[%add3A_26, %dma_wait3A_239] : memref<10000x128xbf16, #tpu.memory_space<vmem_shared>> -> memref<80x128xbf16, #tpu.memory_space<vmem_shared>>
      %dma_wait3A_241 = arith.constant 0 : i32
      %dma_wait3A_242 = tpu.memref_slice %arg20[%add3A_26, %dma_wait3A_241] : memref<10000x128xbf16, #tpu.memory_space<vmem_shared>> -> memref<80x128xbf16, #tpu.memory_space<vmem_shared>>
      tpu.wait_dma2 semaphore(%run_scoped3A : memref<!tpu.dma_semaphore, #tpu.memory_space<semaphore_mem>>) src(%arg15 : memref<80x128xbf16, #tpu.memory_space<vmem>>) dst(%dma_wait3A_242 : memref<80x128xbf16, #tpu.memory_space<vmem_shared>>)
      tpu.yield
    }) : () -> ()
    %mul3A_27 = arith.constant 625 : i32
    %mul3A_28 = arith.muli %arg1, %mul3A_27 : i32
    %add3A_29 = arith.constant 400 : i32
    %add3A_30 = arith.addi %mul3A_28, %add3A_29 : i32
    "tpu.region"() ({
      %run_scoped3A = tpu.sem_alloc : memref<!tpu.dma_semaphore, #tpu.memory_space<semaphore_mem>>
      %dma_start3A_235 = arith.constant 0 : i32
      %dma_start3A_236 = tpu.memref_slice %arg20[%add3A_30, %dma_start3A_235] : memref<10000x128xbf16, #tpu.memory_space<vmem_shared>> -> memref<80x128xbf16, #tpu.memory_space<vmem_shared>>
      %dma_start3A_237 = arith.constant 0 : i32
      %dma_start3A_238 = tpu.memref_slice %arg20[%add3A_30, %dma_start3A_237] : memref<10000x128xbf16, #tpu.memory_space<vmem_shared>> -> memref<80x128xbf16, #tpu.memory_space<vmem_shared>>
      tpu.enqueue_dma source(%arg15 : memref<80x128xbf16, #tpu.memory_space<vmem>>) target(%dma_start3A_238 : memref<80x128xbf16, #tpu.memory_space<vmem_shared>>) target_semaphore(%run_scoped3A : memref<!tpu.dma_semaphore, #tpu.memory_space<semaphore_mem>>)
      %dma_wait3A_239 = arith.constant 0 : i32
      %dma_wait3A_240 = tpu.memref_slice %arg20[%add3A_30, %dma_wait3A_239] : memref<10000x128xbf16, #tpu.memory_space<vmem_shared>> -> memref<80x128xbf16, #tpu.memory_space<vmem_shared>>
      %dma_wait3A_241 = arith.constant 0 : i32
      %dma_wait3A_242 = tpu.memref_slice %arg20[%add3A_30, %dma_wait3A_241] : memref<10000x128xbf16, #tpu.memory_space<vmem_shared>> -> memref<80x128xbf16, #tpu.memory_space<vmem_shared>>
      tpu.wait_dma2 semaphore(%run_scoped3A : memref<!tpu.dma_semaphore, #tpu.memory_space<semaphore_mem>>) src(%arg15 : memref<80x128xbf16, #tpu.memory_space<vmem>>) dst(%dma_wait3A_242 : memref<80x128xbf16, #tpu.memory_space<vmem_shared>>)
      tpu.yield
    }) : () -> ()
    %mul3A_31 = arith.constant 625 : i32
    %mul3A_32 = arith.muli %arg1, %mul3A_31 : i32
    %add3A_33 = arith.constant 480 : i32
    %add3A_34 = arith.addi %mul3A_32, %add3A_33 : i32
    "tpu.region"() ({
      %run_scoped3A = tpu.sem_alloc : memref<!tpu.dma_semaphore, #tpu.memory_space<semaphore_mem>>
      %dma_start3A_235 = arith.constant 0 : i32
      %dma_start3A_236 = tpu.memref_slice %arg20[%add3A_34, %dma_start3A_235] : memref<10000x128xbf16, #tpu.memory_space<vmem_shared>> -> memref<80x128xbf16, #tpu.memory_space<vmem_shared>>
      %dma_start3A_237 = arith.constant 0 : i32
      %dma_start3A_238 = tpu.memref_slice %arg20[%add3A_34, %dma_start3A_237] : memref<10000x128xbf16, #tpu.memory_space<vmem_shared>> -> memref<80x128xbf16, #tpu.memory_space<vmem_shared>>
      tpu.enqueue_dma source(%arg15 : memref<80x128xbf16, #tpu.memory_space<vmem>>) target(%dma_start3A_238 : memref<80x128xbf16, #tpu.memory_space<vmem_shared>>) target_semaphore(%run_scoped3A : memref<!tpu.dma_semaphore, #tpu.memory_space<semaphore_mem>>)
      %dma_wait3A_239 = arith.constant 0 : i32
      %dma_wait3A_240 = tpu.memref_slice %arg20[%add3A_34, %dma_wait3A_239] : memref<10000x128xbf16, #tpu.memory_space<vmem_shared>> -> memref<80x128xbf16, #tpu.memory_space<vmem_shared>>
      %dma_wait3A_241 = arith.constant 0 : i32
      %dma_wait3A_242 = tpu.memref_slice %arg20[%add3A_34, %dma_wait3A_241] : memref<10000x128xbf16, #tpu.memory_space<vmem_shared>> -> memref<80x128xbf16, #tpu.memory_space<vmem_shared>>
      tpu.wait_dma2 semaphore(%run_scoped3A : memref<!tpu.dma_semaphore, #tpu.memory_space<semaphore_mem>>) src(%arg15 : memref<80x128xbf16, #tpu.memory_space<vmem>>) dst(%dma_wait3A_242 : memref<80x128xbf16, #tpu.memory_space<vmem_shared>>)
      tpu.yield
    }) : () -> ()
    %mul3A_35 = arith.constant 625 : i32
    %mul3A_36 = arith.muli %arg1, %mul3A_35 : i32
    %add3A_37 = arith.constant 560 : i32
    %add3A_38 = arith.addi %mul3A_36, %add3A_37 : i32
    "tpu.region"() ({
      %run_scoped3A = tpu.sem_alloc : memref<!tpu.dma_semaphore, #tpu.memory_space<semaphore_mem>>
      %dma_start3A_235 = arith.constant 0 : i32
      %dma_start3A_236 = arith.constant 0 : i32
      %dma_start3A_237 = tpu.memref_slice %arg15[%dma_start3A_235, %dma_start3A_236] : memref<80x128xbf16, #tpu.memory_space<vmem>> -> memref<65x128xbf16, #tpu.memory_space<vmem>>
      %dma_start3A_238 = arith.constant 0 : i32
      %dma_start3A_239 = tpu.memref_slice %arg20[%add3A_38, %dma_start3A_238] : memref<10000x128xbf16, #tpu.memory_space<vmem_shared>> -> memref<65x128xbf16, #tpu.memory_space<vmem_shared>>
      %dma_start3A_240 = arith.constant 0 : i32
      %dma_start3A_241 = tpu.memref_slice %arg20[%add3A_38, %dma_start3A_240] : memref<10000x128xbf16, #tpu.memory_space<vmem_shared>> -> memref<65x128xbf16, #tpu.memory_space<vmem_shared>>
      %dma_start3A_242 = arith.constant 0 : i32
      %dma_start3A_243 = arith.constant 0 : i32
      %dma_start3A_244 = tpu.memref_slice %arg15[%dma_start3A_242, %dma_start3A_243] : memref<80x128xbf16, #tpu.memory_space<vmem>> -> memref<65x128xbf16, #tpu.memory_space<vmem>>
      tpu.enqueue_dma source(%dma_start3A_244 : memref<65x128xbf16, #tpu.memory_space<vmem>>) target(%dma_start3A_241 : memref<65x128xbf16, #tpu.memory_space<vmem_shared>>) target_semaphore(%run_scoped3A : memref<!tpu.dma_semaphore, #tpu.memory_space<semaphore_mem>>)
      %dma_wait3A_245 = arith.constant 0 : i32
      %dma_wait3A_246 = arith.constant 0 : i32
      %dma_wait3A_247 = tpu.memref_slice %arg15[%dma_wait3A_245, %dma_wait3A_246] : memref<80x128xbf16, #tpu.memory_space<vmem>> -> memref<65x128xbf16, #tpu.memory_space<vmem>>
      %dma_wait3A_248 = arith.constant 0 : i32
      %dma_wait3A_249 = tpu.memref_slice %arg20[%add3A_38, %dma_wait3A_248] : memref<10000x128xbf16, #tpu.memory_space<vmem_shared>> -> memref<65x128xbf16, #tpu.memory_space<vmem_shared>>
      %dma_wait3A_250 = arith.constant 0 : i32
      %dma_wait3A_251 = tpu.memref_slice %arg20[%add3A_38, %dma_wait3A_250] : memref<10000x128xbf16, #tpu.memory_space<vmem_shared>> -> memref<65x128xbf16, #tpu.memory_space<vmem_shared>>
      %dma_wait3A_252 = arith.constant 0 : i32
      %dma_wait3A_253 = arith.constant 0 : i32
      %dma_wait3A_254 = tpu.memref_slice %arg15[%dma_wait3A_252, %dma_wait3A_253] : memref<80x128xbf16, #tpu.memory_space<vmem>> -> memref<65x128xbf16, #tpu.memory_space<vmem>>
      tpu.wait_dma2 semaphore(%run_scoped3A : memref<!tpu.dma_semaphore, #tpu.memory_space<semaphore_mem>>) src(%dma_wait3A_254 : memref<65x128xbf16, #tpu.memory_space<vmem>>) dst(%dma_wait3A_251 : memref<65x128xbf16, #tpu.memory_space<vmem_shared>>)
      tpu.yield
    }) : () -> ()
    %barrier3A = arith.constant 0 : index
    tpu.barrier barrier_id(%barrier3A)
    %dma_start3A = arith.constant 0 : i32
    %dma_start3A_39 = arith.constant 0 : i32
    %dma_start3A_40 = tpu.memref_slice %arg7[%dma_start3A, %dma_start3A_39] : memref<125x80xi32, #tpu.memory_space<vmem>> -> memref<1x80xi32, #tpu.memory_space<vmem>>
    %dma_start3A_41 = tpu.memref_squeeze %dma_start3A_40 : memref<1x80xi32, #tpu.memory_space<vmem>> -> memref<80xi32, #tpu.memory_space<vmem>>
    %dma_start3A_42 = arith.constant 0 : i32
    %dma_start3A_43 = arith.constant 0 : i32
    %dma_start3A_44 = tpu.memref_slice %arg2[%dma_start3A_42, %dma_start3A_43] : memref<10000x128xbf16, #tpu.memory_space<hbm>> -> memref<10000x128xbf16, #tpu.memory_space<hbm>>
    tpu.enqueue_indirect_dma source(%dma_start3A_44 : memref<10000x128xbf16, #tpu.memory_space<hbm>>) target(%arg10 : memref<80x128xbf16, #tpu.memory_space<vmem>>) offsets(%dma_start3A_41 : memref<80xi32, #tpu.memory_space<vmem>>) semaphore(%arg21 : memref<!tpu.dma_semaphore, #tpu.memory_space<semaphore_mem>>)
    %dma_start3A_45 = arith.constant 1 : i32
    %dma_start3A_46 = arith.constant 0 : i32
    %dma_start3A_47 = tpu.memref_slice %arg7[%dma_start3A_45, %dma_start3A_46] : memref<125x80xi32, #tpu.memory_space<vmem>> -> memref<1x80xi32, #tpu.memory_space<vmem>>
    %dma_start3A_48 = tpu.memref_squeeze %dma_start3A_47 : memref<1x80xi32, #tpu.memory_space<vmem>> -> memref<80xi32, #tpu.memory_space<vmem>>
    %dma_start3A_49 = arith.constant 0 : i32
    %dma_start3A_50 = arith.constant 0 : i32
    %dma_start3A_51 = tpu.memref_slice %arg2[%dma_start3A_49, %dma_start3A_50] : memref<10000x128xbf16, #tpu.memory_space<hbm>> -> memref<10000x128xbf16, #tpu.memory_space<hbm>>
    tpu.enqueue_indirect_dma source(%dma_start3A_51 : memref<10000x128xbf16, #tpu.memory_space<hbm>>) target(%arg11 : memref<80x128xbf16, #tpu.memory_space<vmem>>) offsets(%dma_start3A_48 : memref<80xi32, #tpu.memory_space<vmem>>) semaphore(%arg22 : memref<!tpu.dma_semaphore, #tpu.memory_space<semaphore_mem>>)
    %dma_start3A_52 = arith.constant 2 : i32
    %dma_start3A_53 = arith.constant 0 : i32
    %dma_start3A_54 = tpu.memref_slice %arg7[%dma_start3A_52, %dma_start3A_53] : memref<125x80xi32, #tpu.memory_space<vmem>> -> memref<1x80xi32, #tpu.memory_space<vmem>>
    %dma_start3A_55 = tpu.memref_squeeze %dma_start3A_54 : memref<1x80xi32, #tpu.memory_space<vmem>> -> memref<80xi32, #tpu.memory_space<vmem>>
    %dma_start3A_56 = arith.constant 0 : i32
    %dma_start3A_57 = arith.constant 0 : i32
    %dma_start3A_58 = tpu.memref_slice %arg2[%dma_start3A_56, %dma_start3A_57] : memref<10000x128xbf16, #tpu.memory_space<hbm>> -> memref<10000x128xbf16, #tpu.memory_space<hbm>>
    tpu.enqueue_indirect_dma source(%dma_start3A_58 : memref<10000x128xbf16, #tpu.memory_space<hbm>>) target(%arg12 : memref<80x128xbf16, #tpu.memory_space<vmem>>) offsets(%dma_start3A_55 : memref<80xi32, #tpu.memory_space<vmem>>) semaphore(%arg23 : memref<!tpu.dma_semaphore, #tpu.memory_space<semaphore_mem>>)
    %dma_start3A_59 = arith.constant 3 : i32
    %dma_start3A_60 = arith.constant 0 : i32
    %dma_start3A_61 = tpu.memref_slice %arg7[%dma_start3A_59, %dma_start3A_60] : memref<125x80xi32, #tpu.memory_space<vmem>> -> memref<1x80xi32, #tpu.memory_space<vmem>>
    %dma_start3A_62 = tpu.memref_squeeze %dma_start3A_61 : memref<1x80xi32, #tpu.memory_space<vmem>> -> memref<80xi32, #tpu.memory_space<vmem>>
    %dma_start3A_63 = arith.constant 0 : i32
    %dma_start3A_64 = arith.constant 0 : i32
    %dma_start3A_65 = tpu.memref_slice %arg2[%dma_start3A_63, %dma_start3A_64] : memref<10000x128xbf16, #tpu.memory_space<hbm>> -> memref<10000x128xbf16, #tpu.memory_space<hbm>>
    tpu.enqueue_indirect_dma source(%dma_start3A_65 : memref<10000x128xbf16, #tpu.memory_space<hbm>>) target(%arg13 : memref<80x128xbf16, #tpu.memory_space<vmem>>) offsets(%dma_start3A_62 : memref<80xi32, #tpu.memory_space<vmem>>) semaphore(%arg24 : memref<!tpu.dma_semaphore, #tpu.memory_space<semaphore_mem>>)
    %dma_start3A_66 = arith.constant 4 : i32
    %dma_start3A_67 = arith.constant 0 : i32
    %dma_start3A_68 = tpu.memref_slice %arg7[%dma_start3A_66, %dma_start3A_67] : memref<125x80xi32, #tpu.memory_space<vmem>> -> memref<1x80xi32, #tpu.memory_space<vmem>>
    %dma_start3A_69 = tpu.memref_squeeze %dma_start3A_68 : memref<1x80xi32, #tpu.memory_space<vmem>> -> memref<80xi32, #tpu.memory_space<vmem>>
    %dma_start3A_70 = arith.constant 0 : i32
    %dma_start3A_71 = arith.constant 0 : i32
    %dma_start3A_72 = tpu.memref_slice %arg2[%dma_start3A_70, %dma_start3A_71] : memref<10000x128xbf16, #tpu.memory_space<hbm>> -> memref<10000x128xbf16, #tpu.memory_space<hbm>>
    tpu.enqueue_indirect_dma source(%dma_start3A_72 : memref<10000x128xbf16, #tpu.memory_space<hbm>>) target(%arg14 : memref<80x128xbf16, #tpu.memory_space<vmem>>) offsets(%dma_start3A_69 : memref<80xi32, #tpu.memory_space<vmem>>) semaphore(%arg25 : memref<!tpu.dma_semaphore, #tpu.memory_space<semaphore_mem>>)
    %dma_wait3A = arith.constant 0 : i32
    %dma_wait3A_73 = arith.constant 0 : i32
    %dma_wait3A_74 = tpu.memref_slice %arg7[%dma_wait3A, %dma_wait3A_73] : memref<125x80xi32, #tpu.memory_space<vmem>> -> memref<1x80xi32, #tpu.memory_space<vmem>>
    %dma_wait3A_75 = tpu.memref_squeeze %dma_wait3A_74 : memref<1x80xi32, #tpu.memory_space<vmem>> -> memref<80xi32, #tpu.memory_space<vmem>>
    %dma_wait3A_76 = arith.constant 0 : i32
    %dma_wait3A_77 = arith.constant 0 : i32
    %dma_wait3A_78 = tpu.memref_slice %arg2[%dma_wait3A_76, %dma_wait3A_77] : memref<10000x128xbf16, #tpu.memory_space<hbm>> -> memref<10000x128xbf16, #tpu.memory_space<hbm>>
    tpu.wait_indirect_dma semaphore(%arg21 : memref<!tpu.dma_semaphore, #tpu.memory_space<semaphore_mem>>) src(%dma_wait3A_78 : memref<10000x128xbf16, #tpu.memory_space<hbm>>) dst(%arg10 : memref<80x128xbf16, #tpu.memory_space<vmem>>)
    %parallel_loop3A = arith.constant 0 : i32
    %parallel_loop3A_79 = arith.constant 80 : i32
    %parallel_loop3A_80 = arith.constant 1 : i32
    scf.for %parallel_loop3A_235 = %parallel_loop3A to %parallel_loop3A_79 step %parallel_loop3A_80  : i32 {
      %parallel_loop3A_236 = arith.constant 0 : i32
      %parallel_loop3A_237 = vector.broadcast %parallel_loop3A_236 : i32 to vector<16xi32>
      %parallel_loop3A_238 = vector.broadcast %parallel_loop3A_235 : i32 to vector<16xi32>
      %parallel_loop3A_239 = tpu.vector_load_idx %arg9[%parallel_loop3A_237, %parallel_loop3A_238] : memref<125x80xf32, #tpu.memory_space<vmem>>[vector<16xi32>, vector<16xi32>], vector<16xf32>,
      %parallel_loop3A_240 = tpu.pack_subelements %parallel_loop3A_239, %parallel_loop3A_239 {pack_format = #tpu.pack_format<interleaved>, positions = array<i32: 0, 1>} : vector<16xf32>, vector<16xf32> -> vector<32xbf16>
      %parallel_loop3A_241 = arith.index_cast %parallel_loop3A_235 : i32 to index
      %parallel_loop3A_242 = arith.constant 0 : index
      %parallel_loop3A_243 = tpu.vector_load %arg10[%parallel_loop3A_241, %parallel_loop3A_242] {strides = array<i32>} : memref<80x128xbf16, #tpu.memory_space<vmem>>, vector<32xbf16>,
      %parallel_loop3A_244 = arith.mulf %parallel_loop3A_243, %parallel_loop3A_240 : vector<32xbf16>
      %parallel_loop3A_245 = arith.index_cast %parallel_loop3A_235 : i32 to index
      %parallel_loop3A_246 = arith.constant 0 : index
      %parallel_loop3A_247 = tpu.vector_load %arg15[%parallel_loop3A_245, %parallel_loop3A_246] {strides = array<i32>} : memref<80x128xbf16, #tpu.memory_space<vmem>>, vector<32xbf16>,
      tpu.vector_store %arg15[%parallel_loop3A_245, %parallel_loop3A_246], %parallel_loop3A_244 {strides = array<i32>} : memref<80x128xbf16, #tpu.memory_space<vmem>>, vector<32xbf16>,
      %parallel_loop3A_248 = arith.index_cast %parallel_loop3A_235 : i32 to index
      %parallel_loop3A_249 = arith.constant 32 : index
      %parallel_loop3A_250 = tpu.vector_load %arg10[%parallel_loop3A_248, %parallel_loop3A_249] {strides = array<i32>} : memref<80x128xbf16, #tpu.memory_space<vmem>>, vector<32xbf16>,
      %parallel_loop3A_251 = arith.mulf %parallel_loop3A_250, %parallel_loop3A_240 : vector<32xbf16>
      %parallel_loop3A_252 = arith.index_cast %parallel_loop3A_235 : i32 to index
      %parallel_loop3A_253 = arith.constant 32 : index
      %parallel_loop3A_254 = tpu.vector_load %arg15[%parallel_loop3A_252, %parallel_loop3A_253] {strides = array<i32>} : memref<80x128xbf16, #tpu.memory_space<vmem>>, vector<32xbf16>,
      tpu.vector_store %arg15[%parallel_loop3A_252, %parallel_loop3A_253], %parallel_loop3A_251 {strides = array<i32>} : memref<80x128xbf16, #tpu.memory_space<vmem>>, vector<32xbf16>,
      %parallel_loop3A_255 = arith.index_cast %parallel_loop3A_235 : i32 to index
      %parallel_loop3A_256 = arith.constant 64 : index
      %parallel_loop3A_257 = tpu.vector_load %arg10[%parallel_loop3A_255, %parallel_loop3A_256] {strides = array<i32>} : memref<80x128xbf16, #tpu.memory_space<vmem>>, vector<32xbf16>,
      %parallel_loop3A_258 = arith.mulf %parallel_loop3A_257, %parallel_loop3A_240 : vector<32xbf16>
      %parallel_loop3A_259 = arith.index_cast %parallel_loop3A_235 : i32 to index
      %parallel_loop3A_260 = arith.constant 64 : index
      %parallel_loop3A_261 = tpu.vector_load %arg15[%parallel_loop3A_259, %parallel_loop3A_260] {strides = array<i32>} : memref<80x128xbf16, #tpu.memory_space<vmem>>, vector<32xbf16>,
      tpu.vector_store %arg15[%parallel_loop3A_259, %parallel_loop3A_260], %parallel_loop3A_258 {strides = array<i32>} : memref<80x128xbf16, #tpu.memory_space<vmem>>, vector<32xbf16>,
      %parallel_loop3A_262 = arith.index_cast %parallel_loop3A_235 : i32 to index
      %parallel_loop3A_263 = arith.constant 96 : index
      %parallel_loop3A_264 = tpu.vector_load %arg10[%parallel_loop3A_262, %parallel_loop3A_263] {strides = array<i32>} : memref<80x128xbf16, #tpu.memory_space<vmem>>, vector<32xbf16>,
      %parallel_loop3A_265 = arith.mulf %parallel_loop3A_264, %parallel_loop3A_240 : vector<32xbf16>
      %parallel_loop3A_266 = arith.index_cast %parallel_loop3A_235 : i32 to index
      %parallel_loop3A_267 = arith.constant 96 : index
      %parallel_loop3A_268 = tpu.vector_load %arg15[%parallel_loop3A_266, %parallel_loop3A_267] {strides = array<i32>} : memref<80x128xbf16, #tpu.memory_space<vmem>>, vector<32xbf16>,
      tpu.vector_store %arg15[%parallel_loop3A_266, %parallel_loop3A_267], %parallel_loop3A_265 {strides = array<i32>} : memref<80x128xbf16, #tpu.memory_space<vmem>>, vector<32xbf16>,
    } {sc.loop_unroll_factor = 2 : i64, sc.parallel_access}
    %dma_start3A_81 = arith.constant 0 : i32
    %dma_start3A_82 = arith.constant 0 : i32
    %dma_start3A_83 = tpu.memref_slice %arg8[%dma_start3A_81, %dma_start3A_82] : memref<125x80xi32, #tpu.memory_space<vmem>> -> memref<1x80xi32, #tpu.memory_space<vmem>>
    %dma_start3A_84 = tpu.memref_squeeze %dma_start3A_83 : memref<1x80xi32, #tpu.memory_space<vmem>> -> memref<80xi32, #tpu.memory_space<vmem>>
    %dma_start3A_85 = arith.constant 0 : i32
    %dma_start3A_86 = arith.constant 0 : i32
    %dma_start3A_87 = tpu.memref_slice %arg20[%dma_start3A_85, %dma_start3A_86] : memref<10000x128xbf16, #tpu.memory_space<vmem_shared>> -> memref<10000x128xbf16, #tpu.memory_space<vmem_shared>>
    tpu.enqueue_indirect_dma source(%arg15 : memref<80x128xbf16, #tpu.memory_space<vmem>>) target(%dma_start3A_87 : memref<10000x128xbf16, #tpu.memory_space<vmem_shared>>) offsets(%dma_start3A_84 : memref<80xi32, #tpu.memory_space<vmem>>) semaphore(%arg26 : memref<!tpu.dma_semaphore, #tpu.memory_space<semaphore_mem>>) {add = true}
    %dma_start3A_88 = arith.constant 5 : i32
    %dma_start3A_89 = arith.constant 0 : i32
    %dma_start3A_90 = tpu.memref_slice %arg7[%dma_start3A_88, %dma_start3A_89] : memref<125x80xi32, #tpu.memory_space<vmem>> -> memref<1x80xi32, #tpu.memory_space<vmem>>
    %dma_start3A_91 = tpu.memref_squeeze %dma_start3A_90 : memref<1x80xi32, #tpu.memory_space<vmem>> -> memref<80xi32, #tpu.memory_space<vmem>>
    %dma_start3A_92 = arith.constant 0 : i32
    %dma_start3A_93 = arith.constant 0 : i32
    %dma_start3A_94 = tpu.memref_slice %arg2[%dma_start3A_92, %dma_start3A_93] : memref<10000x128xbf16, #tpu.memory_space<hbm>> -> memref<10000x128xbf16, #tpu.memory_space<hbm>>
    tpu.enqueue_indirect_dma source(%dma_start3A_94 : memref<10000x128xbf16, #tpu.memory_space<hbm>>) target(%arg10 : memref<80x128xbf16, #tpu.memory_space<vmem>>) offsets(%dma_start3A_91 : memref<80xi32, #tpu.memory_space<vmem>>) semaphore(%arg21 : memref<!tpu.dma_semaphore, #tpu.memory_space<semaphore_mem>>)
    %dma_wait3A_95 = arith.constant 0 : i32
    %dma_wait3A_96 = arith.constant 0 : i32
    %dma_wait3A_97 = tpu.memref_slice %arg7[%dma_wait3A_95, %dma_wait3A_96] : memref<125x80xi32, #tpu.memory_space<vmem>> -> memref<1x80xi32, #tpu.memory_space<vmem>>
    %dma_wait3A_98 = tpu.memref_squeeze %dma_wait3A_97 : memref<1x80xi32, #tpu.memory_space<vmem>> -> memref<80xi32, #tpu.memory_space<vmem>>
    %dma_wait3A_99 = arith.constant 0 : i32
    %dma_wait3A_100 = arith.constant 0 : i32
    %dma_wait3A_101 = tpu.memref_slice %arg2[%dma_wait3A_99, %dma_wait3A_100] : memref<10000x128xbf16, #tpu.memory_space<hbm>> -> memref<10000x128xbf16, #tpu.memory_space<hbm>>
    tpu.wait_indirect_dma semaphore(%arg22 : memref<!tpu.dma_semaphore, #tpu.memory_space<semaphore_mem>>) src(%dma_wait3A_101 : memref<10000x128xbf16, #tpu.memory_space<hbm>>) dst(%arg11 : memref<80x128xbf16, #tpu.memory_space<vmem>>)
    %parallel_loop3A_102 = arith.constant 0 : i32
    %parallel_loop3A_103 = arith.constant 80 : i32
    %parallel_loop3A_104 = arith.constant 1 : i32
    scf.for %parallel_loop3A_235 = %parallel_loop3A_102 to %parallel_loop3A_103 step %parallel_loop3A_104  : i32 {
      %parallel_loop3A_236 = arith.constant 1 : i32
      %parallel_loop3A_237 = vector.broadcast %parallel_loop3A_236 : i32 to vector<16xi32>
      %parallel_loop3A_238 = vector.broadcast %parallel_loop3A_235 : i32 to vector<16xi32>
      %parallel_loop3A_239 = tpu.vector_load_idx %arg9[%parallel_loop3A_237, %parallel_loop3A_238] : memref<125x80xf32, #tpu.memory_space<vmem>>[vector<16xi32>, vector<16xi32>], vector<16xf32>,
      %parallel_loop3A_240 = tpu.pack_subelements %parallel_loop3A_239, %parallel_loop3A_239 {pack_format = #tpu.pack_format<interleaved>, positions = array<i32: 0, 1>} : vector<16xf32>, vector<16xf32> -> vector<32xbf16>
      %parallel_loop3A_241 = arith.index_cast %parallel_loop3A_235 : i32 to index
      %parallel_loop3A_242 = arith.constant 0 : index
      %parallel_loop3A_243 = tpu.vector_load %arg11[%parallel_loop3A_241, %parallel_loop3A_242] {strides = array<i32>} : memref<80x128xbf16, #tpu.memory_space<vmem>>, vector<32xbf16>,
      %parallel_loop3A_244 = arith.mulf %parallel_loop3A_243, %parallel_loop3A_240 : vector<32xbf16>
      %parallel_loop3A_245 = arith.index_cast %parallel_loop3A_235 : i32 to index
      %parallel_loop3A_246 = arith.constant 0 : index
      %parallel_loop3A_247 = tpu.vector_load %arg16[%parallel_loop3A_245, %parallel_loop3A_246] {strides = array<i32>} : memref<80x128xbf16, #tpu.memory_space<vmem>>, vector<32xbf16>,
      tpu.vector_store %arg16[%parallel_loop3A_245, %parallel_loop3A_246], %parallel_loop3A_244 {strides = array<i32>} : memref<80x128xbf16, #tpu.memory_space<vmem>>, vector<32xbf16>,
      %parallel_loop3A_248 = arith.index_cast %parallel_loop3A_235 : i32 to index
      %parallel_loop3A_249 = arith.constant 32 : index
      %parallel_loop3A_250 = tpu.vector_load %arg11[%parallel_loop3A_248, %parallel_loop3A_249] {strides = array<i32>} : memref<80x128xbf16, #tpu.memory_space<vmem>>, vector<32xbf16>,
      %parallel_loop3A_251 = arith.mulf %parallel_loop3A_250, %parallel_loop3A_240 : vector<32xbf16>
      %parallel_loop3A_252 = arith.index_cast %parallel_loop3A_235 : i32 to index
      %parallel_loop3A_253 = arith.constant 32 : index
      %parallel_loop3A_254 = tpu.vector_load %arg16[%parallel_loop3A_252, %parallel_loop3A_253] {strides = array<i32>} : memref<80x128xbf16, #tpu.memory_space<vmem>>, vector<32xbf16>,
      tpu.vector_store %arg16[%parallel_loop3A_252, %parallel_loop3A_253], %parallel_loop3A_251 {strides = array<i32>} : memref<80x128xbf16, #tpu.memory_space<vmem>>, vector<32xbf16>,
      %parallel_loop3A_255 = arith.index_cast %parallel_loop3A_235 : i32 to index
      %parallel_loop3A_256 = arith.constant 64 : index
      %parallel_loop3A_257 = tpu.vector_load %arg11[%parallel_loop3A_255, %parallel_loop3A_256] {strides = array<i32>} : memref<80x128xbf16, #tpu.memory_space<vmem>>, vector<32xbf16>,
      %parallel_loop3A_258 = arith.mulf %parallel_loop3A_257, %parallel_loop3A_240 : vector<32xbf16>
      %parallel_loop3A_259 = arith.index_cast %parallel_loop3A_235 : i32 to index
      %parallel_loop3A_260 = arith.constant 64 : index
      %parallel_loop3A_261 = tpu.vector_load %arg16[%parallel_loop3A_259, %parallel_loop3A_260] {strides = array<i32>} : memref<80x128xbf16, #tpu.memory_space<vmem>>, vector<32xbf16>,
      tpu.vector_store %arg16[%parallel_loop3A_259, %parallel_loop3A_260], %parallel_loop3A_258 {strides = array<i32>} : memref<80x128xbf16, #tpu.memory_space<vmem>>, vector<32xbf16>,
      %parallel_loop3A_262 = arith.index_cast %parallel_loop3A_235 : i32 to index
      %parallel_loop3A_263 = arith.constant 96 : index
      %parallel_loop3A_264 = tpu.vector_load %arg11[%parallel_loop3A_262, %parallel_loop3A_263] {strides = array<i32>} : memref<80x128xbf16, #tpu.memory_space<vmem>>, vector<32xbf16>,
      %parallel_loop3A_265 = arith.mulf %parallel_loop3A_264, %parallel_loop3A_240 : vector<32xbf16>
      %parallel_loop3A_266 = arith.index_cast %parallel_loop3A_235 : i32 to index
      %parallel_loop3A_267 = arith.constant 96 : index
      %parallel_loop3A_268 = tpu.vector_load %arg16[%parallel_loop3A_266, %parallel_loop3A_267] {strides = array<i32>} : memref<80x128xbf16, #tpu.memory_space<vmem>>, vector<32xbf16>,
      tpu.vector_store %arg16[%parallel_loop3A_266, %parallel_loop3A_267], %parallel_loop3A_265 {strides = array<i32>} : memref<80x128xbf16, #tpu.memory_space<vmem>>, vector<32xbf16>,
    } {sc.loop_unroll_factor = 2 : i64, sc.parallel_access}
    %dma_start3A_105 = arith.constant 1 : i32
    %dma_start3A_106 = arith.constant 0 : i32
    %dma_start3A_107 = tpu.memref_slice %arg8[%dma_start3A_105, %dma_start3A_106] : memref<125x80xi32, #tpu.memory_space<vmem>> -> memref<1x80xi32, #tpu.memory_space<vmem>>
    %dma_start3A_108 = tpu.memref_squeeze %dma_start3A_107 : memref<1x80xi32, #tpu.memory_space<vmem>> -> memref<80xi32, #tpu.memory_space<vmem>>
    %dma_start3A_109 = arith.constant 0 : i32
    %dma_start3A_110 = arith.constant 0 : i32
    %dma_start3A_111 = tpu.memref_slice %arg20[%dma_start3A_109, %dma_start3A_110] : memref<10000x128xbf16, #tpu.memory_space<vmem_shared>> -> memref<10000x128xbf16, #tpu.memory_space<vmem_shared>>
    tpu.enqueue_indirect_dma source(%arg16 : memref<80x128xbf16, #tpu.memory_space<vmem>>) target(%dma_start3A_111 : memref<10000x128xbf16, #tpu.memory_space<vmem_shared>>) offsets(%dma_start3A_108 : memref<80xi32, #tpu.memory_space<vmem>>) semaphore(%arg27 : memref<!tpu.dma_semaphore, #tpu.memory_space<semaphore_mem>>) {add = true}
    %dma_start3A_112 = arith.constant 6 : i32
    %dma_start3A_113 = arith.constant 0 : i32
    %dma_start3A_114 = tpu.memref_slice %arg7[%dma_start3A_112, %dma_start3A_113] : memref<125x80xi32, #tpu.memory_space<vmem>> -> memref<1x80xi32, #tpu.memory_space<vmem>>
    %dma_start3A_115 = tpu.memref_squeeze %dma_start3A_114 : memref<1x80xi32, #tpu.memory_space<vmem>> -> memref<80xi32, #tpu.memory_space<vmem>>
    %dma_start3A_116 = arith.constant 0 : i32
    %dma_start3A_117 = arith.constant 0 : i32
    %dma_start3A_118 = tpu.memref_slice %arg2[%dma_start3A_116, %dma_start3A_117] : memref<10000x128xbf16, #tpu.memory_space<hbm>> -> memref<10000x128xbf16, #tpu.memory_space<hbm>>
    tpu.enqueue_indirect_dma source(%dma_start3A_118 : memref<10000x128xbf16, #tpu.memory_space<hbm>>) target(%arg11 : memref<80x128xbf16, #tpu.memory_space<vmem>>) offsets(%dma_start3A_115 : memref<80xi32, #tpu.memory_space<vmem>>) semaphore(%arg22 : memref<!tpu.dma_semaphore, #tpu.memory_space<semaphore_mem>>)
    %dma_wait3A_119 = arith.constant 0 : i32
    %dma_wait3A_120 = arith.constant 0 : i32
    %dma_wait3A_121 = tpu.memref_slice %arg7[%dma_wait3A_119, %dma_wait3A_120] : memref<125x80xi32, #tpu.memory_space<vmem>> -> memref<1x80xi32, #tpu.memory_space<vmem>>
    %dma_wait3A_122 = tpu.memref_squeeze %dma_wait3A_121 : memref<1x80xi32, #tpu.memory_space<vmem>> -> memref<80xi32, #tpu.memory_space<vmem>>
    %dma_wait3A_123 = arith.constant 0 : i32
    %dma_wait3A_124 = arith.constant 0 : i32
    %dma_wait3A_125 = tpu.memref_slice %arg2[%dma_wait3A_123, %dma_wait3A_124] : memref<10000x128xbf16, #tpu.memory_space<hbm>> -> memref<10000x128xbf16, #tpu.memory_space<hbm>>
    tpu.wait_indirect_dma semaphore(%arg23 : memref<!tpu.dma_semaphore, #tpu.memory_space<semaphore_mem>>) src(%dma_wait3A_125 : memref<10000x128xbf16, #tpu.memory_space<hbm>>) dst(%arg12 : memref<80x128xbf16, #tpu.memory_space<vmem>>)
    %parallel_loop3A_126 = arith.constant 0 : i32
    %parallel_loop3A_127 = arith.constant 80 : i32
    %parallel_loop3A_128 = arith.constant 1 : i32
    scf.for %parallel_loop3A_235 = %parallel_loop3A_126 to %parallel_loop3A_127 step %parallel_loop3A_128  : i32 {
      %parallel_loop3A_236 = arith.constant 2 : i32
      %parallel_loop3A_237 = vector.broadcast %parallel_loop3A_236 : i32 to vector<16xi32>
      %parallel_loop3A_238 = vector.broadcast %parallel_loop3A_235 : i32 to vector<16xi32>
      %parallel_loop3A_239 = tpu.vector_load_idx %arg9[%parallel_loop3A_237, %parallel_loop3A_238] : memref<125x80xf32, #tpu.memory_space<vmem>>[vector<16xi32>, vector<16xi32>], vector<16xf32>,
      %parallel_loop3A_240 = tpu.pack_subelements %parallel_loop3A_239, %parallel_loop3A_239 {pack_format = #tpu.pack_format<interleaved>, positions = array<i32: 0, 1>} : vector<16xf32>, vector<16xf32> -> vector<32xbf16>
      %parallel_loop3A_241 = arith.index_cast %parallel_loop3A_235 : i32 to index
      %parallel_loop3A_242 = arith.constant 0 : index
      %parallel_loop3A_243 = tpu.vector_load %arg12[%parallel_loop3A_241, %parallel_loop3A_242] {strides = array<i32>} : memref<80x128xbf16, #tpu.memory_space<vmem>>, vector<32xbf16>,
      %parallel_loop3A_244 = arith.mulf %parallel_loop3A_243, %parallel_loop3A_240 : vector<32xbf16>
      %parallel_loop3A_245 = arith.index_cast %parallel_loop3A_235 : i32 to index
      %parallel_loop3A_246 = arith.constant 0 : index
      %parallel_loop3A_247 = tpu.vector_load %arg17[%parallel_loop3A_245, %parallel_loop3A_246] {strides = array<i32>} : memref<80x128xbf16, #tpu.memory_space<vmem>>, vector<32xbf16>,
      tpu.vector_store %arg17[%parallel_loop3A_245, %parallel_loop3A_246], %parallel_loop3A_244 {strides = array<i32>} : memref<80x128xbf16, #tpu.memory_space<vmem>>, vector<32xbf16>,
      %parallel_loop3A_248 = arith.index_cast %parallel_loop3A_235 : i32 to index
      %parallel_loop3A_249 = arith.constant 32 : index
      %parallel_loop3A_250 = tpu.vector_load %arg12[%parallel_loop3A_248, %parallel_loop3A_249] {strides = array<i32>} : memref<80x128xbf16, #tpu.memory_space<vmem>>, vector<32xbf16>,
      %parallel_loop3A_251 = arith.mulf %parallel_loop3A_250, %parallel_loop3A_240 : vector<32xbf16>
      %parallel_loop3A_252 = arith.index_cast %parallel_loop3A_235 : i32 to index
      %parallel_loop3A_253 = arith.constant 32 : index
      %parallel_loop3A_254 = tpu.vector_load %arg17[%parallel_loop3A_252, %parallel_loop3A_253] {strides = array<i32>} : memref<80x128xbf16, #tpu.memory_space<vmem>>, vector<32xbf16>,
      tpu.vector_store %arg17[%parallel_loop3A_252, %parallel_loop3A_253], %parallel_loop3A_251 {strides = array<i32>} : memref<80x128xbf16, #tpu.memory_space<vmem>>, vector<32xbf16>,
      %parallel_loop3A_255 = arith.index_cast %parallel_loop3A_235 : i32 to index
      %parallel_loop3A_256 = arith.constant 64 : index
      %parallel_loop3A_257 = tpu.vector_load %arg12[%parallel_loop3A_255, %parallel_loop3A_256] {strides = array<i32>} : memref<80x128xbf16, #tpu.memory_space<vmem>>, vector<32xbf16>,
      %parallel_loop3A_258 = arith.mulf %parallel_loop3A_257, %parallel_loop3A_240 : vector<32xbf16>
      %parallel_loop3A_259 = arith.index_cast %parallel_loop3A_235 : i32 to index
      %parallel_loop3A_260 = arith.constant 64 : index
      %parallel_loop3A_261 = tpu.vector_load %arg17[%parallel_loop3A_259, %parallel_loop3A_260] {strides = array<i32>} : memref<80x128xbf16, #tpu.memory_space<vmem>>, vector<32xbf16>,
      tpu.vector_store %arg17[%parallel_loop3A_259, %parallel_loop3A_260], %parallel_loop3A_258 {strides = array<i32>} : memref<80x128xbf16, #tpu.memory_space<vmem>>, vector<32xbf16>,
      %parallel_loop3A_262 = arith.index_cast %parallel_loop3A_235 : i32 to index
      %parallel_loop3A_263 = arith.constant 96 : index
      %parallel_loop3A_264 = tpu.vector_load %arg12[%parallel_loop3A_262, %parallel_loop3A_263] {strides = array<i32>} : memref<80x128xbf16, #tpu.memory_space<vmem>>, vector<32xbf16>,
      %parallel_loop3A_265 = arith.mulf %parallel_loop3A_264, %parallel_loop3A_240 : vector<32xbf16>
      %parallel_loop3A_266 = arith.index_cast %parallel_loop3A_235 : i32 to index
      %parallel_loop3A_267 = arith.constant 96 : index
      %parallel_loop3A_268 = tpu.vector_load %arg17[%parallel_loop3A_266, %parallel_loop3A_267] {strides = array<i32>} : memref<80x128xbf16, #tpu.memory_space<vmem>>, vector<32xbf16>,
      tpu.vector_store %arg17[%parallel_loop3A_266, %parallel_loop3A_267], %parallel_loop3A_265 {strides = array<i32>} : memref<80x128xbf16, #tpu.memory_space<vmem>>, vector<32xbf16>,
    } {sc.loop_unroll_factor = 2 : i64, sc.parallel_access}
    %dma_start3A_129 = arith.constant 2 : i32
    %dma_start3A_130 = arith.constant 0 : i32
    %dma_start3A_131 = tpu.memref_slice %arg8[%dma_start3A_129, %dma_start3A_130] : memref<125x80xi32, #tpu.memory_space<vmem>> -> memref<1x80xi32, #tpu.memory_space<vmem>>
    %dma_start3A_132 = tpu.memref_squeeze %dma_start3A_131 : memref<1x80xi32, #tpu.memory_space<vmem>> -> memref<80xi32, #tpu.memory_space<vmem>>
    %dma_start3A_133 = arith.constant 0 : i32
    %dma_start3A_134 = arith.constant 0 : i32
    %dma_start3A_135 = tpu.memref_slice %arg20[%dma_start3A_133, %dma_start3A_134] : memref<10000x128xbf16, #tpu.memory_space<vmem_shared>> -> memref<10000x128xbf16, #tpu.memory_space<vmem_shared>>
    tpu.enqueue_indirect_dma source(%arg17 : memref<80x128xbf16, #tpu.memory_space<vmem>>) target(%dma_start3A_135 : memref<10000x128xbf16, #tpu.memory_space<vmem_shared>>) offsets(%dma_start3A_132 : memref<80xi32, #tpu.memory_space<vmem>>) semaphore(%arg28 : memref<!tpu.dma_semaphore, #tpu.memory_space<semaphore_mem>>) {add = true}
    %dma_start3A_136 = arith.constant 7 : i32
    %dma_start3A_137 = arith.constant 0 : i32
    %dma_start3A_138 = tpu.memref_slice %arg7[%dma_start3A_136, %dma_start3A_137] : memref<125x80xi32, #tpu.memory_space<vmem>> -> memref<1x80xi32, #tpu.memory_space<vmem>>
    %dma_start3A_139 = tpu.memref_squeeze %dma_start3A_138 : memref<1x80xi32, #tpu.memory_space<vmem>> -> memref<80xi32, #tpu.memory_space<vmem>>
    %dma_start3A_140 = arith.constant 0 : i32
    %dma_start3A_141 = arith.constant 0 : i32
    %dma_start3A_142 = tpu.memref_slice %arg2[%dma_start3A_140, %dma_start3A_141] : memref<10000x128xbf16, #tpu.memory_space<hbm>> -> memref<10000x128xbf16, #tpu.memory_space<hbm>>
    tpu.enqueue_indirect_dma source(%dma_start3A_142 : memref<10000x128xbf16, #tpu.memory_space<hbm>>) target(%arg12 : memref<80x128xbf16, #tpu.memory_space<vmem>>) offsets(%dma_start3A_139 : memref<80xi32, #tpu.memory_space<vmem>>) semaphore(%arg23 : memref<!tpu.dma_semaphore, #tpu.memory_space<semaphore_mem>>)
    %dma_wait3A_143 = arith.constant 0 : i32
    %dma_wait3A_144 = arith.constant 0 : i32
    %dma_wait3A_145 = tpu.memref_slice %arg7[%dma_wait3A_143, %dma_wait3A_144] : memref<125x80xi32, #tpu.memory_space<vmem>> -> memref<1x80xi32, #tpu.memory_space<vmem>>
    %dma_wait3A_146 = tpu.memref_squeeze %dma_wait3A_145 : memref<1x80xi32, #tpu.memory_space<vmem>> -> memref<80xi32, #tpu.memory_space<vmem>>
    %dma_wait3A_147 = arith.constant 0 : i32
    %dma_wait3A_148 = arith.constant 0 : i32
    %dma_wait3A_149 = tpu.memref_slice %arg2[%dma_wait3A_147, %dma_wait3A_148] : memref<10000x128xbf16, #tpu.memory_space<hbm>> -> memref<10000x128xbf16, #tpu.memory_space<hbm>>
    tpu.wait_indirect_dma semaphore(%arg24 : memref<!tpu.dma_semaphore, #tpu.memory_space<semaphore_mem>>) src(%dma_wait3A_149 : memref<10000x128xbf16, #tpu.memory_space<hbm>>) dst(%arg13 : memref<80x128xbf16, #tpu.memory_space<vmem>>)
    %parallel_loop3A_150 = arith.constant 0 : i32
    %parallel_loop3A_151 = arith.constant 80 : i32
    %parallel_loop3A_152 = arith.constant 1 : i32
    scf.for %parallel_loop3A_235 = %parallel_loop3A_150 to %parallel_loop3A_151 step %parallel_loop3A_152  : i32 {
      %parallel_loop3A_236 = arith.constant 3 : i32
      %parallel_loop3A_237 = vector.broadcast %parallel_loop3A_236 : i32 to vector<16xi32>
      %parallel_loop3A_238 = vector.broadcast %parallel_loop3A_235 : i32 to vector<16xi32>
      %parallel_loop3A_239 = tpu.vector_load_idx %arg9[%parallel_loop3A_237, %parallel_loop3A_238] : memref<125x80xf32, #tpu.memory_space<vmem>>[vector<16xi32>, vector<16xi32>], vector<16xf32>,
      %parallel_loop3A_240 = tpu.pack_subelements %parallel_loop3A_239, %parallel_loop3A_239 {pack_format = #tpu.pack_format<interleaved>, positions = array<i32: 0, 1>} : vector<16xf32>, vector<16xf32> -> vector<32xbf16>
      %parallel_loop3A_241 = arith.index_cast %parallel_loop3A_235 : i32 to index
      %parallel_loop3A_242 = arith.constant 0 : index
      %parallel_loop3A_243 = tpu.vector_load %arg13[%parallel_loop3A_241, %parallel_loop3A_242] {strides = array<i32>} : memref<80x128xbf16, #tpu.memory_space<vmem>>, vector<32xbf16>,
      %parallel_loop3A_244 = arith.mulf %parallel_loop3A_243, %parallel_loop3A_240 : vector<32xbf16>
      %parallel_loop3A_245 = arith.index_cast %parallel_loop3A_235 : i32 to index
      %parallel_loop3A_246 = arith.constant 0 : index
      %parallel_loop3A_247 = tpu.vector_load %arg18[%parallel_loop3A_245, %parallel_loop3A_246] {strides = array<i32>} : memref<80x128xbf16, #tpu.memory_space<vmem>>, vector<32xbf16>,
      tpu.vector_store %arg18[%parallel_loop3A_245, %parallel_loop3A_246], %parallel_loop3A_244 {strides = array<i32>} : memref<80x128xbf16, #tpu.memory_space<vmem>>, vector<32xbf16>,
      %parallel_loop3A_248 = arith.index_cast %parallel_loop3A_235 : i32 to index
      %parallel_loop3A_249 = arith.constant 32 : index
      %parallel_loop3A_250 = tpu.vector_load %arg13[%parallel_loop3A_248, %parallel_loop3A_249] {strides = array<i32>} : memref<80x128xbf16, #tpu.memory_space<vmem>>, vector<32xbf16>,
      %parallel_loop3A_251 = arith.mulf %parallel_loop3A_250, %parallel_loop3A_240 : vector<32xbf16>
      %parallel_loop3A_252 = arith.index_cast %parallel_loop3A_235 : i32 to index
      %parallel_loop3A_253 = arith.constant 32 : index
      %parallel_loop3A_254 = tpu.vector_load %arg18[%parallel_loop3A_252, %parallel_loop3A_253] {strides = array<i32>} : memref<80x128xbf16, #tpu.memory_space<vmem>>, vector<32xbf16>,
      tpu.vector_store %arg18[%parallel_loop3A_252, %parallel_loop3A_253], %parallel_loop3A_251 {strides = array<i32>} : memref<80x128xbf16, #tpu.memory_space<vmem>>, vector<32xbf16>,
      %parallel_loop3A_255 = arith.index_cast %parallel_loop3A_235 : i32 to index
      %parallel_loop3A_256 = arith.constant 64 : index
      %parallel_loop3A_257 = tpu.vector_load %arg13[%parallel_loop3A_255, %parallel_loop3A_256] {strides = array<i32>} : memref<80x128xbf16, #tpu.memory_space<vmem>>, vector<32xbf16>,
      %parallel_loop3A_258 = arith.mulf %parallel_loop3A_257, %parallel_loop3A_240 : vector<32xbf16>
      %parallel_loop3A_259 = arith.index_cast %parallel_loop3A_235 : i32 to index
      %parallel_loop3A_260 = arith.constant 64 : index
      %parallel_loop3A_261 = tpu.vector_load %arg18[%parallel_loop3A_259, %parallel_loop3A_260] {strides = array<i32>} : memref<80x128xbf16, #tpu.memory_space<vmem>>, vector<32xbf16>,
      tpu.vector_store %arg18[%parallel_loop3A_259, %parallel_loop3A_260], %parallel_loop3A_258 {strides = array<i32>} : memref<80x128xbf16, #tpu.memory_space<vmem>>, vector<32xbf16>,
      %parallel_loop3A_262 = arith.index_cast %parallel_loop3A_235 : i32 to index
      %parallel_loop3A_263 = arith.constant 96 : index
      %parallel_loop3A_264 = tpu.vector_load %arg13[%parallel_loop3A_262, %parallel_loop3A_263] {strides = array<i32>} : memref<80x128xbf16, #tpu.memory_space<vmem>>, vector<32xbf16>,
      %parallel_loop3A_265 = arith.mulf %parallel_loop3A_264, %parallel_loop3A_240 : vector<32xbf16>
      %parallel_loop3A_266 = arith.index_cast %parallel_loop3A_235 : i32 to index
      %parallel_loop3A_267 = arith.constant 96 : index
      %parallel_loop3A_268 = tpu.vector_load %arg18[%parallel_loop3A_266, %parallel_loop3A_267] {strides = array<i32>} : memref<80x128xbf16, #tpu.memory_space<vmem>>, vector<32xbf16>,
      tpu.vector_store %arg18[%parallel_loop3A_266, %parallel_loop3A_267], %parallel_loop3A_265 {strides = array<i32>} : memref<80x128xbf16, #tpu.memory_space<vmem>>, vector<32xbf16>,
    } {sc.loop_unroll_factor = 2 : i64, sc.parallel_access}
    %dma_start3A_153 = arith.constant 3 : i32
    %dma_start3A_154 = arith.constant 0 : i32
    %dma_start3A_155 = tpu.memref_slice %arg8[%dma_start3A_153, %dma_start3A_154] : memref<125x80xi32, #tpu.memory_space<vmem>> -> memref<1x80xi32, #tpu.memory_space<vmem>>
    %dma_start3A_156 = tpu.memref_squeeze %dma_start3A_155 : memref<1x80xi32, #tpu.memory_space<vmem>> -> memref<80xi32, #tpu.memory_space<vmem>>
    %dma_start3A_157 = arith.constant 0 : i32
    %dma_start3A_158 = arith.constant 0 : i32
    %dma_start3A_159 = tpu.memref_slice %arg20[%dma_start3A_157, %dma_start3A_158] : memref<10000x128xbf16, #tpu.memory_space<vmem_shared>> -> memref<10000x128xbf16, #tpu.memory_space<vmem_shared>>
    tpu.enqueue_indirect_dma source(%arg18 : memref<80x128xbf16, #tpu.memory_space<vmem>>) target(%dma_start3A_159 : memref<10000x128xbf16, #tpu.memory_space<vmem_shared>>) offsets(%dma_start3A_156 : memref<80xi32, #tpu.memory_space<vmem>>) semaphore(%arg29 : memref<!tpu.dma_semaphore, #tpu.memory_space<semaphore_mem>>) {add = true}
    %dma_start3A_160 = arith.constant 8 : i32
    %dma_start3A_161 = arith.constant 0 : i32
    %dma_start3A_162 = tpu.memref_slice %arg7[%dma_start3A_160, %dma_start3A_161] : memref<125x80xi32, #tpu.memory_space<vmem>> -> memref<1x80xi32, #tpu.memory_space<vmem>>
    %dma_start3A_163 = tpu.memref_squeeze %dma_start3A_162 : memref<1x80xi32, #tpu.memory_space<vmem>> -> memref<80xi32, #tpu.memory_space<vmem>>
    %dma_start3A_164 = arith.constant 0 : i32
    %dma_start3A_165 = arith.constant 0 : i32
    %dma_start3A_166 = tpu.memref_slice %arg2[%dma_start3A_164, %dma_start3A_165] : memref<10000x128xbf16, #tpu.memory_space<hbm>> -> memref<10000x128xbf16, #tpu.memory_space<hbm>>
    tpu.enqueue_indirect_dma source(%dma_start3A_166 : memref<10000x128xbf16, #tpu.memory_space<hbm>>) target(%arg13 : memref<80x128xbf16, #tpu.memory_space<vmem>>) offsets(%dma_start3A_163 : memref<80xi32, #tpu.memory_space<vmem>>) semaphore(%arg24 : memref<!tpu.dma_semaphore, #tpu.memory_space<semaphore_mem>>)
    %dma_wait3A_167 = arith.constant 0 : i32
    %dma_wait3A_168 = arith.constant 0 : i32
    %dma_wait3A_169 = tpu.memref_slice %arg7[%dma_wait3A_167, %dma_wait3A_168] : memref<125x80xi32, #tpu.memory_space<vmem>> -> memref<1x80xi32, #tpu.memory_space<vmem>>
    %dma_wait3A_170 = tpu.memref_squeeze %dma_wait3A_169 : memref<1x80xi32, #tpu.memory_space<vmem>> -> memref<80xi32, #tpu.memory_space<vmem>>
    %dma_wait3A_171 = arith.constant 0 : i32
    %dma_wait3A_172 = arith.constant 0 : i32
    %dma_wait3A_173 = tpu.memref_slice %arg2[%dma_wait3A_171, %dma_wait3A_172] : memref<10000x128xbf16, #tpu.memory_space<hbm>> -> memref<10000x128xbf16, #tpu.memory_space<hbm>>
    tpu.wait_indirect_dma semaphore(%arg25 : memref<!tpu.dma_semaphore, #tpu.memory_space<semaphore_mem>>) src(%dma_wait3A_173 : memref<10000x128xbf16, #tpu.memory_space<hbm>>) dst(%arg14 : memref<80x128xbf16, #tpu.memory_space<vmem>>)
    %parallel_loop3A_174 = arith.constant 0 : i32
    %parallel_loop3A_175 = arith.constant 80 : i32
    %parallel_loop3A_176 = arith.constant 1 : i32
    scf.for %parallel_loop3A_235 = %parallel_loop3A_174 to %parallel_loop3A_175 step %parallel_loop3A_176  : i32 {
      %parallel_loop3A_236 = arith.constant 4 : i32
      %parallel_loop3A_237 = vector.broadcast %parallel_loop3A_236 : i32 to vector<16xi32>
      %parallel_loop3A_238 = vector.broadcast %parallel_loop3A_235 : i32 to vector<16xi32>
      %parallel_loop3A_239 = tpu.vector_load_idx %arg9[%parallel_loop3A_237, %parallel_loop3A_238] : memref<125x80xf32, #tpu.memory_space<vmem>>[vector<16xi32>, vector<16xi32>], vector<16xf32>,
      %parallel_loop3A_240 = tpu.pack_subelements %parallel_loop3A_239, %parallel_loop3A_239 {pack_format = #tpu.pack_format<interleaved>, positions = array<i32: 0, 1>} : vector<16xf32>, vector<16xf32> -> vector<32xbf16>
      %parallel_loop3A_241 = arith.index_cast %parallel_loop3A_235 : i32 to index
      %parallel_loop3A_242 = arith.constant 0 : index
      %parallel_loop3A_243 = tpu.vector_load %arg14[%parallel_loop3A_241, %parallel_loop3A_242] {strides = array<i32>} : memref<80x128xbf16, #tpu.memory_space<vmem>>, vector<32xbf16>,
      %parallel_loop3A_244 = arith.mulf %parallel_loop3A_243, %parallel_loop3A_240 : vector<32xbf16>
      %parallel_loop3A_245 = arith.index_cast %parallel_loop3A_235 : i32 to index
      %parallel_loop3A_246 = arith.constant 0 : index
      %parallel_loop3A_247 = tpu.vector_load %arg19[%parallel_loop3A_245, %parallel_loop3A_246] {strides = array<i32>} : memref<80x128xbf16, #tpu.memory_space<vmem>>, vector<32xbf16>,
      tpu.vector_store %arg19[%parallel_loop3A_245, %parallel_loop3A_246], %parallel_loop3A_244 {strides = array<i32>} : memref<80x128xbf16, #tpu.memory_space<vmem>>, vector<32xbf16>,
      %parallel_loop3A_248 = arith.index_cast %parallel_loop3A_235 : i32 to index
      %parallel_loop3A_249 = arith.constant 32 : index
      %parallel_loop3A_250 = tpu.vector_load %arg14[%parallel_loop3A_248, %parallel_loop3A_249] {strides = array<i32>} : memref<80x128xbf16, #tpu.memory_space<vmem>>, vector<32xbf16>,
      %parallel_loop3A_251 = arith.mulf %parallel_loop3A_250, %parallel_loop3A_240 : vector<32xbf16>
      %parallel_loop3A_252 = arith.index_cast %parallel_loop3A_235 : i32 to index
      %parallel_loop3A_253 = arith.constant 32 : index
      %parallel_loop3A_254 = tpu.vector_load %arg19[%parallel_loop3A_252, %parallel_loop3A_253] {strides = array<i32>} : memref<80x128xbf16, #tpu.memory_space<vmem>>, vector<32xbf16>,
      tpu.vector_store %arg19[%parallel_loop3A_252, %parallel_loop3A_253], %parallel_loop3A_251 {strides = array<i32>} : memref<80x128xbf16, #tpu.memory_space<vmem>>, vector<32xbf16>,
      %parallel_loop3A_255 = arith.index_cast %parallel_loop3A_235 : i32 to index
      %parallel_loop3A_256 = arith.constant 64 : index
      %parallel_loop3A_257 = tpu.vector_load %arg14[%parallel_loop3A_255, %parallel_loop3A_256] {strides = array<i32>} : memref<80x128xbf16, #tpu.memory_space<vmem>>, vector<32xbf16>,
      %parallel_loop3A_258 = arith.mulf %parallel_loop3A_257, %parallel_loop3A_240 : vector<32xbf16>
      %parallel_loop3A_259 = arith.index_cast %parallel_loop3A_235 : i32 to index
      %parallel_loop3A_260 = arith.constant 64 : index
      %parallel_loop3A_261 = tpu.vector_load %arg19[%parallel_loop3A_259, %parallel_loop3A_260] {strides = array<i32>} : memref<80x128xbf16, #tpu.memory_space<vmem>>, vector<32xbf16>,
      tpu.vector_store %arg19[%parallel_loop3A_259, %parallel_loop3A_260], %parallel_loop3A_258 {strides = array<i32>} : memref<80x128xbf16, #tpu.memory_space<vmem>>, vector<32xbf16>,
      %parallel_loop3A_262 = arith.index_cast %parallel_loop3A_235 : i32 to index
      %parallel_loop3A_263 = arith.constant 96 : index
      %parallel_loop3A_264 = tpu.vector_load %arg14[%parallel_loop3A_262, %parallel_loop3A_263] {strides = array<i32>} : memref<80x128xbf16, #tpu.memory_space<vmem>>, vector<32xbf16>,
      %parallel_loop3A_265 = arith.mulf %parallel_loop3A_264, %parallel_loop3A_240 : vector<32xbf16>
      %parallel_loop3A_266 = arith.index_cast %parallel_loop3A_235 : i32 to index
      %parallel_loop3A_267 = arith.constant 96 : index
      %parallel_loop3A_268 = tpu.vector_load %arg19[%parallel_loop3A_266, %parallel_loop3A_267] {strides = array<i32>} : memref<80x128xbf16, #tpu.memory_space<vmem>>, vector<32xbf16>,
      tpu.vector_store %arg19[%parallel_loop3A_266, %parallel_loop3A_267], %parallel_loop3A_265 {strides = array<i32>} : memref<80x128xbf16, #tpu.memory_space<vmem>>, vector<32xbf16>,
    } {sc.loop_unroll_factor = 2 : i64, sc.parallel_access}
    %dma_start3A_177 = arith.constant 4 : i32
    %dma_start3A_178 = arith.constant 0 : i32
    %dma_start3A_179 = tpu.memref_slice %arg8[%dma_start3A_177, %dma_start3A_178] : memref<125x80xi32, #tpu.memory_space<vmem>> -> memref<1x80xi32, #tpu.memory_space<vmem>>
    %dma_start3A_180 = tpu.memref_squeeze %dma_start3A_179 : memref<1x80xi32, #tpu.memory_space<vmem>> -> memref<80xi32, #tpu.memory_space<vmem>>
    %dma_start3A_181 = arith.constant 0 : i32
    %dma_start3A_182 = arith.constant 0 : i32
    %dma_start3A_183 = tpu.memref_slice %arg20[%dma_start3A_181, %dma_start3A_182] : memref<10000x128xbf16, #tpu.memory_space<vmem_shared>> -> memref<10000x128xbf16, #tpu.memory_space<vmem_shared>>
    tpu.enqueue_indirect_dma source(%arg19 : memref<80x128xbf16, #tpu.memory_space<vmem>>) target(%dma_start3A_183 : memref<10000x128xbf16, #tpu.memory_space<vmem_shared>>) offsets(%dma_start3A_180 : memref<80xi32, #tpu.memory_space<vmem>>) semaphore(%arg30 : memref<!tpu.dma_semaphore, #tpu.memory_space<semaphore_mem>>) {add = true}
    %dma_start3A_184 = arith.constant 9 : i32
    %dma_start3A_185 = arith.constant 0 : i32
    %dma_start3A_186 = tpu.memref_slice %arg7[%dma_start3A_184, %dma_start3A_185] : memref<125x80xi32, #tpu.memory_space<vmem>> -> memref<1x80xi32, #tpu.memory_space<vmem>>
    %dma_start3A_187 = tpu.memref_squeeze %dma_start3A_186 : memref<1x80xi32, #tpu.memory_space<vmem>> -> memref<80xi32, #tpu.memory_space<vmem>>
    %dma_start3A_188 = arith.constant 0 : i32
    %dma_start3A_189 = arith.constant 0 : i32
    %dma_start3A_190 = tpu.memref_slice %arg2[%dma_start3A_188, %dma_start3A_189] : memref<10000x128xbf16, #tpu.memory_space<hbm>> -> memref<10000x128xbf16, #tpu.memory_space<hbm>>
    tpu.enqueue_indirect_dma source(%dma_start3A_190 : memref<10000x128xbf16, #tpu.memory_space<hbm>>) target(%arg14 : memref<80x128xbf16, #tpu.memory_space<vmem>>) offsets(%dma_start3A_187 : memref<80xi32, #tpu.memory_space<vmem>>) semaphore(%arg25 : memref<!tpu.dma_semaphore, #tpu.memory_space<semaphore_mem>>)
    %scan3A_191 = arith.constant 0 : i32
    %scan3A_192 = arith.constant 1 : i32
    %scan3A_193 = arith.constant 24 : i32
    %scan3A_194 = arith.addi %scan3A_192, %scan3A_193 : i32
    %scan3A_195 = arith.constant 1 : i32
    scf.for %scan3A_235 = %scan3A_192 to %scan3A_194 step %scan3A_195  : i32 {
      %mul3A_236 = arith.constant 5 : i32
      %mul3A_237 = arith.muli %mul3A_236, %scan3A_235 : i32
      %add3A_238 = arith.constant 0 : i32
      %add3A_239 = arith.addi %mul3A_237, %add3A_238 : i32
      %dma_wait3A_240 = arith.constant 0 : i32
      %dma_wait3A_241 = arith.constant 0 : i32
      %dma_wait3A_242 = tpu.memref_slice %arg7[%dma_wait3A_240, %dma_wait3A_241] : memref<125x80xi32, #tpu.memory_space<vmem>> -> memref<1x80xi32, #tpu.memory_space<vmem>>
      %dma_wait3A_243 = tpu.memref_squeeze %dma_wait3A_242 : memref<1x80xi32, #tpu.memory_space<vmem>> -> memref<80xi32, #tpu.memory_space<vmem>>
      %dma_wait3A_244 = arith.constant 0 : i32
      %dma_wait3A_245 = arith.constant 0 : i32
      %dma_wait3A_246 = tpu.memref_slice %arg2[%dma_wait3A_244, %dma_wait3A_245] : memref<10000x128xbf16, #tpu.memory_space<hbm>> -> memref<10000x128xbf16, #tpu.memory_space<hbm>>
      tpu.wait_indirect_dma semaphore(%arg21 : memref<!tpu.dma_semaphore, #tpu.memory_space<semaphore_mem>>) src(%dma_wait3A_246 : memref<10000x128xbf16, #tpu.memory_space<hbm>>) dst(%arg10 : memref<80x128xbf16, #tpu.memory_space<vmem>>)
      %dma_wait3A_247 = arith.constant 0 : i32
      %dma_wait3A_248 = arith.constant 0 : i32
      %dma_wait3A_249 = tpu.memref_slice %arg8[%dma_wait3A_247, %dma_wait3A_248] : memref<125x80xi32, #tpu.memory_space<vmem>> -> memref<1x80xi32, #tpu.memory_space<vmem>>
      %dma_wait3A_250 = tpu.memref_squeeze %dma_wait3A_249 : memref<1x80xi32, #tpu.memory_space<vmem>> -> memref<80xi32, #tpu.memory_space<vmem>>
      %dma_wait3A_251 = arith.constant 0 : i32
      %dma_wait3A_252 = arith.constant 0 : i32
      %dma_wait3A_253 = tpu.memref_slice %arg20[%dma_wait3A_251, %dma_wait3A_252] : memref<10000x128xbf16, #tpu.memory_space<vmem_shared>> -> memref<10000x128xbf16, #tpu.memory_space<vmem_shared>>
      tpu.wait_indirect_dma semaphore(%arg26 : memref<!tpu.dma_semaphore, #tpu.memory_space<semaphore_mem>>) src(%arg15 : memref<80x128xbf16, #tpu.memory_space<vmem>>) dst(%dma_wait3A_253 : memref<10000x128xbf16, #tpu.memory_space<vmem_shared>>)
      %parallel_loop3A_254 = arith.constant 0 : i32
      %parallel_loop3A_255 = arith.constant 80 : i32
      %parallel_loop3A_256 = arith.constant 1 : i32
      scf.for %parallel_loop3A_395 = %parallel_loop3A_254 to %parallel_loop3A_255 step %parallel_loop3A_256  : i32 {
        %parallel_loop3A_396 = vector.broadcast %add3A_239 : i32 to vector<16xi32>
        %parallel_loop3A_397 = vector.broadcast %parallel_loop3A_395 : i32 to vector<16xi32>
        %parallel_loop3A_398 = tpu.vector_load_idx %arg9[%parallel_loop3A_396, %parallel_loop3A_397] : memref<125x80xf32, #tpu.memory_space<vmem>>[vector<16xi32>, vector<16xi32>], vector<16xf32>,
        %parallel_loop3A_399 = tpu.pack_subelements %parallel_loop3A_398, %parallel_loop3A_398 {pack_format = #tpu.pack_format<interleaved>, positions = array<i32: 0, 1>} : vector<16xf32>, vector<16xf32> -> vector<32xbf16>
        %parallel_loop3A_400 = arith.index_cast %parallel_loop3A_395 : i32 to index
        %parallel_loop3A_401 = arith.constant 0 : index
        %parallel_loop3A_402 = tpu.vector_load %arg10[%parallel_loop3A_400, %parallel_loop3A_401] {strides = array<i32>} : memref<80x128xbf16, #tpu.memory_space<vmem>>, vector<32xbf16>,
        %parallel_loop3A_403 = arith.mulf %parallel_loop3A_402, %parallel_loop3A_399 : vector<32xbf16>
        %parallel_loop3A_404 = arith.index_cast %parallel_loop3A_395 : i32 to index
        %parallel_loop3A_405 = arith.constant 0 : index
        %parallel_loop3A_406 = tpu.vector_load %arg15[%parallel_loop3A_404, %parallel_loop3A_405] {strides = array<i32>} : memref<80x128xbf16, #tpu.memory_space<vmem>>, vector<32xbf16>,
        tpu.vector_store %arg15[%parallel_loop3A_404, %parallel_loop3A_405], %parallel_loop3A_403 {strides = array<i32>} : memref<80x128xbf16, #tpu.memory_space<vmem>>, vector<32xbf16>,
        %parallel_loop3A_407 = arith.index_cast %parallel_loop3A_395 : i32 to index
        %parallel_loop3A_408 = arith.constant 32 : index
        %parallel_loop3A_409 = tpu.vector_load %arg10[%parallel_loop3A_407, %parallel_loop3A_408] {strides = array<i32>} : memref<80x128xbf16, #tpu.memory_space<vmem>>, vector<32xbf16>,
        %parallel_loop3A_410 = arith.mulf %parallel_loop3A_409, %parallel_loop3A_399 : vector<32xbf16>
        %parallel_loop3A_411 = arith.index_cast %parallel_loop3A_395 : i32 to index
        %parallel_loop3A_412 = arith.constant 32 : index
        %parallel_loop3A_413 = tpu.vector_load %arg15[%parallel_loop3A_411, %parallel_loop3A_412] {strides = array<i32>} : memref<80x128xbf16, #tpu.memory_space<vmem>>, vector<32xbf16>,
        tpu.vector_store %arg15[%parallel_loop3A_411, %parallel_loop3A_412], %parallel_loop3A_410 {strides = array<i32>} : memref<80x128xbf16, #tpu.memory_space<vmem>>, vector<32xbf16>,
        %parallel_loop3A_414 = arith.index_cast %parallel_loop3A_395 : i32 to index
        %parallel_loop3A_415 = arith.constant 64 : index
        %parallel_loop3A_416 = tpu.vector_load %arg10[%parallel_loop3A_414, %parallel_loop3A_415] {strides = array<i32>} : memref<80x128xbf16, #tpu.memory_space<vmem>>, vector<32xbf16>,
        %parallel_loop3A_417 = arith.mulf %parallel_loop3A_416, %parallel_loop3A_399 : vector<32xbf16>
        %parallel_loop3A_418 = arith.index_cast %parallel_loop3A_395 : i32 to index
        %parallel_loop3A_419 = arith.constant 64 : index
        %parallel_loop3A_420 = tpu.vector_load %arg15[%parallel_loop3A_418, %parallel_loop3A_419] {strides = array<i32>} : memref<80x128xbf16, #tpu.memory_space<vmem>>, vector<32xbf16>,
        tpu.vector_store %arg15[%parallel_loop3A_418, %parallel_loop3A_419], %parallel_loop3A_417 {strides = array<i32>} : memref<80x128xbf16, #tpu.memory_space<vmem>>, vector<32xbf16>,
        %parallel_loop3A_421 = arith.index_cast %parallel_loop3A_395 : i32 to index
        %parallel_loop3A_422 = arith.constant 96 : index
        %parallel_loop3A_423 = tpu.vector_load %arg10[%parallel_loop3A_421, %parallel_loop3A_422] {strides = array<i32>} : memref<80x128xbf16, #tpu.memory_space<vmem>>, vector<32xbf16>,
        %parallel_loop3A_424 = arith.mulf %parallel_loop3A_423, %parallel_loop3A_399 : vector<32xbf16>
        %parallel_loop3A_425 = arith.index_cast %parallel_loop3A_395 : i32 to index
        %parallel_loop3A_426 = arith.constant 96 : index
        %parallel_loop3A_427 = tpu.vector_load %arg15[%parallel_loop3A_425, %parallel_loop3A_426] {strides = array<i32>} : memref<80x128xbf16, #tpu.memory_space<vmem>>, vector<32xbf16>,
        tpu.vector_store %arg15[%parallel_loop3A_425, %parallel_loop3A_426], %parallel_loop3A_424 {strides = array<i32>} : memref<80x128xbf16, #tpu.memory_space<vmem>>, vector<32xbf16>,
      } {sc.loop_unroll_factor = 2 : i64, sc.parallel_access}
      %dma_start3A_257 = arith.constant 0 : i32
      %dma_start3A_258 = tpu.memref_slice %arg8[%add3A_239, %dma_start3A_257] : memref<125x80xi32, #tpu.memory_space<vmem>> -> memref<1x80xi32, #tpu.memory_space<vmem>>
      %dma_start3A_259 = tpu.memref_squeeze %dma_start3A_258 : memref<1x80xi32, #tpu.memory_space<vmem>> -> memref<80xi32, #tpu.memory_space<vmem>>
      %dma_start3A_260 = arith.constant 0 : i32
      %dma_start3A_261 = arith.constant 0 : i32
      %dma_start3A_262 = tpu.memref_slice %arg20[%dma_start3A_260, %dma_start3A_261] : memref<10000x128xbf16, #tpu.memory_space<vmem_shared>> -> memref<10000x128xbf16, #tpu.memory_space<vmem_shared>>
      tpu.enqueue_indirect_dma source(%arg15 : memref<80x128xbf16, #tpu.memory_space<vmem>>) target(%dma_start3A_262 : memref<10000x128xbf16, #tpu.memory_space<vmem_shared>>) offsets(%dma_start3A_259 : memref<80xi32, #tpu.memory_space<vmem>>) semaphore(%arg26 : memref<!tpu.dma_semaphore, #tpu.memory_space<semaphore_mem>>) {add = true}
      %add3A_263 = arith.constant 5 : i32
      %add3A_264 = arith.addi %add3A_239, %add3A_263 : i32
      %lt3A = arith.constant 125 : i32
      %lt3A_265 = arith.cmpi slt, %add3A_264, %lt3A : i32
      %convert_element_type3A = arith.extui %lt3A_265 : i1 to i32
      %cond3A = arith.constant 0 : i32
      %cond3A_266 = arith.cmpi ne, %convert_element_type3A, %cond3A : i32
      scf.if %cond3A_266 {
        %add3A_395 = arith.constant 5 : i32
        %add3A_396 = arith.addi %add3A_239, %add3A_395 : i32
        %dma_start3A_397 = arith.constant 0 : i32
        %dma_start3A_398 = tpu.memref_slice %arg7[%add3A_396, %dma_start3A_397] : memref<125x80xi32, #tpu.memory_space<vmem>> -> memref<1x80xi32, #tpu.memory_space<vmem>>
        %dma_start3A_399 = tpu.memref_squeeze %dma_start3A_398 : memref<1x80xi32, #tpu.memory_space<vmem>> -> memref<80xi32, #tpu.memory_space<vmem>>
        %dma_start3A_400 = arith.constant 0 : i32
        %dma_start3A_401 = arith.constant 0 : i32
        %dma_start3A_402 = tpu.memref_slice %arg2[%dma_start3A_400, %dma_start3A_401] : memref<10000x128xbf16, #tpu.memory_space<hbm>> -> memref<10000x128xbf16, #tpu.memory_space<hbm>>
        tpu.enqueue_indirect_dma source(%dma_start3A_402 : memref<10000x128xbf16, #tpu.memory_space<hbm>>) target(%arg10 : memref<80x128xbf16, #tpu.memory_space<vmem>>) offsets(%dma_start3A_399 : memref<80xi32, #tpu.memory_space<vmem>>) semaphore(%arg21 : memref<!tpu.dma_semaphore, #tpu.memory_space<semaphore_mem>>)
      } else {
      }
      %add3A_267 = arith.constant 1 : i32
      %add3A_268 = arith.addi %mul3A_237, %add3A_267 : i32
      %dma_wait3A_269 = arith.constant 0 : i32
      %dma_wait3A_270 = arith.constant 0 : i32
      %dma_wait3A_271 = tpu.memref_slice %arg7[%dma_wait3A_269, %dma_wait3A_270] : memref<125x80xi32, #tpu.memory_space<vmem>> -> memref<1x80xi32, #tpu.memory_space<vmem>>
      %dma_wait3A_272 = tpu.memref_squeeze %dma_wait3A_271 : memref<1x80xi32, #tpu.memory_space<vmem>> -> memref<80xi32, #tpu.memory_space<vmem>>
      %dma_wait3A_273 = arith.constant 0 : i32
      %dma_wait3A_274 = arith.constant 0 : i32
      %dma_wait3A_275 = tpu.memref_slice %arg2[%dma_wait3A_273, %dma_wait3A_274] : memref<10000x128xbf16, #tpu.memory_space<hbm>> -> memref<10000x128xbf16, #tpu.memory_space<hbm>>
      tpu.wait_indirect_dma semaphore(%arg22 : memref<!tpu.dma_semaphore, #tpu.memory_space<semaphore_mem>>) src(%dma_wait3A_275 : memref<10000x128xbf16, #tpu.memory_space<hbm>>) dst(%arg11 : memref<80x128xbf16, #tpu.memory_space<vmem>>)
      %dma_wait3A_276 = arith.constant 0 : i32
      %dma_wait3A_277 = arith.constant 0 : i32
      %dma_wait3A_278 = tpu.memref_slice %arg8[%dma_wait3A_276, %dma_wait3A_277] : memref<125x80xi32, #tpu.memory_space<vmem>> -> memref<1x80xi32, #tpu.memory_space<vmem>>
      %dma_wait3A_279 = tpu.memref_squeeze %dma_wait3A_278 : memref<1x80xi32, #tpu.memory_space<vmem>> -> memref<80xi32, #tpu.memory_space<vmem>>
      %dma_wait3A_280 = arith.constant 0 : i32
      %dma_wait3A_281 = arith.constant 0 : i32
      %dma_wait3A_282 = tpu.memref_slice %arg20[%dma_wait3A_280, %dma_wait3A_281] : memref<10000x128xbf16, #tpu.memory_space<vmem_shared>> -> memref<10000x128xbf16, #tpu.memory_space<vmem_shared>>
      tpu.wait_indirect_dma semaphore(%arg27 : memref<!tpu.dma_semaphore, #tpu.memory_space<semaphore_mem>>) src(%arg16 : memref<80x128xbf16, #tpu.memory_space<vmem>>) dst(%dma_wait3A_282 : memref<10000x128xbf16, #tpu.memory_space<vmem_shared>>)
      %parallel_loop3A_283 = arith.constant 0 : i32
      %parallel_loop3A_284 = arith.constant 80 : i32
      %parallel_loop3A_285 = arith.constant 1 : i32
      scf.for %parallel_loop3A_395 = %parallel_loop3A_283 to %parallel_loop3A_284 step %parallel_loop3A_285  : i32 {
        %parallel_loop3A_396 = vector.broadcast %add3A_268 : i32 to vector<16xi32>
        %parallel_loop3A_397 = vector.broadcast %parallel_loop3A_395 : i32 to vector<16xi32>
        %parallel_loop3A_398 = tpu.vector_load_idx %arg9[%parallel_loop3A_396, %parallel_loop3A_397] : memref<125x80xf32, #tpu.memory_space<vmem>>[vector<16xi32>, vector<16xi32>], vector<16xf32>,
        %parallel_loop3A_399 = tpu.pack_subelements %parallel_loop3A_398, %parallel_loop3A_398 {pack_format = #tpu.pack_format<interleaved>, positions = array<i32: 0, 1>} : vector<16xf32>, vector<16xf32> -> vector<32xbf16>
        %parallel_loop3A_400 = arith.index_cast %parallel_loop3A_395 : i32 to index
        %parallel_loop3A_401 = arith.constant 0 : index
        %parallel_loop3A_402 = tpu.vector_load %arg11[%parallel_loop3A_400, %parallel_loop3A_401] {strides = array<i32>} : memref<80x128xbf16, #tpu.memory_space<vmem>>, vector<32xbf16>,
        %parallel_loop3A_403 = arith.mulf %parallel_loop3A_402, %parallel_loop3A_399 : vector<32xbf16>
        %parallel_loop3A_404 = arith.index_cast %parallel_loop3A_395 : i32 to index
        %parallel_loop3A_405 = arith.constant 0 : index
        %parallel_loop3A_406 = tpu.vector_load %arg16[%parallel_loop3A_404, %parallel_loop3A_405] {strides = array<i32>} : memref<80x128xbf16, #tpu.memory_space<vmem>>, vector<32xbf16>,
        tpu.vector_store %arg16[%parallel_loop3A_404, %parallel_loop3A_405], %parallel_loop3A_403 {strides = array<i32>} : memref<80x128xbf16, #tpu.memory_space<vmem>>, vector<32xbf16>,
        %parallel_loop3A_407 = arith.index_cast %parallel_loop3A_395 : i32 to index
        %parallel_loop3A_408 = arith.constant 32 : index
        %parallel_loop3A_409 = tpu.vector_load %arg11[%parallel_loop3A_407, %parallel_loop3A_408] {strides = array<i32>} : memref<80x128xbf16, #tpu.memory_space<vmem>>, vector<32xbf16>,
        %parallel_loop3A_410 = arith.mulf %parallel_loop3A_409, %parallel_loop3A_399 : vector<32xbf16>
        %parallel_loop3A_411 = arith.index_cast %parallel_loop3A_395 : i32 to index
        %parallel_loop3A_412 = arith.constant 32 : index
        %parallel_loop3A_413 = tpu.vector_load %arg16[%parallel_loop3A_411, %parallel_loop3A_412] {strides = array<i32>} : memref<80x128xbf16, #tpu.memory_space<vmem>>, vector<32xbf16>,
        tpu.vector_store %arg16[%parallel_loop3A_411, %parallel_loop3A_412], %parallel_loop3A_410 {strides = array<i32>} : memref<80x128xbf16, #tpu.memory_space<vmem>>, vector<32xbf16>,
        %parallel_loop3A_414 = arith.index_cast %parallel_loop3A_395 : i32 to index
        %parallel_loop3A_415 = arith.constant 64 : index
        %parallel_loop3A_416 = tpu.vector_load %arg11[%parallel_loop3A_414, %parallel_loop3A_415] {strides = array<i32>} : memref<80x128xbf16, #tpu.memory_space<vmem>>, vector<32xbf16>,
        %parallel_loop3A_417 = arith.mulf %parallel_loop3A_416, %parallel_loop3A_399 : vector<32xbf16>
        %parallel_loop3A_418 = arith.index_cast %parallel_loop3A_395 : i32 to index
        %parallel_loop3A_419 = arith.constant 64 : index
        %parallel_loop3A_420 = tpu.vector_load %arg16[%parallel_loop3A_418, %parallel_loop3A_419] {strides = array<i32>} : memref<80x128xbf16, #tpu.memory_space<vmem>>, vector<32xbf16>,
        tpu.vector_store %arg16[%parallel_loop3A_418, %parallel_loop3A_419], %parallel_loop3A_417 {strides = array<i32>} : memref<80x128xbf16, #tpu.memory_space<vmem>>, vector<32xbf16>,
        %parallel_loop3A_421 = arith.index_cast %parallel_loop3A_395 : i32 to index
        %parallel_loop3A_422 = arith.constant 96 : index
        %parallel_loop3A_423 = tpu.vector_load %arg11[%parallel_loop3A_421, %parallel_loop3A_422] {strides = array<i32>} : memref<80x128xbf16, #tpu.memory_space<vmem>>, vector<32xbf16>,
        %parallel_loop3A_424 = arith.mulf %parallel_loop3A_423, %parallel_loop3A_399 : vector<32xbf16>
        %parallel_loop3A_425 = arith.index_cast %parallel_loop3A_395 : i32 to index
        %parallel_loop3A_426 = arith.constant 96 : index
        %parallel_loop3A_427 = tpu.vector_load %arg16[%parallel_loop3A_425, %parallel_loop3A_426] {strides = array<i32>} : memref<80x128xbf16, #tpu.memory_space<vmem>>, vector<32xbf16>,
        tpu.vector_store %arg16[%parallel_loop3A_425, %parallel_loop3A_426], %parallel_loop3A_424 {strides = array<i32>} : memref<80x128xbf16, #tpu.memory_space<vmem>>, vector<32xbf16>,
      } {sc.loop_unroll_factor = 2 : i64, sc.parallel_access}
      %dma_start3A_286 = arith.constant 0 : i32
      %dma_start3A_287 = tpu.memref_slice %arg8[%add3A_268, %dma_start3A_286] : memref<125x80xi32, #tpu.memory_space<vmem>> -> memref<1x80xi32, #tpu.memory_space<vmem>>
      %dma_start3A_288 = tpu.memref_squeeze %dma_start3A_287 : memref<1x80xi32, #tpu.memory_space<vmem>> -> memref<80xi32, #tpu.memory_space<vmem>>
      %dma_start3A_289 = arith.constant 0 : i32
      %dma_start3A_290 = arith.constant 0 : i32
      %dma_start3A_291 = tpu.memref_slice %arg20[%dma_start3A_289, %dma_start3A_290] : memref<10000x128xbf16, #tpu.memory_space<vmem_shared>> -> memref<10000x128xbf16, #tpu.memory_space<vmem_shared>>
      tpu.enqueue_indirect_dma source(%arg16 : memref<80x128xbf16, #tpu.memory_space<vmem>>) target(%dma_start3A_291 : memref<10000x128xbf16, #tpu.memory_space<vmem_shared>>) offsets(%dma_start3A_288 : memref<80xi32, #tpu.memory_space<vmem>>) semaphore(%arg27 : memref<!tpu.dma_semaphore, #tpu.memory_space<semaphore_mem>>) {add = true}
      %add3A_292 = arith.constant 5 : i32
      %add3A_293 = arith.addi %add3A_268, %add3A_292 : i32
      %lt3A_294 = arith.constant 125 : i32
      %lt3A_295 = arith.cmpi slt, %add3A_293, %lt3A_294 : i32
      %convert_element_type3A_296 = arith.extui %lt3A_295 : i1 to i32
      %cond3A_297 = arith.constant 0 : i32
      %cond3A_298 = arith.cmpi ne, %convert_element_type3A_296, %cond3A_297 : i32
      scf.if %cond3A_298 {
        %add3A_395 = arith.constant 5 : i32
        %add3A_396 = arith.addi %add3A_268, %add3A_395 : i32
        %dma_start3A_397 = arith.constant 0 : i32
        %dma_start3A_398 = tpu.memref_slice %arg7[%add3A_396, %dma_start3A_397] : memref<125x80xi32, #tpu.memory_space<vmem>> -> memref<1x80xi32, #tpu.memory_space<vmem>>
        %dma_start3A_399 = tpu.memref_squeeze %dma_start3A_398 : memref<1x80xi32, #tpu.memory_space<vmem>> -> memref<80xi32, #tpu.memory_space<vmem>>
        %dma_start3A_400 = arith.constant 0 : i32
        %dma_start3A_401 = arith.constant 0 : i32
        %dma_start3A_402 = tpu.memref_slice %arg2[%dma_start3A_400, %dma_start3A_401] : memref<10000x128xbf16, #tpu.memory_space<hbm>> -> memref<10000x128xbf16, #tpu.memory_space<hbm>>
        tpu.enqueue_indirect_dma source(%dma_start3A_402 : memref<10000x128xbf16, #tpu.memory_space<hbm>>) target(%arg11 : memref<80x128xbf16, #tpu.memory_space<vmem>>) offsets(%dma_start3A_399 : memref<80xi32, #tpu.memory_space<vmem>>) semaphore(%arg22 : memref<!tpu.dma_semaphore, #tpu.memory_space<semaphore_mem>>)
      } else {
      }
      %add3A_299 = arith.constant 2 : i32
      %add3A_300 = arith.addi %mul3A_237, %add3A_299 : i32
      %dma_wait3A_301 = arith.constant 0 : i32
      %dma_wait3A_302 = arith.constant 0 : i32
      %dma_wait3A_303 = tpu.memref_slice %arg7[%dma_wait3A_301, %dma_wait3A_302] : memref<125x80xi32, #tpu.memory_space<vmem>> -> memref<1x80xi32, #tpu.memory_space<vmem>>
      %dma_wait3A_304 = tpu.memref_squeeze %dma_wait3A_303 : memref<1x80xi32, #tpu.memory_space<vmem>> -> memref<80xi32, #tpu.memory_space<vmem>>
      %dma_wait3A_305 = arith.constant 0 : i32
      %dma_wait3A_306 = arith.constant 0 : i32
      %dma_wait3A_307 = tpu.memref_slice %arg2[%dma_wait3A_305, %dma_wait3A_306] : memref<10000x128xbf16, #tpu.memory_space<hbm>> -> memref<10000x128xbf16, #tpu.memory_space<hbm>>
      tpu.wait_indirect_dma semaphore(%arg23 : memref<!tpu.dma_semaphore, #tpu.memory_space<semaphore_mem>>) src(%dma_wait3A_307 : memref<10000x128xbf16, #tpu.memory_space<hbm>>) dst(%arg12 : memref<80x128xbf16, #tpu.memory_space<vmem>>)
      %dma_wait3A_308 = arith.constant 0 : i32
      %dma_wait3A_309 = arith.constant 0 : i32
      %dma_wait3A_310 = tpu.memref_slice %arg8[%dma_wait3A_308, %dma_wait3A_309] : memref<125x80xi32, #tpu.memory_space<vmem>> -> memref<1x80xi32, #tpu.memory_space<vmem>>
      %dma_wait3A_311 = tpu.memref_squeeze %dma_wait3A_310 : memref<1x80xi32, #tpu.memory_space<vmem>> -> memref<80xi32, #tpu.memory_space<vmem>>
      %dma_wait3A_312 = arith.constant 0 : i32
      %dma_wait3A_313 = arith.constant 0 : i32
      %dma_wait3A_314 = tpu.memref_slice %arg20[%dma_wait3A_312, %dma_wait3A_313] : memref<10000x128xbf16, #tpu.memory_space<vmem_shared>> -> memref<10000x128xbf16, #tpu.memory_space<vmem_shared>>
      tpu.wait_indirect_dma semaphore(%arg28 : memref<!tpu.dma_semaphore, #tpu.memory_space<semaphore_mem>>) src(%arg17 : memref<80x128xbf16, #tpu.memory_space<vmem>>) dst(%dma_wait3A_314 : memref<10000x128xbf16, #tpu.memory_space<vmem_shared>>)
      %parallel_loop3A_315 = arith.constant 0 : i32
      %parallel_loop3A_316 = arith.constant 80 : i32
      %parallel_loop3A_317 = arith.constant 1 : i32
      scf.for %parallel_loop3A_395 = %parallel_loop3A_315 to %parallel_loop3A_316 step %parallel_loop3A_317  : i32 {
        %parallel_loop3A_396 = vector.broadcast %add3A_300 : i32 to vector<16xi32>
        %parallel_loop3A_397 = vector.broadcast %parallel_loop3A_395 : i32 to vector<16xi32>
        %parallel_loop3A_398 = tpu.vector_load_idx %arg9[%parallel_loop3A_396, %parallel_loop3A_397] : memref<125x80xf32, #tpu.memory_space<vmem>>[vector<16xi32>, vector<16xi32>], vector<16xf32>,
        %parallel_loop3A_399 = tpu.pack_subelements %parallel_loop3A_398, %parallel_loop3A_398 {pack_format = #tpu.pack_format<interleaved>, positions = array<i32: 0, 1>} : vector<16xf32>, vector<16xf32> -> vector<32xbf16>
        %parallel_loop3A_400 = arith.index_cast %parallel_loop3A_395 : i32 to index
        %parallel_loop3A_401 = arith.constant 0 : index
        %parallel_loop3A_402 = tpu.vector_load %arg12[%parallel_loop3A_400, %parallel_loop3A_401] {strides = array<i32>} : memref<80x128xbf16, #tpu.memory_space<vmem>>, vector<32xbf16>,
        %parallel_loop3A_403 = arith.mulf %parallel_loop3A_402, %parallel_loop3A_399 : vector<32xbf16>
        %parallel_loop3A_404 = arith.index_cast %parallel_loop3A_395 : i32 to index
        %parallel_loop3A_405 = arith.constant 0 : index
        %parallel_loop3A_406 = tpu.vector_load %arg17[%parallel_loop3A_404, %parallel_loop3A_405] {strides = array<i32>} : memref<80x128xbf16, #tpu.memory_space<vmem>>, vector<32xbf16>,
        tpu.vector_store %arg17[%parallel_loop3A_404, %parallel_loop3A_405], %parallel_loop3A_403 {strides = array<i32>} : memref<80x128xbf16, #tpu.memory_space<vmem>>, vector<32xbf16>,
        %parallel_loop3A_407 = arith.index_cast %parallel_loop3A_395 : i32 to index
        %parallel_loop3A_408 = arith.constant 32 : index
        %parallel_loop3A_409 = tpu.vector_load %arg12[%parallel_loop3A_407, %parallel_loop3A_408] {strides = array<i32>} : memref<80x128xbf16, #tpu.memory_space<vmem>>, vector<32xbf16>,
        %parallel_loop3A_410 = arith.mulf %parallel_loop3A_409, %parallel_loop3A_399 : vector<32xbf16>
        %parallel_loop3A_411 = arith.index_cast %parallel_loop3A_395 : i32 to index
        %parallel_loop3A_412 = arith.constant 32 : index
        %parallel_loop3A_413 = tpu.vector_load %arg17[%parallel_loop3A_411, %parallel_loop3A_412] {strides = array<i32>} : memref<80x128xbf16, #tpu.memory_space<vmem>>, vector<32xbf16>,
        tpu.vector_store %arg17[%parallel_loop3A_411, %parallel_loop3A_412], %parallel_loop3A_410 {strides = array<i32>} : memref<80x128xbf16, #tpu.memory_space<vmem>>, vector<32xbf16>,
        %parallel_loop3A_414 = arith.index_cast %parallel_loop3A_395 : i32 to index
        %parallel_loop3A_415 = arith.constant 64 : index
        %parallel_loop3A_416 = tpu.vector_load %arg12[%parallel_loop3A_414, %parallel_loop3A_415] {strides = array<i32>} : memref<80x128xbf16, #tpu.memory_space<vmem>>, vector<32xbf16>,
        %parallel_loop3A_417 = arith.mulf %parallel_loop3A_416, %parallel_loop3A_399 : vector<32xbf16>
        %parallel_loop3A_418 = arith.index_cast %parallel_loop3A_395 : i32 to index
        %parallel_loop3A_419 = arith.constant 64 : index
        %parallel_loop3A_420 = tpu.vector_load %arg17[%parallel_loop3A_418, %parallel_loop3A_419] {strides = array<i32>} : memref<80x128xbf16, #tpu.memory_space<vmem>>, vector<32xbf16>,
        tpu.vector_store %arg17[%parallel_loop3A_418, %parallel_loop3A_419], %parallel_loop3A_417 {strides = array<i32>} : memref<80x128xbf16, #tpu.memory_space<vmem>>, vector<32xbf16>,
        %parallel_loop3A_421 = arith.index_cast %parallel_loop3A_395 : i32 to index
        %parallel_loop3A_422 = arith.constant 96 : index
        %parallel_loop3A_423 = tpu.vector_load %arg12[%parallel_loop3A_421, %parallel_loop3A_422] {strides = array<i32>} : memref<80x128xbf16, #tpu.memory_space<vmem>>, vector<32xbf16>,
        %parallel_loop3A_424 = arith.mulf %parallel_loop3A_423, %parallel_loop3A_399 : vector<32xbf16>
        %parallel_loop3A_425 = arith.index_cast %parallel_loop3A_395 : i32 to index
        %parallel_loop3A_426 = arith.constant 96 : index
        %parallel_loop3A_427 = tpu.vector_load %arg17[%parallel_loop3A_425, %parallel_loop3A_426] {strides = array<i32>} : memref<80x128xbf16, #tpu.memory_space<vmem>>, vector<32xbf16>,
        tpu.vector_store %arg17[%parallel_loop3A_425, %parallel_loop3A_426], %parallel_loop3A_424 {strides = array<i32>} : memref<80x128xbf16, #tpu.memory_space<vmem>>, vector<32xbf16>,
      } {sc.loop_unroll_factor = 2 : i64, sc.parallel_access}
      %dma_start3A_318 = arith.constant 0 : i32
      %dma_start3A_319 = tpu.memref_slice %arg8[%add3A_300, %dma_start3A_318] : memref<125x80xi32, #tpu.memory_space<vmem>> -> memref<1x80xi32, #tpu.memory_space<vmem>>
      %dma_start3A_320 = tpu.memref_squeeze %dma_start3A_319 : memref<1x80xi32, #tpu.memory_space<vmem>> -> memref<80xi32, #tpu.memory_space<vmem>>
      %dma_start3A_321 = arith.constant 0 : i32
      %dma_start3A_322 = arith.constant 0 : i32
      %dma_start3A_323 = tpu.memref_slice %arg20[%dma_start3A_321, %dma_start3A_322] : memref<10000x128xbf16, #tpu.memory_space<vmem_shared>> -> memref<10000x128xbf16, #tpu.memory_space<vmem_shared>>
      tpu.enqueue_indirect_dma source(%arg17 : memref<80x128xbf16, #tpu.memory_space<vmem>>) target(%dma_start3A_323 : memref<10000x128xbf16, #tpu.memory_space<vmem_shared>>) offsets(%dma_start3A_320 : memref<80xi32, #tpu.memory_space<vmem>>) semaphore(%arg28 : memref<!tpu.dma_semaphore, #tpu.memory_space<semaphore_mem>>) {add = true}
      %add3A_324 = arith.constant 5 : i32
      %add3A_325 = arith.addi %add3A_300, %add3A_324 : i32
      %lt3A_326 = arith.constant 125 : i32
      %lt3A_327 = arith.cmpi slt, %add3A_325, %lt3A_326 : i32
      %convert_element_type3A_328 = arith.extui %lt3A_327 : i1 to i32
      %cond3A_329 = arith.constant 0 : i32
      %cond3A_330 = arith.cmpi ne, %convert_element_type3A_328, %cond3A_329 : i32
      scf.if %cond3A_330 {
        %add3A_395 = arith.constant 5 : i32
        %add3A_396 = arith.addi %add3A_300, %add3A_395 : i32
        %dma_start3A_397 = arith.constant 0 : i32
        %dma_start3A_398 = tpu.memref_slice %arg7[%add3A_396, %dma_start3A_397] : memref<125x80xi32, #tpu.memory_space<vmem>> -> memref<1x80xi32, #tpu.memory_space<vmem>>
        %dma_start3A_399 = tpu.memref_squeeze %dma_start3A_398 : memref<1x80xi32, #tpu.memory_space<vmem>> -> memref<80xi32, #tpu.memory_space<vmem>>
        %dma_start3A_400 = arith.constant 0 : i32
        %dma_start3A_401 = arith.constant 0 : i32
        %dma_start3A_402 = tpu.memref_slice %arg2[%dma_start3A_400, %dma_start3A_401] : memref<10000x128xbf16, #tpu.memory_space<hbm>> -> memref<10000x128xbf16, #tpu.memory_space<hbm>>
        tpu.enqueue_indirect_dma source(%dma_start3A_402 : memref<10000x128xbf16, #tpu.memory_space<hbm>>) target(%arg12 : memref<80x128xbf16, #tpu.memory_space<vmem>>) offsets(%dma_start3A_399 : memref<80xi32, #tpu.memory_space<vmem>>) semaphore(%arg23 : memref<!tpu.dma_semaphore, #tpu.memory_space<semaphore_mem>>)
      } else {
      }
      %add3A_331 = arith.constant 3 : i32
      %add3A_332 = arith.addi %mul3A_237, %add3A_331 : i32
      %dma_wait3A_333 = arith.constant 0 : i32
      %dma_wait3A_334 = arith.constant 0 : i32
      %dma_wait3A_335 = tpu.memref_slice %arg7[%dma_wait3A_333, %dma_wait3A_334] : memref<125x80xi32, #tpu.memory_space<vmem>> -> memref<1x80xi32, #tpu.memory_space<vmem>>
      %dma_wait3A_336 = tpu.memref_squeeze %dma_wait3A_335 : memref<1x80xi32, #tpu.memory_space<vmem>> -> memref<80xi32, #tpu.memory_space<vmem>>
      %dma_wait3A_337 = arith.constant 0 : i32
      %dma_wait3A_338 = arith.constant 0 : i32
      %dma_wait3A_339 = tpu.memref_slice %arg2[%dma_wait3A_337, %dma_wait3A_338] : memref<10000x128xbf16, #tpu.memory_space<hbm>> -> memref<10000x128xbf16, #tpu.memory_space<hbm>>
      tpu.wait_indirect_dma semaphore(%arg24 : memref<!tpu.dma_semaphore, #tpu.memory_space<semaphore_mem>>) src(%dma_wait3A_339 : memref<10000x128xbf16, #tpu.memory_space<hbm>>) dst(%arg13 : memref<80x128xbf16, #tpu.memory_space<vmem>>)
      %dma_wait3A_340 = arith.constant 0 : i32
      %dma_wait3A_341 = arith.constant 0 : i32
      %dma_wait3A_342 = tpu.memref_slice %arg8[%dma_wait3A_340, %dma_wait3A_341] : memref<125x80xi32, #tpu.memory_space<vmem>> -> memref<1x80xi32, #tpu.memory_space<vmem>>
      %dma_wait3A_343 = tpu.memref_squeeze %dma_wait3A_342 : memref<1x80xi32, #tpu.memory_space<vmem>> -> memref<80xi32, #tpu.memory_space<vmem>>
      %dma_wait3A_344 = arith.constant 0 : i32
      %dma_wait3A_345 = arith.constant 0 : i32
      %dma_wait3A_346 = tpu.memref_slice %arg20[%dma_wait3A_344, %dma_wait3A_345] : memref<10000x128xbf16, #tpu.memory_space<vmem_shared>> -> memref<10000x128xbf16, #tpu.memory_space<vmem_shared>>
      tpu.wait_indirect_dma semaphore(%arg29 : memref<!tpu.dma_semaphore, #tpu.memory_space<semaphore_mem>>) src(%arg18 : memref<80x128xbf16, #tpu.memory_space<vmem>>) dst(%dma_wait3A_346 : memref<10000x128xbf16, #tpu.memory_space<vmem_shared>>)
      %parallel_loop3A_347 = arith.constant 0 : i32
      %parallel_loop3A_348 = arith.constant 80 : i32
      %parallel_loop3A_349 = arith.constant 1 : i32
      scf.for %parallel_loop3A_395 = %parallel_loop3A_347 to %parallel_loop3A_348 step %parallel_loop3A_349  : i32 {
        %parallel_loop3A_396 = vector.broadcast %add3A_332 : i32 to vector<16xi32>
        %parallel_loop3A_397 = vector.broadcast %parallel_loop3A_395 : i32 to vector<16xi32>
        %parallel_loop3A_398 = tpu.vector_load_idx %arg9[%parallel_loop3A_396, %parallel_loop3A_397] : memref<125x80xf32, #tpu.memory_space<vmem>>[vector<16xi32>, vector<16xi32>], vector<16xf32>,
        %parallel_loop3A_399 = tpu.pack_subelements %parallel_loop3A_398, %parallel_loop3A_398 {pack_format = #tpu.pack_format<interleaved>, positions = array<i32: 0, 1>} : vector<16xf32>, vector<16xf32> -> vector<32xbf16>
        %parallel_loop3A_400 = arith.index_cast %parallel_loop3A_395 : i32 to index
        %parallel_loop3A_401 = arith.constant 0 : index
        %parallel_loop3A_402 = tpu.vector_load %arg13[%parallel_loop3A_400, %parallel_loop3A_401] {strides = array<i32>} : memref<80x128xbf16, #tpu.memory_space<vmem>>, vector<32xbf16>,
        %parallel_loop3A_403 = arith.mulf %parallel_loop3A_402, %parallel_loop3A_399 : vector<32xbf16>
        %parallel_loop3A_404 = arith.index_cast %parallel_loop3A_395 : i32 to index
        %parallel_loop3A_405 = arith.constant 0 : index
        %parallel_loop3A_406 = tpu.vector_load %arg18[%parallel_loop3A_404, %parallel_loop3A_405] {strides = array<i32>} : memref<80x128xbf16, #tpu.memory_space<vmem>>, vector<32xbf16>,
        tpu.vector_store %arg18[%parallel_loop3A_404, %parallel_loop3A_405], %parallel_loop3A_403 {strides = array<i32>} : memref<80x128xbf16, #tpu.memory_space<vmem>>, vector<32xbf16>,
        %parallel_loop3A_407 = arith.index_cast %parallel_loop3A_395 : i32 to index
        %parallel_loop3A_408 = arith.constant 32 : index
        %parallel_loop3A_409 = tpu.vector_load %arg13[%parallel_loop3A_407, %parallel_loop3A_408] {strides = array<i32>} : memref<80x128xbf16, #tpu.memory_space<vmem>>, vector<32xbf16>,
        %parallel_loop3A_410 = arith.mulf %parallel_loop3A_409, %parallel_loop3A_399 : vector<32xbf16>
        %parallel_loop3A_411 = arith.index_cast %parallel_loop3A_395 : i32 to index
        %parallel_loop3A_412 = arith.constant 32 : index
        %parallel_loop3A_413 = tpu.vector_load %arg18[%parallel_loop3A_411, %parallel_loop3A_412] {strides = array<i32>} : memref<80x128xbf16, #tpu.memory_space<vmem>>, vector<32xbf16>,
        tpu.vector_store %arg18[%parallel_loop3A_411, %parallel_loop3A_412], %parallel_loop3A_410 {strides = array<i32>} : memref<80x128xbf16, #tpu.memory_space<vmem>>, vector<32xbf16>,
        %parallel_loop3A_414 = arith.index_cast %parallel_loop3A_395 : i32 to index
        %parallel_loop3A_415 = arith.constant 64 : index
        %parallel_loop3A_416 = tpu.vector_load %arg13[%parallel_loop3A_414, %parallel_loop3A_415] {strides = array<i32>} : memref<80x128xbf16, #tpu.memory_space<vmem>>, vector<32xbf16>,
        %parallel_loop3A_417 = arith.mulf %parallel_loop3A_416, %parallel_loop3A_399 : vector<32xbf16>
        %parallel_loop3A_418 = arith.index_cast %parallel_loop3A_395 : i32 to index
        %parallel_loop3A_419 = arith.constant 64 : index
        %parallel_loop3A_420 = tpu.vector_load %arg18[%parallel_loop3A_418, %parallel_loop3A_419] {strides = array<i32>} : memref<80x128xbf16, #tpu.memory_space<vmem>>, vector<32xbf16>,
        tpu.vector_store %arg18[%parallel_loop3A_418, %parallel_loop3A_419], %parallel_loop3A_417 {strides = array<i32>} : memref<80x128xbf16, #tpu.memory_space<vmem>>, vector<32xbf16>,
        %parallel_loop3A_421 = arith.index_cast %parallel_loop3A_395 : i32 to index
        %parallel_loop3A_422 = arith.constant 96 : index
        %parallel_loop3A_423 = tpu.vector_load %arg13[%parallel_loop3A_421, %parallel_loop3A_422] {strides = array<i32>} : memref<80x128xbf16, #tpu.memory_space<vmem>>, vector<32xbf16>,
        %parallel_loop3A_424 = arith.mulf %parallel_loop3A_423, %parallel_loop3A_399 : vector<32xbf16>
        %parallel_loop3A_425 = arith.index_cast %parallel_loop3A_395 : i32 to index
        %parallel_loop3A_426 = arith.constant 96 : index
        %parallel_loop3A_427 = tpu.vector_load %arg18[%parallel_loop3A_425, %parallel_loop3A_426] {strides = array<i32>} : memref<80x128xbf16, #tpu.memory_space<vmem>>, vector<32xbf16>,
        tpu.vector_store %arg18[%parallel_loop3A_425, %parallel_loop3A_426], %parallel_loop3A_424 {strides = array<i32>} : memref<80x128xbf16, #tpu.memory_space<vmem>>, vector<32xbf16>,
      } {sc.loop_unroll_factor = 2 : i64, sc.parallel_access}
      %dma_start3A_350 = arith.constant 0 : i32
      %dma_start3A_351 = tpu.memref_slice %arg8[%add3A_332, %dma_start3A_350] : memref<125x80xi32, #tpu.memory_space<vmem>> -> memref<1x80xi32, #tpu.memory_space<vmem>>
      %dma_start3A_352 = tpu.memref_squeeze %dma_start3A_351 : memref<1x80xi32, #tpu.memory_space<vmem>> -> memref<80xi32, #tpu.memory_space<vmem>>
      %dma_start3A_353 = arith.constant 0 : i32
      %dma_start3A_354 = arith.constant 0 : i32
      %dma_start3A_355 = tpu.memref_slice %arg20[%dma_start3A_353, %dma_start3A_354] : memref<10000x128xbf16, #tpu.memory_space<vmem_shared>> -> memref<10000x128xbf16, #tpu.memory_space<vmem_shared>>
      tpu.enqueue_indirect_dma source(%arg18 : memref<80x128xbf16, #tpu.memory_space<vmem>>) target(%dma_start3A_355 : memref<10000x128xbf16, #tpu.memory_space<vmem_shared>>) offsets(%dma_start3A_352 : memref<80xi32, #tpu.memory_space<vmem>>) semaphore(%arg29 : memref<!tpu.dma_semaphore, #tpu.memory_space<semaphore_mem>>) {add = true}
      %add3A_356 = arith.constant 5 : i32
      %add3A_357 = arith.addi %add3A_332, %add3A_356 : i32
      %lt3A_358 = arith.constant 125 : i32
      %lt3A_359 = arith.cmpi slt, %add3A_357, %lt3A_358 : i32
      %convert_element_type3A_360 = arith.extui %lt3A_359 : i1 to i32
      %cond3A_361 = arith.constant 0 : i32
      %cond3A_362 = arith.cmpi ne, %convert_element_type3A_360, %cond3A_361 : i32
      scf.if %cond3A_362 {
        %add3A_395 = arith.constant 5 : i32
        %add3A_396 = arith.addi %add3A_332, %add3A_395 : i32
        %dma_start3A_397 = arith.constant 0 : i32
        %dma_start3A_398 = tpu.memref_slice %arg7[%add3A_396, %dma_start3A_397] : memref<125x80xi32, #tpu.memory_space<vmem>> -> memref<1x80xi32, #tpu.memory_space<vmem>>
        %dma_start3A_399 = tpu.memref_squeeze %dma_start3A_398 : memref<1x80xi32, #tpu.memory_space<vmem>> -> memref<80xi32, #tpu.memory_space<vmem>>
        %dma_start3A_400 = arith.constant 0 : i32
        %dma_start3A_401 = arith.constant 0 : i32
        %dma_start3A_402 = tpu.memref_slice %arg2[%dma_start3A_400, %dma_start3A_401] : memref<10000x128xbf16, #tpu.memory_space<hbm>> -> memref<10000x128xbf16, #tpu.memory_space<hbm>>
        tpu.enqueue_indirect_dma source(%dma_start3A_402 : memref<10000x128xbf16, #tpu.memory_space<hbm>>) target(%arg13 : memref<80x128xbf16, #tpu.memory_space<vmem>>) offsets(%dma_start3A_399 : memref<80xi32, #tpu.memory_space<vmem>>) semaphore(%arg24 : memref<!tpu.dma_semaphore, #tpu.memory_space<semaphore_mem>>)
      } else {
      }
      %add3A_363 = arith.constant 4 : i32
      %add3A_364 = arith.addi %mul3A_237, %add3A_363 : i32
      %dma_wait3A_365 = arith.constant 0 : i32
      %dma_wait3A_366 = arith.constant 0 : i32
      %dma_wait3A_367 = tpu.memref_slice %arg7[%dma_wait3A_365, %dma_wait3A_366] : memref<125x80xi32, #tpu.memory_space<vmem>> -> memref<1x80xi32, #tpu.memory_space<vmem>>
      %dma_wait3A_368 = tpu.memref_squeeze %dma_wait3A_367 : memref<1x80xi32, #tpu.memory_space<vmem>> -> memref<80xi32, #tpu.memory_space<vmem>>
      %dma_wait3A_369 = arith.constant 0 : i32
      %dma_wait3A_370 = arith.constant 0 : i32
      %dma_wait3A_371 = tpu.memref_slice %arg2[%dma_wait3A_369, %dma_wait3A_370] : memref<10000x128xbf16, #tpu.memory_space<hbm>> -> memref<10000x128xbf16, #tpu.memory_space<hbm>>
      tpu.wait_indirect_dma semaphore(%arg25 : memref<!tpu.dma_semaphore, #tpu.memory_space<semaphore_mem>>) src(%dma_wait3A_371 : memref<10000x128xbf16, #tpu.memory_space<hbm>>) dst(%arg14 : memref<80x128xbf16, #tpu.memory_space<vmem>>)
      %dma_wait3A_372 = arith.constant 0 : i32
      %dma_wait3A_373 = arith.constant 0 : i32
      %dma_wait3A_374 = tpu.memref_slice %arg8[%dma_wait3A_372, %dma_wait3A_373] : memref<125x80xi32, #tpu.memory_space<vmem>> -> memref<1x80xi32, #tpu.memory_space<vmem>>
      %dma_wait3A_375 = tpu.memref_squeeze %dma_wait3A_374 : memref<1x80xi32, #tpu.memory_space<vmem>> -> memref<80xi32, #tpu.memory_space<vmem>>
      %dma_wait3A_376 = arith.constant 0 : i32
      %dma_wait3A_377 = arith.constant 0 : i32
      %dma_wait3A_378 = tpu.memref_slice %arg20[%dma_wait3A_376, %dma_wait3A_377] : memref<10000x128xbf16, #tpu.memory_space<vmem_shared>> -> memref<10000x128xbf16, #tpu.memory_space<vmem_shared>>
      tpu.wait_indirect_dma semaphore(%arg30 : memref<!tpu.dma_semaphore, #tpu.memory_space<semaphore_mem>>) src(%arg19 : memref<80x128xbf16, #tpu.memory_space<vmem>>) dst(%dma_wait3A_378 : memref<10000x128xbf16, #tpu.memory_space<vmem_shared>>)
      %parallel_loop3A_379 = arith.constant 0 : i32
      %parallel_loop3A_380 = arith.constant 80 : i32
      %parallel_loop3A_381 = arith.constant 1 : i32
      scf.for %parallel_loop3A_395 = %parallel_loop3A_379 to %parallel_loop3A_380 step %parallel_loop3A_381  : i32 {
        %parallel_loop3A_396 = vector.broadcast %add3A_364 : i32 to vector<16xi32>
        %parallel_loop3A_397 = vector.broadcast %parallel_loop3A_395 : i32 to vector<16xi32>
        %parallel_loop3A_398 = tpu.vector_load_idx %arg9[%parallel_loop3A_396, %parallel_loop3A_397] : memref<125x80xf32, #tpu.memory_space<vmem>>[vector<16xi32>, vector<16xi32>], vector<16xf32>,
        %parallel_loop3A_399 = tpu.pack_subelements %parallel_loop3A_398, %parallel_loop3A_398 {pack_format = #tpu.pack_format<interleaved>, positions = array<i32: 0, 1>} : vector<16xf32>, vector<16xf32> -> vector<32xbf16>
        %parallel_loop3A_400 = arith.index_cast %parallel_loop3A_395 : i32 to index
        %parallel_loop3A_401 = arith.constant 0 : index
        %parallel_loop3A_402 = tpu.vector_load %arg14[%parallel_loop3A_400, %parallel_loop3A_401] {strides = array<i32>} : memref<80x128xbf16, #tpu.memory_space<vmem>>, vector<32xbf16>,
        %parallel_loop3A_403 = arith.mulf %parallel_loop3A_402, %parallel_loop3A_399 : vector<32xbf16>
        %parallel_loop3A_404 = arith.index_cast %parallel_loop3A_395 : i32 to index
        %parallel_loop3A_405 = arith.constant 0 : index
        %parallel_loop3A_406 = tpu.vector_load %arg19[%parallel_loop3A_404, %parallel_loop3A_405] {strides = array<i32>} : memref<80x128xbf16, #tpu.memory_space<vmem>>, vector<32xbf16>,
        tpu.vector_store %arg19[%parallel_loop3A_404, %parallel_loop3A_405], %parallel_loop3A_403 {strides = array<i32>} : memref<80x128xbf16, #tpu.memory_space<vmem>>, vector<32xbf16>,
        %parallel_loop3A_407 = arith.index_cast %parallel_loop3A_395 : i32 to index
        %parallel_loop3A_408 = arith.constant 32 : index
        %parallel_loop3A_409 = tpu.vector_load %arg14[%parallel_loop3A_407, %parallel_loop3A_408] {strides = array<i32>} : memref<80x128xbf16, #tpu.memory_space<vmem>>, vector<32xbf16>,
        %parallel_loop3A_410 = arith.mulf %parallel_loop3A_409, %parallel_loop3A_399 : vector<32xbf16>
        %parallel_loop3A_411 = arith.index_cast %parallel_loop3A_395 : i32 to index
        %parallel_loop3A_412 = arith.constant 32 : index
        %parallel_loop3A_413 = tpu.vector_load %arg19[%parallel_loop3A_411, %parallel_loop3A_412] {strides = array<i32>} : memref<80x128xbf16, #tpu.memory_space<vmem>>, vector<32xbf16>,
        tpu.vector_store %arg19[%parallel_loop3A_411, %parallel_loop3A_412], %parallel_loop3A_410 {strides = array<i32>} : memref<80x128xbf16, #tpu.memory_space<vmem>>, vector<32xbf16>,
        %parallel_loop3A_414 = arith.index_cast %parallel_loop3A_395 : i32 to index
        %parallel_loop3A_415 = arith.constant 64 : index
        %parallel_loop3A_416 = tpu.vector_load %arg14[%parallel_loop3A_414, %parallel_loop3A_415] {strides = array<i32>} : memref<80x128xbf16, #tpu.memory_space<vmem>>, vector<32xbf16>,
        %parallel_loop3A_417 = arith.mulf %parallel_loop3A_416, %parallel_loop3A_399 : vector<32xbf16>
        %parallel_loop3A_418 = arith.index_cast %parallel_loop3A_395 : i32 to index
        %parallel_loop3A_419 = arith.constant 64 : index
        %parallel_loop3A_420 = tpu.vector_load %arg19[%parallel_loop3A_418, %parallel_loop3A_419] {strides = array<i32>} : memref<80x128xbf16, #tpu.memory_space<vmem>>, vector<32xbf16>,
        tpu.vector_store %arg19[%parallel_loop3A_418, %parallel_loop3A_419], %parallel_loop3A_417 {strides = array<i32>} : memref<80x128xbf16, #tpu.memory_space<vmem>>, vector<32xbf16>,
        %parallel_loop3A_421 = arith.index_cast %parallel_loop3A_395 : i32 to index
        %parallel_loop3A_422 = arith.constant 96 : index
        %parallel_loop3A_423 = tpu.vector_load %arg14[%parallel_loop3A_421, %parallel_loop3A_422] {strides = array<i32>} : memref<80x128xbf16, #tpu.memory_space<vmem>>, vector<32xbf16>,
        %parallel_loop3A_424 = arith.mulf %parallel_loop3A_423, %parallel_loop3A_399 : vector<32xbf16>
        %parallel_loop3A_425 = arith.index_cast %parallel_loop3A_395 : i32 to index
        %parallel_loop3A_426 = arith.constant 96 : index
        %parallel_loop3A_427 = tpu.vector_load %arg19[%parallel_loop3A_425, %parallel_loop3A_426] {strides = array<i32>} : memref<80x128xbf16, #tpu.memory_space<vmem>>, vector<32xbf16>,
        tpu.vector_store %arg19[%parallel_loop3A_425, %parallel_loop3A_426], %parallel_loop3A_424 {strides = array<i32>} : memref<80x128xbf16, #tpu.memory_space<vmem>>, vector<32xbf16>,
      } {sc.loop_unroll_factor = 2 : i64, sc.parallel_access}
      %dma_start3A_382 = arith.constant 0 : i32
      %dma_start3A_383 = tpu.memref_slice %arg8[%add3A_364, %dma_start3A_382] : memref<125x80xi32, #tpu.memory_space<vmem>> -> memref<1x80xi32, #tpu.memory_space<vmem>>
      %dma_start3A_384 = tpu.memref_squeeze %dma_start3A_383 : memref<1x80xi32, #tpu.memory_space<vmem>> -> memref<80xi32, #tpu.memory_space<vmem>>
      %dma_start3A_385 = arith.constant 0 : i32
      %dma_start3A_386 = arith.constant 0 : i32
      %dma_start3A_387 = tpu.memref_slice %arg20[%dma_start3A_385, %dma_start3A_386] : memref<10000x128xbf16, #tpu.memory_space<vmem_shared>> -> memref<10000x128xbf16, #tpu.memory_space<vmem_shared>>
      tpu.enqueue_indirect_dma source(%arg19 : memref<80x128xbf16, #tpu.memory_space<vmem>>) target(%dma_start3A_387 : memref<10000x128xbf16, #tpu.memory_space<vmem_shared>>) offsets(%dma_start3A_384 : memref<80xi32, #tpu.memory_space<vmem>>) semaphore(%arg30 : memref<!tpu.dma_semaphore, #tpu.memory_space<semaphore_mem>>) {add = true}
      %add3A_388 = arith.constant 5 : i32
      %add3A_389 = arith.addi %add3A_364, %add3A_388 : i32
      %lt3A_390 = arith.constant 125 : i32
      %lt3A_391 = arith.cmpi slt, %add3A_389, %lt3A_390 : i32
      %convert_element_type3A_392 = arith.extui %lt3A_391 : i1 to i32
      %cond3A_393 = arith.constant 0 : i32
      %cond3A_394 = arith.cmpi ne, %convert_element_type3A_392, %cond3A_393 : i32
      scf.if %cond3A_394 {
        %add3A_395 = arith.constant 5 : i32
        %add3A_396 = arith.addi %add3A_364, %add3A_395 : i32
        %dma_start3A_397 = arith.constant 0 : i32
        %dma_start3A_398 = tpu.memref_slice %arg7[%add3A_396, %dma_start3A_397] : memref<125x80xi32, #tpu.memory_space<vmem>> -> memref<1x80xi32, #tpu.memory_space<vmem>>
        %dma_start3A_399 = tpu.memref_squeeze %dma_start3A_398 : memref<1x80xi32, #tpu.memory_space<vmem>> -> memref<80xi32, #tpu.memory_space<vmem>>
        %dma_start3A_400 = arith.constant 0 : i32
        %dma_start3A_401 = arith.constant 0 : i32
        %dma_start3A_402 = tpu.memref_slice %arg2[%dma_start3A_400, %dma_start3A_401] : memref<10000x128xbf16, #tpu.memory_space<hbm>> -> memref<10000x128xbf16, #tpu.memory_space<hbm>>
        tpu.enqueue_indirect_dma source(%dma_start3A_402 : memref<10000x128xbf16, #tpu.memory_space<hbm>>) target(%arg14 : memref<80x128xbf16, #tpu.memory_space<vmem>>) offsets(%dma_start3A_399 : memref<80xi32, #tpu.memory_space<vmem>>) semaphore(%arg25 : memref<!tpu.dma_semaphore, #tpu.memory_space<semaphore_mem>>)
      } else {
      }
    }
    %scan3A_196 = arith.constant 24 : i32
    %dma_wait3A_197 = arith.constant 0 : i32
    %dma_wait3A_198 = arith.constant 0 : i32
    %dma_wait3A_199 = tpu.memref_slice %arg8[%dma_wait3A_197, %dma_wait3A_198] : memref<125x80xi32, #tpu.memory_space<vmem>> -> memref<1x80xi32, #tpu.memory_space<vmem>>
    %dma_wait3A_200 = tpu.memref_squeeze %dma_wait3A_199 : memref<1x80xi32, #tpu.memory_space<vmem>> -> memref<80xi32, #tpu.memory_space<vmem>>
    %dma_wait3A_201 = arith.constant 0 : i32
    %dma_wait3A_202 = arith.constant 0 : i32
    %dma_wait3A_203 = tpu.memref_slice %arg20[%dma_wait3A_201, %dma_wait3A_202] : memref<10000x128xbf16, #tpu.memory_space<vmem_shared>> -> memref<10000x128xbf16, #tpu.memory_space<vmem_shared>>
    tpu.wait_indirect_dma semaphore(%arg26 : memref<!tpu.dma_semaphore, #tpu.memory_space<semaphore_mem>>) src(%arg15 : memref<80x128xbf16, #tpu.memory_space<vmem>>) dst(%dma_wait3A_203 : memref<10000x128xbf16, #tpu.memory_space<vmem_shared>>)
    %dma_wait3A_204 = arith.constant 0 : i32
    %dma_wait3A_205 = arith.constant 0 : i32
    %dma_wait3A_206 = tpu.memref_slice %arg8[%dma_wait3A_204, %dma_wait3A_205] : memref<125x80xi32, #tpu.memory_space<vmem>> -> memref<1x80xi32, #tpu.memory_space<vmem>>
    %dma_wait3A_207 = tpu.memref_squeeze %dma_wait3A_206 : memref<1x80xi32, #tpu.memory_space<vmem>> -> memref<80xi32, #tpu.memory_space<vmem>>
    %dma_wait3A_208 = arith.constant 0 : i32
    %dma_wait3A_209 = arith.constant 0 : i32
    %dma_wait3A_210 = tpu.memref_slice %arg20[%dma_wait3A_208, %dma_wait3A_209] : memref<10000x128xbf16, #tpu.memory_space<vmem_shared>> -> memref<10000x128xbf16, #tpu.memory_space<vmem_shared>>
    tpu.wait_indirect_dma semaphore(%arg27 : memref<!tpu.dma_semaphore, #tpu.memory_space<semaphore_mem>>) src(%arg16 : memref<80x128xbf16, #tpu.memory_space<vmem>>) dst(%dma_wait3A_210 : memref<10000x128xbf16, #tpu.memory_space<vmem_shared>>)
    %dma_wait3A_211 = arith.constant 0 : i32
    %dma_wait3A_212 = arith.constant 0 : i32
    %dma_wait3A_213 = tpu.memref_slice %arg8[%dma_wait3A_211, %dma_wait3A_212] : memref<125x80xi32, #tpu.memory_space<vmem>> -> memref<1x80xi32, #tpu.memory_space<vmem>>
    %dma_wait3A_214 = tpu.memref_squeeze %dma_wait3A_213 : memref<1x80xi32, #tpu.memory_space<vmem>> -> memref<80xi32, #tpu.memory_space<vmem>>
    %dma_wait3A_215 = arith.constant 0 : i32
    %dma_wait3A_216 = arith.constant 0 : i32
    %dma_wait3A_217 = tpu.memref_slice %arg20[%dma_wait3A_215, %dma_wait3A_216] : memref<10000x128xbf16, #tpu.memory_space<vmem_shared>> -> memref<10000x128xbf16, #tpu.memory_space<vmem_shared>>
    tpu.wait_indirect_dma semaphore(%arg28 : memref<!tpu.dma_semaphore, #tpu.memory_space<semaphore_mem>>) src(%arg17 : memref<80x128xbf16, #tpu.memory_space<vmem>>) dst(%dma_wait3A_217 : memref<10000x128xbf16, #tpu.memory_space<vmem_shared>>)
    %dma_wait3A_218 = arith.constant 0 : i32
    %dma_wait3A_219 = arith.constant 0 : i32
    %dma_wait3A_220 = tpu.memref_slice %arg8[%dma_wait3A_218, %dma_wait3A_219] : memref<125x80xi32, #tpu.memory_space<vmem>> -> memref<1x80xi32, #tpu.memory_space<vmem>>
    %dma_wait3A_221 = tpu.memref_squeeze %dma_wait3A_220 : memref<1x80xi32, #tpu.memory_space<vmem>> -> memref<80xi32, #tpu.memory_space<vmem>>
    %dma_wait3A_222 = arith.constant 0 : i32
    %dma_wait3A_223 = arith.constant 0 : i32
    %dma_wait3A_224 = tpu.memref_slice %arg20[%dma_wait3A_222, %dma_wait3A_223] : memref<10000x128xbf16, #tpu.memory_space<vmem_shared>> -> memref<10000x128xbf16, #tpu.memory_space<vmem_shared>>
    tpu.wait_indirect_dma semaphore(%arg29 : memref<!tpu.dma_semaphore, #tpu.memory_space<semaphore_mem>>) src(%arg18 : memref<80x128xbf16, #tpu.memory_space<vmem>>) dst(%dma_wait3A_224 : memref<10000x128xbf16, #tpu.memory_space<vmem_shared>>)
    %dma_wait3A_225 = arith.constant 0 : i32
    %dma_wait3A_226 = arith.constant 0 : i32
    %dma_wait3A_227 = tpu.memref_slice %arg8[%dma_wait3A_225, %dma_wait3A_226] : memref<125x80xi32, #tpu.memory_space<vmem>> -> memref<1x80xi32, #tpu.memory_space<vmem>>
    %dma_wait3A_228 = tpu.memref_squeeze %dma_wait3A_227 : memref<1x80xi32, #tpu.memory_space<vmem>> -> memref<80xi32, #tpu.memory_space<vmem>>
    %dma_wait3A_229 = arith.constant 0 : i32
    %dma_wait3A_230 = arith.constant 0 : i32
    %dma_wait3A_231 = tpu.memref_slice %arg20[%dma_wait3A_229, %dma_wait3A_230] : memref<10000x128xbf16, #tpu.memory_space<vmem_shared>> -> memref<10000x128xbf16, #tpu.memory_space<vmem_shared>>
    tpu.wait_indirect_dma semaphore(%arg30 : memref<!tpu.dma_semaphore, #tpu.memory_space<semaphore_mem>>) src(%arg19 : memref<80x128xbf16, #tpu.memory_space<vmem>>) dst(%dma_wait3A_231 : memref<10000x128xbf16, #tpu.memory_space<vmem_shared>>)
    %barrier3A_232 = arith.constant 0 : index
    tpu.barrier barrier_id(%barrier3A_232)
    %mul3A_233 = arith.constant 625 : i32
    %mul3A_234 = arith.muli %arg1, %mul3A_233 : i32
    "tpu.region"() ({
      %run_scoped3A = tpu.sem_alloc : memref<!tpu.dma_semaphore, #tpu.memory_space<semaphore_mem>>
      %dma_start3A_235 = arith.constant 0 : i32
      %dma_start3A_236 = tpu.memref_slice %arg6[%arg0, %mul3A_234, %dma_start3A_235] : memref<2x10000x128xbf16, #tpu.memory_space<hbm>> -> memref<1x625x128xbf16, #tpu.memory_space<hbm>>
      %dma_start3A_237 = tpu.memref_squeeze %dma_start3A_236 : memref<1x625x128xbf16, #tpu.memory_space<hbm>> -> memref<625x128xbf16, #tpu.memory_space<hbm>>
      %dma_start3A_238 = arith.constant 0 : i32
      %dma_start3A_239 = tpu.memref_slice %arg20[%mul3A_234, %dma_start3A_238] : memref<10000x128xbf16, #tpu.memory_space<vmem_shared>> -> memref<625x128xbf16, #tpu.memory_space<vmem_shared>>
      tpu.enqueue_dma source(%dma_start3A_239 : memref<625x128xbf16, #tpu.memory_space<vmem_shared>>) target(%dma_start3A_237 : memref<625x128xbf16, #tpu.memory_space<hbm>>) target_semaphore(%run_scoped3A : memref<!tpu.dma_semaphore, #tpu.memory_space<semaphore_mem>>)
      %dma_wait3A_240 = arith.constant 0 : i32
      %dma_wait3A_241 = tpu.memref_slice %arg6[%arg0, %mul3A_234, %dma_wait3A_240] : memref<2x10000x128xbf16, #tpu.memory_space<hbm>> -> memref<1x625x128xbf16, #tpu.memory_space<hbm>>
      %dma_wait3A_242 = tpu.memref_squeeze %dma_wait3A_241 : memref<1x625x128xbf16, #tpu.memory_space<hbm>> -> memref<625x128xbf16, #tpu.memory_space<hbm>>
      %dma_wait3A_243 = arith.constant 0 : i32
      %dma_wait3A_244 = tpu.memref_slice %arg20[%mul3A_234, %dma_wait3A_243] : memref<10000x128xbf16, #tpu.memory_space<vmem_shared>> -> memref<625x128xbf16, #tpu.memory_space<vmem_shared>>
      tpu.wait_dma2 semaphore(%run_scoped3A : memref<!tpu.dma_semaphore, #tpu.memory_space<semaphore_mem>>) src(%dma_wait3A_244 : memref<625x128xbf16, #tpu.memory_space<vmem_shared>>) dst(%dma_wait3A_242 : memref<625x128xbf16, #tpu.memory_space<hbm>>)
      tpu.yield
    }) : () -> ()
    return
  }
}

module attributes {stable_mosaic.version = 14 : i64} {
  func.func @_combine_body(%arg0: i32, %arg1: memref<3xf32, #tpu.memory_space<smem>>, %arg2: memref<2x1000x128xbf16, #tpu.memory_space<vmem>>, %arg3: memref<1000x128xf32, #tpu.memory_space<vmem>>, %arg4: memref<1000x128xf32, #tpu.memory_space<vmem>>) attributes {dimension_semantics = [#tpu.dimension_semantics<arbitrary>], iteration_bounds = array<i64: 10>, scalar_prefetch = 0 : i64, scratch_operands = 0 : i64, tpu.core_type = #tpu.core_type<tc>, window_params = [{transform_indices = @transform_0, window_bounds = array<i64: 3>}, {transform_indices = @transform_1, window_bounds = array<i64: 2, 1000, 128>}, {transform_indices = @transform_2, window_bounds = array<i64: 1000, 128>}, {transform_indices = @transform_3, window_bounds = array<i64: 1000, 128>}]} {
    %get3A = arith.constant 0 : index
    %get3A_0 = memref.load %arg1[%get3A] : memref<3xf32, #tpu.memory_space<smem>>
    %get3A_1 = arith.constant 1 : index
    %get3A_2 = memref.load %arg1[%get3A_1] : memref<3xf32, #tpu.memory_space<smem>>
    %get3A_3 = arith.constant 2 : index
    %get3A_4 = memref.load %arg1[%get3A_3] : memref<3xf32, #tpu.memory_space<smem>>
    %get3A_5 = arith.constant 0 : index
    %get3A_6 = arith.constant 0 : index
    %get3A_7 = arith.constant 0 : index
    %get3A_8 = vector.load %arg2[%get3A_5, %get3A_6, %get3A_7] : memref<2x1000x128xbf16, #tpu.memory_space<vmem>>, vector<1x1000x128xbf16>
    %get3A_9 = vector.shape_cast %get3A_8 : vector<1x1000x128xbf16> to vector<1000x128xbf16>
    %convert_element_type3A = arith.extf %get3A_9 : vector<1000x128xbf16> to vector<1000x128xf32>
    %get3A_10 = arith.constant 1 : index
    %get3A_11 = arith.constant 0 : index
    %get3A_12 = arith.constant 0 : index
    %get3A_13 = vector.load %arg2[%get3A_10, %get3A_11, %get3A_12] : memref<2x1000x128xbf16, #tpu.memory_space<vmem>>, vector<1x1000x128xbf16>
    %get3A_14 = vector.shape_cast %get3A_13 : vector<1x1000x128xbf16> to vector<1000x128xbf16>
    %convert_element_type3A_15 = arith.extf %get3A_14 : vector<1000x128xbf16> to vector<1000x128xf32>
    %add3A = arith.addf %convert_element_type3A, %convert_element_type3A_15 : vector<1000x128xf32>
    %mul3A = vector.broadcast %get3A_0 : f32 to vector<1000x128xf32>
    %mul3A_16 = arith.mulf %add3A, %mul3A : vector<1000x128xf32>
    %get3A_17 = arith.constant 0 : index
    %get3A_18 = arith.constant 0 : index
    %get3A_19 = vector.load %arg3[%get3A_17, %get3A_18] : memref<1000x128xf32, #tpu.memory_space<vmem>>, vector<1000x128xf32>
    %mul3A_20 = vector.broadcast %get3A_2 : f32 to vector<1000x128xf32>
    %mul3A_21 = arith.mulf %get3A_19, %mul3A_20 : vector<1000x128xf32>
    %add3A_22 = arith.addf %mul3A_16, %mul3A_21 : vector<1000x128xf32>
    %add3A_23 = vector.broadcast %get3A_4 : f32 to vector<1000x128xf32>
    %add3A_24 = arith.addf %add3A_22, %add3A_23 : vector<1000x128xf32>
    %swap3A = arith.constant 0 : index
    %swap3A_25 = arith.constant 0 : index
    %swap3A_26 = vector.load %arg4[%swap3A, %swap3A_25] : memref<1000x128xf32, #tpu.memory_space<vmem>>, vector<1000x128xf32>
    tpu.vector_store %arg4[%swap3A, %swap3A_25], %add3A_24 {strides = array<i32>} : memref<1000x128xf32, #tpu.memory_space<vmem>>, vector<1000x128xf32>,
    return
  }
  func.func @transform_0(%arg0: i32) -> i32 {
    %c0_i32 = arith.constant 0 : i32
    %c0_i32_0 = arith.constant 0 : i32
    return %c0_i32 : i32
  }
  func.func @transform_1(%arg0: i32) -> (i32, i32, i32) {
    %c0_i32 = arith.constant 0 : i32
    %c0_i32_0 = arith.constant 0 : i32
    %c0_i32_1 = arith.constant 0 : i32
    return %c0_i32, %arg0, %c0_i32_0 : i32, i32, i32
  }
  func.func @transform_2(%arg0: i32) -> (i32, i32) {
    %c0_i32 = arith.constant 0 : i32
    %c0_i32_0 = arith.constant 0 : i32
    return %arg0, %c0_i32 : i32, i32
  }
  func.func @transform_3(%arg0: i32) -> (i32, i32) {
    %c0_i32 = arith.constant 0 : i32
    %c0_i32_0 = arith.constant 0 : i32
    return %arg0, %c0_i32 : i32, i32
  }
}

</mosaic_0001>

<sc_bundles>
// kernel: kernel.4.cloned.1.call-start
scs
__scs_entry_jumppad:
0x0: {  	(pc) =	sbr.rel $0x88, $3  }
0x1: {  	(tag) =	ssettag $0x0;
	lr =	simm.s32 $0x1  }
0x2: {  	[smem:$0x3F9C] =	sst lr;
	_ =	strace $0xD0000000  }
0x3: {  	_ = 	snop  }
0x4: {  	_ = 	snop  }
0x5: {  	_ = 	snop  }
0x6: {  	_ = 	snop  }
0x7: {  	_ = 	snop  }
__scs_overlays_trampoline_lowered:
0x8: {  	[smem:$0x3FAB] =	sst s0  }
0x9: {  	[smem:$0x3FAC] =	sst s1  }
0xa: {  	[smem:$0x3FAD] =	sst s2  }
0xb: {  	[smem:$0x3FAE] =	sst s3  }
0xc: {  	[smem:$0x3FAF] =	sst s4  }
0xd: {  	[smem:$0x3FB0] =	sst s5  }
0xe: {  	[smem:$0x3FB1] =	sst s6  }
0xf: {  	[smem:$0x3FB2] =	sst s7  }
0x10: {  	[smem:$0x3FB3] =	sst s8  }
0x11: {  	[smem:$0x3FB4] =	sst s9;
	s0 =	simm.s32 @!p0 $0x0  }
0x12: {  	s1 =	sld [smem:$0x3F9A];
	s0 =	simm.s32 @p0 $0x1  }
0x13: {  	[smem:$0x3FB5] =	sst s0;
	s0 =	simm.s32 @!p1 $0x0  }
0x14: {  	s2 =	sld [smem:$0x3F99];
	s0 =	simm.s32 @p1 $0x1  }
0x15: {  	[smem:$0x3FB6] =	sst s0;
	s0 =	simm.s32 @!p2 $0x0  }
0x16: {  	s3 =	sld [smem:$0x3FDB];
	s0 =	simm.s32 @p2 $0x1  }
0x17: {  	s4 =	simm.s32 $0x1BF5;
	[smem:$0x3FB8] =	sst s0  }
0x18: {  	s0 =	sld [smem:$0x3F9B];
	_ =	swait.ge [sflag:s4], $0x0  }
0x19: {  	s7 =	sld [smem:$0x3F9C]  }
0x1a: {  	s8 =	sadd.s32 $0xFFFFE003, lr  }
0x1b: {  	s9 =	sadd.s32 $0xFFFFFEF7, lr;
	s5 =	simm.s32 $0xFFFFFFFF;
	p2 =	slt.u32 s8, $0xFFFFF086  }
0x1c: {  	p1 =	slt.u32 s9, $0xF7A;
	s5 =	simm.s32 @!p2 $0x0  }
0x1d: {  	s5 =	simm.s32 @p1 $0x1;
	p0 =	seq.s32 s7, s2  }
0x1e: {  	s7 =	smul.u32 @!p0 $0xF7A, s2;
	p2 =	seq.s32 @!p0 s5, $0x0  }
0x1f: {  	s9 =	smul.u32 $0xF7A, s1;
	s8 =	simm.s32 @!p0 $0x1BF5;
	p2 =	por !p2, p0  }
0x20: {  	[sflag:s8] =	ssyncset.s32 @!p0 $0xFFFFF086;
	s6 =	sadd.s32 @!p0 s3, s7;
	s7 =	simm.s32 @!p0 $0x108  }
0x21: {  	s3 =	sadd.s32 s3, s9;
	s6 =	sadd.s32 @!p0 $0x88, s6;
	s7 =	simm.s32 @p2 $0x1082  }
0x22: {  	[simem:s7], [sflag:s8] =	dma.local @!p0 [hbm:s6], $0xF7A  }
0x23: {  	s9 =	sor.u32 $0xD0000000, s2;
	s6 =	simm.s32 $0x108;
	_ =	swait.ge @!p0 [sflag:s8], $0x0  }
0x24: {  	s3 =	sadd.s32 $0x88, s3;
	s6 =	simm.s32 @!p1 $0x1082;
	[sflag:s4] =	ssyncset.s32 $0xFFFFF086  }
0x25: {  	[simem:s6], [sflag:s4] =	dma.local [hbm:s3], $0xF7A  }
0x26: {  	[smem:$0x3F9C] =	sst s1;
	(tag) =	ssettag s2;
	_ =	strace s9  }
0x27: {  	s1 =	sld [smem:$0x3FAC]  }
0x28: {  	s2 =	sld [smem:$0x3FAD]  }
0x29: {  	s4 =	sld [smem:$0x3FAF]  }
0x2a: {  	p0 =	seq.s32 s5, $0x0;
	s5 =	sld [smem:$0x3FB0]  }
0x2b: {  	s6 =	sld [smem:$0x3FB1]  }
0x2c: {  	s7 =	sld [smem:$0x3FB2]  }
0x2d: {  	s3 =	simm.s32 $0x108;
	s8 =	sld [smem:$0x3FB3]  }
0x2e: {  	s3 =	simm.s32 @!p0 $0x1082;
	s9 =	sld [smem:$0x3FB4]  }
0x2f: {  	lr =	sadd.s32 s0, s3;
	s0 =	sld [smem:$0x3FAB]  }
0x30: {  	s3 =	sld [smem:$0x3FAE]  }
0x31: {  	[smem:$0x3FB7] =	sst s10  }
0x32: {  	s10 =	sld [smem:$0x3FB5];
	_ =	sdelay $0x3  }
0x33: {  	p0 =	seq.s32 s10, $0x1;
	s10 =	sld [smem:$0x3FB7];
	_ =	sdelay $0x3  }
0x34: {  	[smem:$0x3FB7] =	sst s10  }
0x35: {  	s10 =	sld [smem:$0x3FB6];
	_ =	sdelay $0x3  }
0x36: {  	p1 =	seq.s32 s10, $0x1;
	s10 =	sld [smem:$0x3FB7];
	_ =	sdelay $0x3  }
0x37: {  	[smem:$0x3FB7] =	sst s10  }
0x38: {  	s10 =	sld [smem:$0x3FB8]  }
0x39: {  	_ = 	snop;
	(pc) =	sbr.ind lr, $3  }
0x3a: {  	_ = 	snop  }
0x3b: {  	_ = 	snop  }
0x3c: {  	p2 =	seq.s32 s10, $0x1;
	s10 =	sld [smem:$0x3FB7]  }
0x3d: {  	_ =	shalt  }
0x3e: {  	_ =	shalt  }
0x3f: {  	_ =	shalt  }
0x40: {  	_ =	shalt  }
0x41: {  	_ =	shalt  }
0x42: {  	_ =	shalt  }
0x43: {  	_ =	shalt  }
0x44: {  	_ =	shalt  }
0x45: {  	_ =	shalt  }
0x46: {  	_ =	shalt  }
0x47: {  	_ =	shalt  }
0x48: {  	_ =	shalt  }
0x49: {  	_ =	shalt  }
0x4a: {  	_ =	shalt  }
0x4b: {  	_ =	shalt  }
0x4c: {  	_ =	shalt  }
0x4d: {  	_ =	shalt  }
0x4e: {  	_ =	shalt  }
0x4f: {  	_ =	shalt  }
0x50: {  	_ =	shalt  }
0x51: {  	_ =	shalt  }
0x52: {  	_ =	shalt  }
0x53: {  	_ =	shalt  }
0x54: {  	_ =	shalt  }
0x55: {  	_ =	shalt  }
0x56: {  	_ =	shalt  }
0x57: {  	_ =	shalt  }
0x58: {  	_ =	shalt  }
0x59: {  	_ =	shalt  }
0x5a: {  	_ =	shalt  }
0x5b: {  	_ =	shalt  }
0x5c: {  	_ =	shalt  }
0x5d: {  	_ =	shalt  }
0x5e: {  	_ =	shalt  }
0x5f: {  	_ =	shalt  }
0x60: {  	_ =	shalt  }
0x61: {  	_ =	shalt  }
0x62: {  	_ =	shalt  }
0x63: {  	_ =	shalt  }
0x64: {  	_ =	shalt  }
0x65: {  	_ =	shalt  }
0x66: {  	_ =	shalt  }
0x67: {  	_ =	shalt  }
0x68: {  	_ =	shalt  }
0x69: {  	_ =	shalt  }
0x6a: {  	_ =	shalt  }
0x6b: {  	_ =	shalt  }
0x6c: {  	_ =	shalt  }
0x6d: {  	_ =	shalt  }
0x6e: {  	_ =	shalt  }
0x6f: {  	_ =	shalt  }
0x70: {  	_ =	shalt  }
0x71: {  	_ =	shalt  }
0x72: {  	_ =	shalt  }
0x73: {  	_ =	shalt  }
0x74: {  	_ =	shalt  }
0x75: {  	_ =	shalt  }
0x76: {  	_ =	shalt  }
0x77: {  	_ =	shalt  }
0x78: {  	_ =	shalt  }
0x79: {  	_ =	shalt  }
0x7a: {  	_ =	shalt  }
0x7b: {  	_ =	shalt  }
0x7c: {  	_ =	shalt  }
0x7d: {  	_ =	shalt  }
0x7e: {  	_ =	shalt  }
0x7f: {  	_ =	shalt  }
0x80: {  	_ =	shalt  }
0x81: {  	_ =	shalt  }
0x82: {  	_ =	shalt  }
0x83: {  	_ =	shalt  }
0x84: {  	_ =	shalt  }
0x85: {  	_ =	shalt  }
0x86: {  	_ =	shalt  }
0x87: {  	_ =	shalt  }
.Lfunc_end0:
.L_simem_size_0:
called_computation_lowered:
.L_overlay_start_0:
0x88: {  	s2 =	sld [smem:$0x3FD9]  }
0x89: {  	s3 =	sld [smem:$0x3FFE];
	_ =	sdelay $0x1  }
0x8a: {  	s1 =	srdreg.scid  }
0x8b: {  	s0 =	sand.u32 $0x1, s1  }
0x8c: {  	s17 =	sshll.u32 s0, $0xA;
	s2 =	sadd.s32 s3, s2  }
0x8d: {  	s2 =	sadd.s32 s2, s17  }
0x8e: {  	[smem:$0x3FC3] =	sst s2  }
0x8f: {  	_ = 	snop  }
0x90: {  	s2 =	sld [smem:$0x3FC7]  }
0x91: {  	s18 =	sld [smem:$0x3FD0];
	(tm) =	ssettm $0x1  }
0x92: {  	s4 =	sld [smem:$0x3FFB];
	_ =	sdelay $0x3  }
0x93: {  	_ =	strace s4  }
0x94: {  	s4 =	sld [smem:$0x3FFC];
	_ =	sdelay $0x3  }
0x95: {  	_ =	strace s4  }
0x96: {  	s4 =	sld [smem:$0x3FFD];
	_ =	sdelay $0x3  }
0x97: {  	_ =	strace s4  }
0x98: {  	_ =	strace $0x8FFFFFFF  }
0x99: {  	s19 =	sld [smem:$0x3FDB];
	_ =	sdelay $0x1  }
0x9a: {  	s5 =	simm.s32 $_scs_section_size  }
0x9b: {  	s6 =	simm.s32 $_size__tile_overlayer_lowered;
	s7 =	simm.s32 $_tile_overlayer_lowered  }
0x9c: {  	s22 =	simm.s32 $0x1BFF;
	s21 =	sshll.u32 s7, $0x1;
	s4 =	sadd.s32 s5, s19  }
0x9d: {  	s8 =	simm.s32 $0x0;
	s20 =	sshll.u32 s6, $0x1;
	s6 =	sadd.s32 s21, s4  }
0x9e: {  	[timem:s8], [sflag:s22] =	dma.local [hbm:s6], s20  }
0x9f: {  	_ =	swait.ge [sflag:s22], s20  }
0xa0: {  	s5 =	ssub.s32 $0x0, s20;
	[sflag:s22] =	ssyncset.done $0x0  }
0xa1: {  	[sflag:s22] =	ssyncadd.s32 s5;
	_ =	sdelay $0x1  }
0xa2: {  	s23 =	simm.s32 $0x1B8B  }
0xa3: {  	_ =	swait.ge [sflag:s23], $0x1  }
0xa4: {  	[sflag:s23] =	ssyncset.done $0x0  }
0xa5: {  	s25 =	simm.s32 $0x1B8E;
	s24 =	sld [smem:$0x3FFE];
	[sflag:s23] =	ssyncadd.s32 $0xFFFFFFFF  }
0xa6: {  	s26 =	simm.s32 $execute0_lowered;
	[smem:$0x3FD2] =	sst s25  }
0xa7: {  	s6 =	sshll.u32 s26, $0x1;
	_ =	strace $0x80000046;
	[dreg:$0x1] =	wrdreg $0xFFFFFFFF  }
0xa8: {  	s28 =	simm.s32 $_size_execute0_lowered;
	s4 =	sadd.s32 s4, s6;
	[dreg:$0x0] =	wrdreg $0x0  }
0xa9: {  	s6 =	sshll.u32 s28, $0x1;
	[dreg:$0x2] =	wrdreg s4  }
0xaa: {  	[dreg:$0x3] =	wrdreg s6  }
0xab: {  	[dreg:$0x4] =	wrdreg $0xC0  }
0xac: {  	_ =	task [dreg:s8], $0x5FFFF  }
0xad: {  	[dreg:$0x1] =	wrdreg $0xFFFFFFFF  }
0xae: {  	[dreg:$0x0] =	wrdreg $0x60  }
0xaf: {  	[dreg:$0x2] =	wrdreg s24  }
0xb0: {  	[dreg:$0x3] =	wrdreg s2  }
0xb1: {  	[dreg:$0x4] =	wrdreg s18  }
0xb2: {  	[dreg:$0x5] =	wrdreg $0x13D300  }
0xb3: {  	[dreg:$0x6] =	wrdreg $0x9  }
0xb4: {  	_ =	task.clear_ibuf [dreg:s8], $0x7FFFF;
	_ =	strace $0x90000046  }
0xb5: {  	s29 =	simm.s32 $0x9;
	_ =	strace $0x80000048  }
0xb6: {  	_ =	swait.ge [sflag:s29], $0x1  }
0xb7: {  	[sflag:s29] =	ssyncadd.s32 $0xFFFFFFFF  }
0xb8: {  	_ =	strace $0x90000048  }
0xb9: {  	_ =	sfence  }
0xba: {  	s30 =	sld [smem:$0x0];
	_ =	sdelay $0x2  }
0xbb: {  	s31 =	sshll.u32 s1, $0xD;
	s1 =	sshrl.u32 s1, $0x2  }
0xbc: {  	s3 =	sand.u32 $0x4000, s31;
	s1 =	sadd.s32 s1, s30  }
0xbd: {  	s0 =	sor.u32 s3, s0;
	s1 =	sshll.u32 s1, $0x11  }
0xbe: {  	s0 =	sor.u32 s1, s0  }
0xbf: {  	s0 =	sadd.s32 $0x8F2B, s0  }
0xc0: {  	[sflag:s0] =	ssyncadd.remote.s32 $0x1  }
0xc1: {  	_ =	sfence.sel $0xFFFF  }
0xc2: {  	[dreg:$0x0] =	wrdreg $0xFFFFFFFF;
	(pc) =	sbr.abs _section_cstart, $3  }
0xc3: {  	[dreg:$0x1] =	wrdreg $0xFFFFFFFF  }
0xc4: {  	_ =	task.clear_ibuf [dreg:s8], $0x2FFFF;
	_ =	strace $0x9FFFFFFF  }
0xc5: {  	(tm) =	ssettm $0x7FFFFFFF  }
tec
execute0_lowered:
.L_overlay_start_1:
0x0: {  	(tag) =	ssettag $0x1  }
0x1: {  	s0 =	rddreg [dreg:$0x0]  }
0x2: {  	s1 =	rddreg [dreg:$0x1]  }
0x3: {  	s3 =	rddreg [dreg:$0x2]  }
0x4: {  	s2 =	rddreg [dreg:$0x3]  }
0x5: {  	s4 =	srdreg.scid;
	s10 =	stileid.u32;
	s6 =	simm.s32 $0x0  }
0x6: {  	s28 =	simm.s32 $0x2;
	s30 =	simm.s32 $0x3;
	s29 =	simm.s32 $0x6  }
0x7: {  	s5 =	sand.u32 $0x1, s4;
	s12 =	sshll.u32 s10, $0x1;
	s8 =	smul.u32 $0x13880, s10  }
0x8: {  	[smem:$0x7FF] =	sst s6;
	s10 =	smul.u32 $0x27100, s10;
	s6 =	simm.s32 $0x8  }
0x9: {  	s4 =	sor.u32 s5, s12;
	_ =	strace $0x80000047;
	s19 =	smul.u32 $0x138800, s5  }
0xa: {  	s7 =	ssub.s32 $0x2, s5;
	s5 =	simm.s32 $0x7;
	s13 =	smul.u32 $0x4E2, s4  }
0xb: {  	s4 =	sadd.s32 $0x13E00, s0;
	s9 =	sshrl.u32 s7, $0x1;
	s16 =	sshrl.u32 s8, $0x1  }
0xc: {  	s17 =	sshrl.u32 s10, $0x2;
	s7 =	ssub.s32 s7, s9;
	s10 =	sadd.s32 s16, s2  }
0xd: {  	s18 =	sadd.s32 s17, s2;
	s15 =	sadd.s32 s1, s13;
	[dreg:$0x8] =	wrdreg s10  }
0xe: {  	s17 =	simm.s32 $0x2710;
	s20 =	sadd.s32 $0x1400, s18;
	[dreg:$0x7] =	wrdreg s15  }
0xf: {  	s9 =	simm.s32 $0xA;
	s21 =	sadd.s32 $0x2800, s18;
	[dreg:$0x9] =	wrdreg s20  }
0x10: {  	s0 =	sadd.s32 s13, s0;
	s22 =	sadd.s32 $0x3C00, s18;
	[dreg:$0xa] =	wrdreg s21  }
0x11: {  	s23 =	sadd.s32 $0x5000, s18;
	s24 =	sadd.s32 $0x6400, s18;
	[dreg:$0xb] =	wrdreg s22  }
0x12: {  	s1 =	sadd.s32 s8, s19;
	s25 =	sadd.s32 $0x7800, s18;
	[dreg:$0xc] =	wrdreg s23  }
0x13: {  	s31 =	smax.u32 s7, $0x1;
	s19 =	simm.s32 $0x4;
	[dreg:$0xd] =	wrdreg s24  }
0x14: {  	s7 =	simm.s32 $0x9;
	s14 =	sadd.s32 $0xA000, s0;
	[dreg:$0xe] =	wrdreg s25  }
0x15: {  	s0 =	sadd.s32 $0x200, s0;
	s26 =	sshrl.u32 s1, $0x4;
	[dreg:$0x11] =	wrdreg s31  }
.Ltmp0:
0x16: {  	s20 =	simm.s32 $0x4E20;
	s21 =	simm.s32 $0xD930;
	(pc) =	sbr.rel .LBB2_1-.Ltmp0, $4  }
0x17: {  	s22 =	simm.s32 $0x50;
	s23 =	simm.s32 $0x7530;
	[dreg:$0x5] =	wrdreg s14  }
0x18: {  	s24 =	simm.s32 $0x5;
	[dreg:$0x6] =	wrdreg s0;
	s0 =	sadd.s32 $0x8C00, s18  }
0x19: {  	s18 =	simm.s32 $0xB;
	[dreg:$0xf] =	wrdreg s0;
	s0 =	sadd.s32 s3, s26  }
0x1a: {  	v0 =	vimm.bf16 $0.0e+00;
	s3 =	simm.s32 $0x0;
	[dreg:$0x10] =	wrdreg s0;
	s0 =	simm.s32 $0x1  }
.LBB2_26:
0x1b: {  	_ =	swait.ge [sflag:s29], $0x1400  }
0x1c: {  	[sflag:s29] =	ssyncset.done $0x0  }
0x1d: {  	[sflag:s29] =	ssyncadd.s32 $0xFFFFEC00  }
0x1e: {  	_ =	swait.ge [sflag:s5], $0x1400  }
0x1f: {  	[sflag:s5] =	ssyncset.done $0x0  }
0x20: {  	[sflag:s5] =	ssyncadd.s32 $0xFFFFEC00  }
0x21: {  	_ =	swait.ge [sflag:s6], $0x1400  }
0x22: {  	[sflag:s6] =	ssyncset.done $0x0  }
0x23: {  	[sflag:s6] =	ssyncadd.s32 $0xFFFFEC00  }
0x24: {  	_ =	swait.ge [sflag:s7], $0x1400  }
0x25: {  	[sflag:s7] =	ssyncset.done $0x0  }
0x26: {  	[sflag:s7] =	ssyncadd.s32 $0xFFFFEC00  }
0x27: {  	_ =	swait.ge [sflag:s9], $0x1400  }
0x28: {  	[sflag:s9] =	ssyncset.done $0x0  }
0x29: {  	[sflag:s9] =	ssyncadd.s32 $0xFFFFEC00  }
0x2a: {  	s1 =	stileid.u32;
	[bflag:$0x0] =	sbarrier.arrive $0xFFFF  }
0x2b: {  	s1 =	sshll.u32 s1, $0x6;
	s10 =	rddreg [dreg:$0x8]  }
0x2c: {  	s1 =	sor.u32 $0x1C0B, s1;
	s8 =	rddreg [dreg:$0x10];
	s3 =	sshrl.u32 s10, $0x3  }
0x2d: {  	[hbm:s8], [sflag:s1] =	dma.local [spmem:s3], $0x1388  }
0x2e: {  	_ =	swait.ge [sflag:s18], $0x1388  }
0x2f: {  	s26 =	rddreg [dreg:$0x12]  }
0x30: {  	s31 =	rddreg [dreg:$0x11];
	s3 =	sadd.s32 $0x1, s26  }
0x31: {  	p0 =	sne.s32 s3, s31  }
.Ltmp1:
0x32: {  	_ = 	snop;
	(pc) =	sbr.rel @!p0 .LBB2_27-.Ltmp1, $3  }
0x33: {  	_ =	sdelay $0x1  }
0x34: {  	[sflag:s18] =	ssyncset.done $0x0  }
0x35: {  	s17 =	simm.s32 $0x2710;
	s23 =	simm.s32 $0x7530;
	[sflag:s18] =	ssyncadd.s32 $0xFFFFEC78  }
.LBB2_1:
0x36: {  	[dreg:$0x12] =	wrdreg s3  }
0x37: {  	s1 =	simm.s32 $0x0;
	s25 =	rddreg [dreg:$0x5]  }
0x38: {  	[tilespmem:s1], [sflag:$0xB] =	stream.linear.gather [hbm4b:s25+s1], $0x2710, $0x38;
	[tilespmem:$0x1D970] =	vst v63  }
0x39: {  	_ =	swait.ge [sflag:s18], $0x2710  }
0x3a: {  	[sflag:s18] =	ssyncset.done $0x0  }
0x3b: {  	s26 =	rddreg [dreg:$0x6];
	[sflag:s18] =	ssyncadd.s32 $0xFFFFD8F0  }
0x3c: {  	[tilespmem:s17], [sflag:$0xB] =	stream.linear.gather [hbm4b:s26+s1], $0x2710, $0x38;
	[tilespmem:$0x1D970] =	vst v63  }
0x3d: {  	_ =	swait.ge [sflag:s18], $0x2710  }
0x3e: {  	[sflag:s18] =	ssyncset.done $0x0  }
0x3f: {  	s31 =	rddreg [dreg:$0x7];
	[sflag:s18] =	ssyncadd.s32 $0xFFFFD8F0  }
0x40: {  	[tilespmem:s20], [sflag:$0xB] =	stream.linear.gather [hbm4b:s31+s1], $0x2710, $0x38;
	[tilespmem:$0x1D970] =	vst v63  }
0x41: {  	_ =	swait.ge [sflag:s18], $0x2710  }
0x42: {  	[sflag:s18] =	ssyncset.done $0x0  }
0x43: {  	s3 =	simm.s32 $0x100;
	s1 =	simm.s32 $0x0;
	[sflag:s18] =	ssyncadd.s32 $0xFFFFD8F0  }
.LBB2_2:
0x44: {  	p0 =	sne.s32 s3, $0x4F00;
	[tilespmem:s1+$0xD960] =	vst v0;
	s8 =	smov.u32 s3;
	s3 =	sadd.s32 $0x100, s3  }
.Ltmp2:
0x45: {  	[tilespmem:s1+$0xD950] =	vst v0;
	(pc) =	sbr.rel @p0 .LBB2_2-.Ltmp2, $3  }
0x46: {  	[tilespmem:s1+$0xD930] =	vst v0  }
0x47: {  	[tilespmem:s1+$0xD940] =	vst v0;
	_ =	sdelay $0x1  }
0x48: {  	s1 =	sshra.s32 s8, $0x2  }
0x49: {  	[tilespmem:s1+$0xD960] =	vst v0  }
0x4a: {  	[tilespmem:s1+$0xD950] =	vst v0  }
0x4b: {  	[tilespmem:s1+$0xD930] =	vst v0  }
0x4c: {  	[tilespmem:s1+$0xD940] =	vst v0  }
0x4d: {  	[spmem:s10] =	stream.linear.scatter [tilespmem:s21], [sflag:$0xB], $0x1400, $0x38;
	[tilespmem:$0x1D970] =	vst v63  }
0x4e: {  	_ =	swait.ge [sflag:s18], $0x1400  }
0x4f: {  	[sflag:s18] =	ssyncset.done $0x0  }
0x50: {  	s8 =	rddreg [dreg:$0x9];
	[sflag:s18] =	ssyncadd.s32 $0xFFFFEC00  }
0x51: {  	[spmem:s8] =	stream.linear.scatter [tilespmem:s21], [sflag:$0xB], $0x1400, $0x38;
	[tilespmem:$0x1D970] =	vst v63  }
0x52: {  	_ =	swait.ge [sflag:s18], $0x1400  }
0x53: {  	[sflag:s18] =	ssyncset.done $0x0  }
0x54: {  	s10 =	rddreg [dreg:$0xa];
	[sflag:s18] =	ssyncadd.s32 $0xFFFFEC00  }
0x55: {  	[spmem:s10] =	stream.linear.scatter [tilespmem:s21], [sflag:$0xB], $0x1400, $0x38;
	[tilespmem:$0x1D970] =	vst v63  }
0x56: {  	_ =	swait.ge [sflag:s18], $0x1400  }
0x57: {  	[sflag:s18] =	ssyncset.done $0x0  }
0x58: {  	s11 =	rddreg [dreg:$0xb];
	[sflag:s18] =	ssyncadd.s32 $0xFFFFEC00  }
0x59: {  	[spmem:s11] =	stream.linear.scatter [tilespmem:s21], [sflag:$0xB], $0x1400, $0x38;
	[tilespmem:$0x1D970] =	vst v63  }
0x5a: {  	_ =	swait.ge [sflag:s18], $0x1400  }
0x5b: {  	[sflag:s18] =	ssyncset.done $0x0  }
0x5c: {  	s12 =	rddreg [dreg:$0xc];
	[sflag:s18] =	ssyncadd.s32 $0xFFFFEC00  }
0x5d: {  	[spmem:s12] =	stream.linear.scatter [tilespmem:s21], [sflag:$0xB], $0x1400, $0x38;
	[tilespmem:$0x1D970] =	vst v63  }
0x5e: {  	_ =	swait.ge [sflag:s18], $0x1400  }
0x5f: {  	[sflag:s18] =	ssyncset.done $0x0  }
0x60: {  	s13 =	rddreg [dreg:$0xd];
	[sflag:s18] =	ssyncadd.s32 $0xFFFFEC00  }
0x61: {  	[spmem:s13] =	stream.linear.scatter [tilespmem:s21], [sflag:$0xB], $0x1400, $0x38;
	[tilespmem:$0x1D970] =	vst v63  }
0x62: {  	_ =	swait.ge [sflag:s18], $0x1400  }
0x63: {  	[sflag:s18] =	ssyncset.done $0x0  }
0x64: {  	s14 =	rddreg [dreg:$0xe];
	[sflag:s18] =	ssyncadd.s32 $0xFFFFEC00  }
0x65: {  	[spmem:s14] =	stream.linear.scatter [tilespmem:s21], [sflag:$0xB], $0x1400, $0x38;
	[tilespmem:$0x1D970] =	vst v63  }
0x66: {  	_ =	swait.ge [sflag:s18], $0x1400  }
0x67: {  	[sflag:s18] =	ssyncset.done $0x0  }
0x68: {  	s15 =	rddreg [dreg:$0xf];
	[sflag:s18] =	ssyncadd.s32 $0xFFFFEC00  }
0x69: {  	[spmem:s15] =	stream.linear.scatter [tilespmem:s21], [sflag:$0xB], $0x1040, $0x38;
	[tilespmem:$0x1D970] =	vst v63  }
0x6a: {  	_ =	swait.ge [sflag:s18], $0x1040  }
0x6b: {  	[sflag:s18] =	ssyncset.done $0x0  }
0x6c: {  	[sflag:s18] =	ssyncadd.s32 $0xFFFFEFC0  }
0x6d: {  	s16 =	simm.s32 $0x0;
	[bflag:$0x0] =	sbarrier.arrive $0xFFFF  }
0x6e: {  	[tilespmem:s23], [sflag:$0x1] =	stream.indirect.gather [hbm4b:s4+s22], $0x40, s16, s22, $0xb8;
	[tilespmem:$0x1D970] =	vst v63  }
0x6f: {  	s3 =	simm.s32 $0x8930  }
0x70: {  	[tilespmem:s3], [sflag:$0x2] =	stream.indirect.gather [hbm4b:s4+s22], $0x40, s22, s22, $0xb8;
	[tilespmem:$0x1D970] =	vst v63  }
0x71: {  	s25 =	simm.s32 $0xA0;
	s8 =	simm.s32 $0x9D30  }
0x72: {  	v1 =	vmov s16;
	[tilespmem:s8], [sflag:$0x3] =	stream.indirect.gather [hbm4b:s4+s22], $0x40, s25, s22, $0xb8;
	[tilespmem:$0x1D970] =	vst v63  }
0x73: {  	s26 =	simm.s32 $0xF0;
	s31 =	simm.s32 $0xB130;
	v1 =	vand.u32 $0xFFFFFFFE, v1  }
0x74: {  	v1 =	vbroadcast v1, $0x0;
	[tilespmem:s31], [sflag:$0x4] =	stream.indirect.gather [hbm4b:s4+s22], $0x40, s26, s22, $0xb8;
	[tilespmem:$0x1D970] =	vst v63  }
0x75: {  	s10 =	simm.s32 $0xC530;
	s8 =	simm.s32 $0x140  }
0x76: {  	[tilespmem:s10], [sflag:$0x5] =	stream.indirect.gather [hbm4b:s4+s22], $0x40, s8, s22, $0xb8;
	[tilespmem:$0x1D970] =	vst v63  }
0x77: {  	_ =	swait.ge [sflag:s0], $0x1400  }
0x78: {  	[sflag:s0] =	ssyncset.done $0x0  }
0x79: {  	[sflag:s0] =	ssyncadd.s32 $0xFFFFEC00  }
0x7a: {  	s13 =	simm.s32 $0x7570;
	v1 =	vld.idx.msk [tilespmem:v1+s20+$0x0], $0xffff  }
0x7b: {  	s11 =	simm.s32 $0x1;
	s12 =	simm.s32 $0x2;
	v2 =	vld [tilespmem:s13+$0xFFFFFFC0]  }
0x7c: {  	v3 =	vmov s11;
	v4 =	vmov s12  }
0x7d: {  	v4 =	vand.u32 $0xFFFFFFFE, v4  }
0x7e: {  	v4 =	vbroadcast v4, $0x0  }
0x7f: {  	v11 =	vpack.i.f32.bf16 v1, v1  }
0x80: {  	v1 =	vmul.bf16 v2, v11  }
0x81: {  	s10 =	simm.s32 $0xD970;
	v2 =	vld.idx.msk [tilespmem:v3+s20+$0x0], $0xffff  }
0x82: {  	s14 =	simm.s32 $0x3;
	v3 =	vld [tilespmem:s13+$0x0];
	[tilespmem:s10+$0xFFFFFFC0] =	vst v1  }
0x83: {  	v1 =	vmov s14;
	v6 =	vld [tilespmem:s13+$0xFFFFFFD0]  }
0x84: {  	s8 =	simm.s32 $0x75F0;
	v4 =	vld.idx.msk [tilespmem:v4+s20+$0x0], $0xffff  }
0x85: {  	s15 =	simm.s32 $0x4;
	v7 =	vld [tilespmem:s8+$0xFFFFFFC0]  }
0x86: {  	s16 =	simm.s32 $0x5;
	v5 =	vpack.i.f32.bf16 v2, v2;
	v2 =	vmov s15  }
0x87: {  	v8 =	vmov s16;
	v3 =	vmul.bf16 v3, v5;
	v2 =	vand.u32 $0xFFFFFFFE, v2  }
0x88: {  	v9 =	vld.idx.msk [tilespmem:v1+s20+$0x0], $0xffff;
	v10 =	vbroadcast v2, $0x0;
	v2 =	vmul.bf16 v6, v11  }
0x89: {  	v1 =	vpack.i.f32.bf16 v4, v4;
	[tilespmem:s10+$0x0] =	vst v3;
	v3 =	vld [tilespmem:s8+$0x0]  }
0x8a: {  	v6 =	vmul.bf16 v7, v1;
	v4 =	vld [tilespmem:s13+$0x10];
	[tilespmem:s10+$0xFFFFFFD0] =	vst v2  }
0x8b: {  	s3 =	simm.s32 $0xD9F0;
	v7 =	vld [tilespmem:s13+$0xFFFFFFE0]  }
0x8c: {  	v8 =	vld.idx.msk [tilespmem:v8+s20+$0x0], $0xffff;
	[tilespmem:s3+$0xFFFFFFC0] =	vst v6  }
0x8d: {  	s25 =	simm.s32 $0x6;
	v6 =	vld [tilespmem:s8+$0xFFFFFFD0];
	v2 =	vpack.i.f32.bf16 v9, v9  }
0x8e: {  	s11 =	simm.s32 $0x7670;
	s26 =	simm.s32 $0x7;
	v3 =	vmul.bf16 v3, v2;
	v9 =	vld.idx.msk [tilespmem:v10+s20+$0x0], $0xffff;
	v10 =	vmov s25  }
0x8f: {  	v12 =	vmov s26;
	v13 =	vld [tilespmem:s11+$0xFFFFFFC0];
	v4 =	vmul.bf16 v4, v5;
	v10 =	vand.u32 $0xFFFFFFFE, v10  }
0x90: {  	v14 =	vld [tilespmem:s11+$0x0];
	[tilespmem:s3+$0x0] =	vst v3;
	v10 =	vbroadcast v10, $0x0;
	v3 =	vmul.bf16 v7, v11  }
0x91: {  	[tilespmem:s10+$0x10] =	vst v4;
	v15 =	vld [tilespmem:s8+$0x10]  }
0x92: {  	v6 =	vmul.bf16 v6, v1;
	v16 =	vld [tilespmem:s13+$0x20];
	[tilespmem:s10+$0xFFFFFFE0] =	vst v3  }
0x93: {  	v3 =	vpack.i.f32.bf16 v9, v9;
	v17 =	vld [tilespmem:s13+$0xFFFFFFF0]  }
0x94: {  	v7 =	vld.idx.msk [tilespmem:v12+s20+$0x0], $0xffff;
	v4 =	vpack.i.f32.bf16 v8, v8;
	[tilespmem:s3+$0xFFFFFFD0] =	vst v6;
	v9 =	vmul.bf16 v13, v3  }
0x95: {  	s12 =	simm.s32 $0xDA70;
	v12 =	vmul.bf16 v14, v4;
	v6 =	vld [tilespmem:s8+$0xFFFFFFE0]  }
0x96: {  	v13 =	vmul.bf16 v15, v2;
	v10 =	vld.idx.msk [tilespmem:v10+s20+$0x0], $0xffff;
	[tilespmem:s12+$0xFFFFFFC0] =	vst v9  }
0x97: {  	s31 =	simm.s32 $0x8;
	[tilespmem:s12+$0x0] =	vst v12;
	v14 =	vmul.bf16 v16, v5;
	v8 =	vld [tilespmem:s11+$0xFFFFFFD0]  }
0x98: {  	s1 =	simm.s32 $0x76F0;
	s14 =	simm.s32 $0x9;
	v12 =	vmov s31;
	v9 =	vld [tilespmem:s11+$0x10];
	[tilespmem:s3+$0x10] =	vst v13;
	v11 =	vmul.bf16 v17, v11  }
0x99: {  	v13 =	vmov s14;
	s14 =	simm.s32 $0xA;
	[tilespmem:s10+$0x20] =	vst v14;
	v14 =	vand.u32 $0xFFFFFFFE, v12;
	v12 =	vld [tilespmem:s1+$0xFFFFFFC0]  }
.LBB2_4:
0x9a: {  	p0 =	slt.u32 s14, $0x4E;
	v14 =	vbroadcast v14, $0x0;
	v15 =	vld [tilespmem:s1+$0x0];
	v6 =	vmul.bf16 v6, v1;
	[tilespmem:s10+$0xFFFFFFF0] =	vst v11;
	s15 =	smov.u32 s12  }
0x9b: {  	v11 =	vld [tilespmem:s8+$0x20]  }
0x9c: {  	v8 =	vmul.bf16 v8, v3;
	[tilespmem:s3+$0xFFFFFFE0] =	vst v6;
	v16 =	vld [tilespmem:s13+$0x30];
	s13 =	smov.u32 s8;
	s8 =	smov.u32 s11;
	s11 =	smov.u32 s1  }
0x9d: {  	v17 =	vpack.i.f32.bf16 v10, v10;
	v9 =	vmul.bf16 v9, v4;
	v18 =	vld [tilespmem:s13+$0xFFFFFFF0]  }
0x9e: {  	v19 =	vpack.i.f32.bf16 v7, v7;
	v12 =	vmul.bf16 v12, v17;
	v7 =	vld.idx.msk [tilespmem:v13+s20+$0x0], $0xffff;
	[tilespmem:s12+$0xFFFFFFD0] =	vst v8  }
.Ltmp3:
0x9f: {  	s12 =	sadd.s32 $0x80, s12;
	v13 =	vmul.bf16 v15, v19;
	v6 =	vld [tilespmem:s8+$0xFFFFFFE0];
	[tilespmem:s15+$0x10] =	vst v9;
	(pc) =	sbr.rel @p0 .LBB2_4-.Ltmp3, $4  }
0xa0: {  	v10 =	vld.idx.msk [tilespmem:v14+s20+$0x0], $0xffff;
	[tilespmem:s12+$0xFFFFFFC0] =	vst v12;
	v12 =	vmul.bf16 v11, v2  }
0xa1: {  	v8 =	vld [tilespmem:s1+$0xFFFFFFD0];
	[tilespmem:s12+$0x0] =	vst v13;
	v15 =	vmul.bf16 v16, v5;
	v5 =	vmovc v2;
	v2 =	vmov v4;
	v4 =	vmov v19  }
0xa2: {  	s16 =	sadd.s32 $0x1, s14;
	v13 =	vmov s14;
	s1 =	sadd.s32 $0x80, s1;
	v9 =	vld [tilespmem:s11+$0x10];
	v11 =	vmul.bf16 v18, v1;
	[tilespmem:s3+$0x20] =	vst v12;
	v1 =	vmovc v3;
	v3 =	vmov v17  }
0xa3: {  	s14 =	sadd.s32 $0x2, s14;
	v14 =	vand.u32 $0xFFFFFFFE, v13;
	v13 =	vmov s16;
	v12 =	vld [tilespmem:s1+$0xFFFFFFC0];
	[tilespmem:s10+$0x30] =	vst v15;
	s10 =	smov.u32 s3;
	s3 =	smov.u32 s15  }
0xa4: {  	v14 =	vbroadcast v14, $0x0;
	_ =	sdelay $0x3  }
0xa5: {  	v15 =	vld [tilespmem:s1+$0x0]  }
0xa6: {  	v13 =	vld.idx.msk [tilespmem:v13+s20+$0x0], $0xffff  }
0xa7: {  	s14 =	sadd.s32 $0x80, s1;
	v14 =	vld.idx.msk [tilespmem:v14+s20+$0x0], $0xffff  }
0xa8: {  	v16 =	vld [tilespmem:s14+$0xFFFFFFC0]  }
0xa9: {  	v17 =	vld [tilespmem:s14+$0x0]  }
0xaa: {  	v10 =	vpack.i.f32.bf16 v10, v10  }
0xab: {  	v18 =	vld [tilespmem:s13+$0x30];
	v7 =	vpack.i.f32.bf16 v7, v7;
	v12 =	vmul.bf16 v12, v10  }
0xac: {  	s31 =	sadd.s32 $0x80, s12;
	v15 =	vmul.bf16 v15, v7;
	v14 =	vpack.i.f32.bf16 v14, v14  }
0xad: {  	v13 =	vpack.i.f32.bf16 v13, v13;
	[tilespmem:s31+$0xFFFFFFC0] =	vst v12;
	v12 =	vmul.bf16 v16, v14  }
0xae: {  	s15 =	sadd.s32 $0x80, s31;
	v58 =	vmul.bf16 v17, v13;
	[tilespmem:s31+$0x0] =	vst v15;
	v15 =	vld [tilespmem:s1+$0xFFFFFFD0]  }
0xaf: {  	[tilespmem:s15+$0xFFFFFFC0] =	vst v12;
	v12 =	vld [tilespmem:s1+$0x10]  }
0xb0: {  	v5 =	vmul.bf16 v18, v5;
	[tilespmem:s15+$0x0] =	vst v58;
	v59 =	vld [tilespmem:s14+$0xFFFFFFD0]  }
0xb1: {  	[tilespmem:s10+$0xFFFFFFF0] =	vst v11;
	v8 =	vmul.bf16 v8, v3;
	v11 =	vld [tilespmem:s14+$0x10]  }
0xb2: {  	[tilespmem:s10+$0x30] =	vst v5;
	v5 =	vmul.bf16 v9, v4  }
0xb3: {  	[tilespmem:s12+$0xFFFFFFD0] =	vst v8;
	v9 =	vld [tilespmem:s8+$0x20];
	v8 =	vmul.bf16 v15, v10  }
0xb4: {  	[tilespmem:s12+$0x10] =	vst v5;
	v15 =	vld [tilespmem:s11+$0xFFFFFFE0];
	v5 =	vmul.bf16 v12, v7  }
0xb5: {  	[tilespmem:s31+$0xFFFFFFD0] =	vst v8;
	v12 =	vld [tilespmem:s11+$0x20];
	v8 =	vmul.bf16 v59, v14  }
0xb6: {  	v60 =	vld [tilespmem:s1+$0xFFFFFFE0];
	[tilespmem:s31+$0x10] =	vst v5;
	v5 =	vmul.bf16 v11, v13  }
0xb7: {  	v6 =	vmul.bf16 v6, v1;
	v11 =	vld [tilespmem:s1+$0x20];
	[tilespmem:s15+$0xFFFFFFD0] =	vst v8  }
0xb8: {  	v8 =	vmul.bf16 v9, v2;
	v9 =	vld [tilespmem:s14+$0xFFFFFFE0];
	[tilespmem:s15+$0x10] =	vst v5  }
0xb9: {  	[tilespmem:s3+$0xFFFFFFE0] =	vst v6;
	v5 =	vmul.bf16 v15, v3;
	v6 =	vld [tilespmem:s14+$0x20]  }
0xba: {  	v15 =	vld [tilespmem:s8+$0xFFFFFFF0];
	[tilespmem:s3+$0x20] =	vst v8;
	v8 =	vmul.bf16 v12, v4  }
0xbb: {  	v12 =	vmul.bf16 v60, v10;
	[tilespmem:s12+$0xFFFFFFE0] =	vst v5;
	v5 =	vld [tilespmem:s8+$0x30]  }
0xbc: {  	v61 =	vld [tilespmem:s11+$0xFFFFFFF0];
	[tilespmem:s12+$0x20] =	vst v8;
	v8 =	vmul.bf16 v11, v7  }
0xbd: {  	[tilespmem:s31+$0xFFFFFFE0] =	vst v12;
	v11 =	vld [tilespmem:s11+$0x30];
	v9 =	vmul.bf16 v9, v14  }
0xbe: {  	v12 =	vld [tilespmem:s1+$0xFFFFFFF0];
	[tilespmem:s31+$0x20] =	vst v8;
	v6 =	vmul.bf16 v6, v13  }
0xbf: {  	v1 =	vmul.bf16 v15, v1;
	[tilespmem:s15+$0xFFFFFFE0] =	vst v9;
	v8 =	vld [tilespmem:s1+$0x30]  }
0xc0: {  	v2 =	vmul.bf16 v5, v2;
	v5 =	vld [tilespmem:s14+$0xFFFFFFF0];
	[tilespmem:s15+$0x20] =	vst v6  }
0xc1: {  	[tilespmem:s3+$0xFFFFFFF0] =	vst v1;
	v1 =	vmul.bf16 v61, v3;
	v3 =	vld [tilespmem:s14+$0x30]  }
0xc2: {  	[tilespmem:s3+$0x30] =	vst v2;
	v2 =	vmul.bf16 v11, v4  }
0xc3: {  	[tilespmem:s12+$0xFFFFFFF0] =	vst v1;
	v1 =	vmul.bf16 v12, v10  }
0xc4: {  	[tilespmem:s12+$0x30] =	vst v2;
	v2 =	vmul.bf16 v8, v7  }
0xc5: {  	[tilespmem:s31+$0xFFFFFFF0] =	vst v1;
	v1 =	vmul.bf16 v5, v14  }
0xc6: {  	[tilespmem:s31+$0x30] =	vst v2;
	v2 =	vmul.bf16 v3, v13  }
0xc7: {  	s11 =	simm.s32 $0x1;
	[tilespmem:s15+$0xFFFFFFF0] =	vst v1  }
0xc8: {  	v1 =	vmov s11;
	[tilespmem:s15+$0x30] =	vst v2  }
0xc9: {  	v1 =	vand.u32 $0x7F, v1;
	[spmem:s2] =	stream.indirect.scatter.add.bf16 [tilespmem:s21], [sflag:$0x6], $0x40, s17, s22, $0xb8;
	[tilespmem:$0x1D970] =	vst v63  }
0xca: {  	s12 =	simm.s32 $0x190;
	v1 =	vadd.s32 $0x50, v1  }
0xcb: {  	[tilespmem:s23], [sflag:$0x1] =	stream.indirect.gather [hbm4b:s4+s22], $0x40, s12, s22, $0xb8;
	[tilespmem:$0x1D970] =	vst v63  }
0xcc: {  	_ =	swait.ge [sflag:s28], $0x1400  }
0xcd: {  	[sflag:s28] =	ssyncset.done $0x0  }
0xce: {  	s13 =	simm.s32 $0x0;
	[sflag:s28] =	ssyncadd.s32 $0xFFFFEC00  }
0xcf: {  	s11 =	simm.s32 $0x8970;
	v2 =	vmov s13;
	v1 =	vld.idx.msk [tilespmem:v1+s20+$0x0], $0xffff  }
0xd0: {  	v2 =	vand.u32 $0x7E, v2;
	v3 =	vld [tilespmem:s11+$0x0]  }
0xd1: {  	s14 =	simm.s32 $0x3;
	v2 =	vadd.s32 $0x50, v2  }
0xd2: {  	v4 =	vmov s14  }
0xd3: {  	v4 =	vand.u32 $0x7F, v4  }
0xd4: {  	v4 =	vadd.s32 $0x50, v4;
	v11 =	vpack.i.f32.bf16 v1, v1  }
0xd5: {  	s15 =	simm.s32 $0x2;
	v1 =	vmul.bf16 v3, v11  }
0xd6: {  	s10 =	simm.s32 $0xED70;
	v2 =	vld.idx.msk [tilespmem:v2+s20+$0x0], $0xffff;
	v3 =	vmov s15  }
0xd7: {  	v6 =	vld [tilespmem:s11+$0xFFFFFFC0];
	v3 =	vand.u32 $0x7E, v3;
	[tilespmem:s10+$0x0] =	vst v1  }
0xd8: {  	v1 =	vadd.s32 $0x50, v3;
	v3 =	vld [tilespmem:s11+$0x10]  }
0xd9: {  	s16 =	simm.s32 $0x4;
	s3 =	simm.s32 $0x89F0;
	v4 =	vld.idx.msk [tilespmem:v4+s20+$0x0], $0xffff  }
0xda: {  	v7 =	vmov s16;
	v8 =	vld [tilespmem:s3+$0x0]  }
0xdb: {  	s17 =	simm.s32 $0x5;
	v5 =	vpack.i.f32.bf16 v2, v2;
	v2 =	vand.u32 $0x7E, v7  }
0xdc: {  	v7 =	vmov s17;
	v6 =	vmul.bf16 v6, v5;
	v2 =	vadd.s32 $0x50, v2  }
0xdd: {  	v9 =	vld.idx.msk [tilespmem:v1+s20+$0x0], $0xffff;
	v1 =	vand.u32 $0x7F, v7;
	v3 =	vmul.bf16 v3, v11  }
0xde: {  	[tilespmem:s10+$0xFFFFFFC0] =	vst v6;
	v6 =	vld [tilespmem:s3+$0xFFFFFFC0];
	v7 =	vadd.s32 $0x50, v1;
	v1 =	vpack.i.f32.bf16 v4, v4  }
0xdf: {  	v4 =	vld [tilespmem:s11+$0xFFFFFFD0];
	v8 =	vmul.bf16 v8, v1;
	[tilespmem:s10+$0x10] =	vst v3  }
0xe0: {  	s8 =	simm.s32 $0xEDF0;
	v3 =	vld [tilespmem:s11+$0x20]  }
0xe1: {  	s23 =	simm.s32 $0x6;
	v10 =	vld.idx.msk [tilespmem:v2+s20+$0x0], $0xffff;
	[tilespmem:s8+$0x0] =	vst v8  }
0xe2: {  	v8 =	vmov s23;
	v2 =	vpack.i.f32.bf16 v9, v9;
	v9 =	vld [tilespmem:s3+$0x10]  }
0xe3: {  	s25 =	simm.s32 $0x7;
	s12 =	simm.s32 $0x8A70;
	v8 =	vand.u32 $0x7E, v8;
	v6 =	vmul.bf16 v6, v2;
	v7 =	vld.idx.msk [tilespmem:v7+s20+$0x0], $0xffff  }
0xe4: {  	v12 =	vmov s25;
	v13 =	vld [tilespmem:s12+$0x0];
	v4 =	vmul.bf16 v4, v5;
	v8 =	vadd.s32 $0x50, v8  }
0xe5: {  	[tilespmem:s8+$0xFFFFFFC0] =	vst v6;
	v6 =	vand.u32 $0x7F, v12;
	v12 =	vld [tilespmem:s12+$0xFFFFFFC0];
	v3 =	vmul.bf16 v3, v11  }
0xe6: {  	[tilespmem:s10+$0xFFFFFFD0] =	vst v4;
	v14 =	vld [tilespmem:s3+$0xFFFFFFD0];
	v15 =	vadd.s32 $0x50, v6  }
0xe7: {  	v62 =	vld [tilespmem:s11+$0xFFFFFFE0];
	v6 =	vmul.bf16 v9, v1;
	[tilespmem:s10+$0x20] =	vst v3  }
0xe8: {  	v3 =	vpack.i.f32.bf16 v7, v7;
	v63 =	vld [tilespmem:s11+$0x30]  }
0xe9: {  	v4 =	vpack.i.f32.bf16 v10, v10;
	v7 =	vld.idx.msk [tilespmem:v8+s20+$0x0], $0xffff;
	v8 =	vmul.bf16 v13, v3;
	[tilespmem:s8+$0x10] =	vst v6  }
0xea: {  	s13 =	simm.s32 $0xEE70;
	v9 =	vmul.bf16 v12, v4;
	v6 =	vld [tilespmem:s3+$0x20]  }
0xeb: {  	s26 =	simm.s32 $0x8;
	v12 =	vmul.bf16 v14, v2;
	v10 =	vld.idx.msk [tilespmem:v15+s20+$0x0], $0xffff;
	[tilespmem:s13+$0x0] =	vst v8  }
0xec: {  	v13 =	vmul.bf16 v62, v5;
	v14 =	vmov s26;
	[tilespmem:s13+$0xFFFFFFC0] =	vst v9;
	v8 =	vld [tilespmem:s12+$0x10]  }
0xed: {  	s1 =	simm.s32 $0x8AF0;
	s31 =	simm.s32 $0x9;
	[tilespmem:s8+$0xFFFFFFD0] =	vst v12;
	v12 =	vand.u32 $0x7E, v14;
	v9 =	vld [tilespmem:s12+$0xFFFFFFD0];
	v11 =	vmul.bf16 v63, v11  }
0xee: {  	s14 =	simm.s32 $0xA;
	[tilespmem:s10+$0xFFFFFFE0] =	vst v13;
	v14 =	vmov s31;
	v13 =	vadd.s32 $0x50, v12;
	v12 =	vld [tilespmem:s1+$0x0]  }
.LBB2_6:
0xef: {  	p0 =	slt.u32 s14, $0x4E;
	v14 =	vand.u32 $0x7F, v14;
	v15 =	vld [tilespmem:s1+$0xFFFFFFC0];
	v6 =	vmul.bf16 v6, v1;
	[tilespmem:s10+$0x30] =	vst v11;
	s15 =	smov.u32 s13  }
0xf0: {  	v11 =	vadd.s32 $0x50, v14;
	v14 =	vld [tilespmem:s3+$0xFFFFFFE0]  }
0xf1: {  	v8 =	vmul.bf16 v8, v3;
	[tilespmem:s8+$0x20] =	vst v6;
	v16 =	vld [tilespmem:s11+$0xFFFFFFF0];
	s11 =	smov.u32 s3;
	s3 =	smov.u32 s12;
	s12 =	smov.u32 s1  }
0xf2: {  	v17 =	vpack.i.f32.bf16 v10, v10;
	v6 =	vmul.bf16 v9, v4;
	v18 =	vld [tilespmem:s11+$0x30]  }
0xf3: {  	v9 =	vpack.i.f32.bf16 v7, v7;
	v7 =	vld.idx.msk [tilespmem:v13+s20+$0x0], $0xffff;
	v12 =	vmul.bf16 v12, v17;
	[tilespmem:s13+$0x10] =	vst v8  }
.Ltmp4:
0xf4: {  	s13 =	sadd.s32 $0x80, s13;
	v8 =	vmul.bf16 v15, v9;
	[tilespmem:s15+$0xFFFFFFD0] =	vst v6;
	v6 =	vld [tilespmem:s3+$0x20];
	(pc) =	sbr.rel @p0 .LBB2_6-.Ltmp4, $4  }
0xf5: {  	v10 =	vld.idx.msk [tilespmem:v11+s20+$0x0], $0xffff;
	[tilespmem:s13+$0x0] =	vst v12;
	v11 =	vmul.bf16 v14, v2  }
0xf6: {  	v12 =	vmov s14;
	[tilespmem:s13+$0xFFFFFFC0] =	vst v8;
	v8 =	vld [tilespmem:s1+$0x10];
	v15 =	vmul.bf16 v16, v5;
	v5 =	vmovc v2;
	v2 =	vmovc v4;
	v4 =	vmov v9  }
0xf7: {  	s16 =	sadd.s32 $0x1, s14;
	v12 =	vand.u32 $0x7E, v12;
	s1 =	sadd.s32 $0x80, s1;
	v9 =	vld [tilespmem:s12+$0xFFFFFFD0];
	[tilespmem:s8+$0xFFFFFFE0] =	vst v11;
	v11 =	vmul.bf16 v18, v1;
	v1 =	vmovc v3;
	v3 =	vmov v17  }
0xf8: {  	v14 =	vmov s16;
	s14 =	sadd.s32 $0x2, s14;
	v13 =	vadd.s32 $0x50, v12;
	v12 =	vld [tilespmem:s1+$0x0];
	[tilespmem:s10+$0xFFFFFFF0] =	vst v15;
	s10 =	smov.u32 s8;
	s8 =	smov.u32 s15  }
0xf9: {  	v14 =	vand.u32 $0x7F, v14  }
0xfa: {  	v14 =	vadd.s32 $0x50, v14;
	_ =	sdelay $0x2  }
0xfb: {  	v15 =	vld [tilespmem:s1+$0xFFFFFFC0]  }
0xfc: {  	v13 =	vld.idx.msk [tilespmem:v13+s20+$0x0], $0xffff  }
0xfd: {  	s14 =	sadd.s32 $0x80, s1;
	v14 =	vld.idx.msk [tilespmem:v14+s20+$0x0], $0xffff  }
0xfe: {  	v16 =	vld [tilespmem:s14+$0x0]  }
0xff: {  	v17 =	vld [tilespmem:s14+$0xFFFFFFC0]  }
0x100: {  	v10 =	vpack.i.f32.bf16 v10, v10  }
0x101: {  	v18 =	vld [tilespmem:s11+$0xFFFFFFF0];
	v7 =	vpack.i.f32.bf16 v7, v7;
	v12 =	vmul.bf16 v12, v10  }
0x102: {  	s31 =	sadd.s32 $0x80, s13;
	v15 =	vmul.bf16 v15, v7;
	v14 =	vpack.i.f32.bf16 v14, v14  }
0x103: {  	[tilespmem:s31+$0x0] =	vst v12;
	v12 =	vpack.i.f32.bf16 v13, v13;
	v13 =	vmul.bf16 v16, v14  }
0x104: {  	s15 =	sadd.s32 $0x80, s31;
	[tilespmem:s31+$0xFFFFFFC0] =	vst v15;
	v15 =	vld [tilespmem:s1+$0x10];
	v58 =	vmul.bf16 v17, v12  }
0x105: {  	[tilespmem:s15+$0x0] =	vst v13;
	v13 =	vld [tilespmem:s1+$0xFFFFFFD0]  }
0x106: {  	v5 =	vmul.bf16 v18, v5;
	[tilespmem:s15+$0xFFFFFFC0] =	vst v58;
	v59 =	vld [tilespmem:s14+$0x10]  }
0x107: {  	[tilespmem:s10+$0x30] =	vst v11;
	v8 =	vmul.bf16 v8, v3;
	v11 =	vld [tilespmem:s14+$0xFFFFFFD0]  }
0x108: {  	[tilespmem:s10+$0xFFFFFFF0] =	vst v5;
	v5 =	vmul.bf16 v9, v4  }
0x109: {  	[tilespmem:s13+$0x10] =	vst v8;
	v9 =	vld [tilespmem:s3+$0xFFFFFFE0];
	v8 =	vmul.bf16 v15, v10  }
0x10a: {  	[tilespmem:s13+$0xFFFFFFD0] =	vst v5;
	v5 =	vld [tilespmem:s12+$0x20];
	v13 =	vmul.bf16 v13, v7  }
0x10b: {  	v15 =	vld [tilespmem:s12+$0xFFFFFFE0];
	[tilespmem:s31+$0x10] =	vst v8;
	v8 =	vmul.bf16 v59, v14  }
0x10c: {  	v11 =	vmul.bf16 v11, v12;
	[tilespmem:s31+$0xFFFFFFD0] =	vst v13;
	v13 =	vld [tilespmem:s1+$0x20]  }
0x10d: {  	v6 =	vmul.bf16 v6, v1;
	v60 =	vld [tilespmem:s1+$0xFFFFFFE0];
	[tilespmem:s15+$0x10] =	vst v8  }
0x10e: {  	[tilespmem:s15+$0xFFFFFFD0] =	vst v11;
	v8 =	vmul.bf16 v9, v2;
	v9 =	vld [tilespmem:s14+$0x20]  }
0x10f: {  	[tilespmem:s8+$0x20] =	vst v6;
	v5 =	vmul.bf16 v5, v3;
	v6 =	vld [tilespmem:s14+$0xFFFFFFE0]  }
0x110: {  	v11 =	vld [tilespmem:s3+$0x30];
	[tilespmem:s8+$0xFFFFFFE0] =	vst v8;
	v8 =	vmul.bf16 v15, v4  }
0x111: {  	[tilespmem:s13+$0x20] =	vst v5;
	v5 =	vld [tilespmem:s3+$0xFFFFFFF0];
	v13 =	vmul.bf16 v13, v10  }
0x112: {  	v15 =	vld [tilespmem:s12+$0x30];
	[tilespmem:s13+$0xFFFFFFE0] =	vst v8;
	v8 =	vmul.bf16 v60, v7  }
0x113: {  	[tilespmem:s31+$0x20] =	vst v13;
	v13 =	vld [tilespmem:s12+$0xFFFFFFF0];
	v9 =	vmul.bf16 v9, v14  }
0x114: {  	v6 =	vmul.bf16 v6, v12;
	v61 =	vld [tilespmem:s1+$0x30];
	[tilespmem:s31+$0xFFFFFFE0] =	vst v8  }
0x115: {  	v1 =	vmul.bf16 v11, v1;
	[tilespmem:s15+$0x20] =	vst v9;
	v8 =	vld [tilespmem:s1+$0xFFFFFFF0]  }
0x116: {  	[tilespmem:s15+$0xFFFFFFE0] =	vst v6;
	v2 =	vmul.bf16 v5, v2;
	v5 =	vld [tilespmem:s14+$0x30]  }
0x117: {  	[tilespmem:s8+$0x30] =	vst v1;
	v1 =	vmul.bf16 v15, v3;
	v3 =	vld [tilespmem:s14+$0xFFFFFFF0]  }
0x118: {  	[tilespmem:s8+$0xFFFFFFF0] =	vst v2;
	v2 =	vmul.bf16 v13, v4  }
0x119: {  	[tilespmem:s13+$0x30] =	vst v1;
	v1 =	vmul.bf16 v61, v10  }
0x11a: {  	[tilespmem:s13+$0xFFFFFFF0] =	vst v2;
	v2 =	vmul.bf16 v8, v7  }
0x11b: {  	[tilespmem:s31+$0x30] =	vst v1;
	v1 =	vmul.bf16 v5, v14  }
0x11c: {  	[tilespmem:s31+$0xFFFFFFF0] =	vst v2;
	v2 =	vmul.bf16 v3, v12  }
0x11d: {  	s3 =	simm.s32 $0x1;
	[tilespmem:s15+$0x30] =	vst v1  }
0x11e: {  	s10 =	simm.s32 $0xED30;
	s8 =	simm.s32 $0x2760;
	v1 =	vmov s3;
	[tilespmem:s15+$0xFFFFFFF0] =	vst v2  }
0x11f: {  	v1 =	vand.u32 $0x7F, v1;
	[spmem:s2] =	stream.indirect.scatter.add.bf16 [tilespmem:s10], [sflag:$0x7], $0x40, s8, s22, $0xb8;
	[tilespmem:$0x1D970] =	vst v63  }
0x120: {  	s11 =	simm.s32 $0x8930;
	s12 =	simm.s32 $0x1E0;
	v1 =	vadd.s32 $0xA0, v1  }
0x121: {  	[tilespmem:s11], [sflag:$0x2] =	stream.indirect.gather [hbm4b:s4+s22], $0x40, s12, s22, $0xb8;
	[tilespmem:$0x1D970] =	vst v63  }
0x122: {  	_ =	swait.ge [sflag:s30], $0x1400  }
0x123: {  	[sflag:s30] =	ssyncset.done $0x0  }
0x124: {  	s13 =	simm.s32 $0x0;
	[sflag:s30] =	ssyncadd.s32 $0xFFFFEC00  }
0x125: {  	v2 =	vmov s13;
	s11 =	simm.s32 $0x9D70;
	v1 =	vld.idx.msk [tilespmem:v1+s20+$0x0], $0xffff  }
0x126: {  	v2 =	vand.u32 $0x7E, v2;
	v3 =	vld [tilespmem:s11+$0x0]  }
0x127: {  	s14 =	simm.s32 $0x3;
	v2 =	vadd.s32 $0xA0, v2  }
0x128: {  	v4 =	vmov s14  }
0x129: {  	v4 =	vand.u32 $0x7F, v4  }
0x12a: {  	v4 =	vadd.s32 $0xA0, v4;
	v11 =	vpack.i.f32.bf16 v1, v1  }
0x12b: {  	s15 =	simm.s32 $0x2;
	v1 =	vmul.bf16 v3, v11  }
0x12c: {  	s10 =	simm.s32 $0x10170;
	v2 =	vld.idx.msk [tilespmem:v2+s20+$0x0], $0xffff;
	v3 =	vmov s15  }
0x12d: {  	v6 =	vld [tilespmem:s11+$0xFFFFFFC0];
	v3 =	vand.u32 $0x7E, v3;
	[tilespmem:s10+$0x0] =	vst v1  }
0x12e: {  	v1 =	vadd.s32 $0xA0, v3;
	v3 =	vld [tilespmem:s11+$0x10]  }
0x12f: {  	s16 =	simm.s32 $0x4;
	s3 =	simm.s32 $0x9DF0;
	v4 =	vld.idx.msk [tilespmem:v4+s20+$0x0], $0xffff  }
0x130: {  	v7 =	vmov s16;
	v8 =	vld [tilespmem:s3+$0x0]  }
0x131: {  	s17 =	simm.s32 $0x5;
	v5 =	vpack.i.f32.bf16 v2, v2;
	v2 =	vand.u32 $0x7E, v7  }
0x132: {  	v7 =	vmov s17;
	v6 =	vmul.bf16 v6, v5;
	v2 =	vadd.s32 $0xA0, v2  }
0x133: {  	v9 =	vld.idx.msk [tilespmem:v1+s20+$0x0], $0xffff;
	v1 =	vand.u32 $0x7F, v7;
	v3 =	vmul.bf16 v3, v11  }
0x134: {  	[tilespmem:s10+$0xFFFFFFC0] =	vst v6;
	v6 =	vld [tilespmem:s3+$0xFFFFFFC0];
	v7 =	vadd.s32 $0xA0, v1;
	v1 =	vpack.i.f32.bf16 v4, v4  }
0x135: {  	v4 =	vld [tilespmem:s11+$0xFFFFFFD0];
	v8 =	vmul.bf16 v8, v1;
	[tilespmem:s10+$0x10] =	vst v3  }
0x136: {  	s8 =	simm.s32 $0x101F0;
	v3 =	vld [tilespmem:s11+$0x20]  }
0x137: {  	s23 =	simm.s32 $0x6;
	v10 =	vld.idx.msk [tilespmem:v2+s20+$0x0], $0xffff;
	[tilespmem:s8+$0x0] =	vst v8  }
0x138: {  	v8 =	vmov s23;
	v2 =	vpack.i.f32.bf16 v9, v9;
	v9 =	vld [tilespmem:s3+$0x10]  }
0x139: {  	s25 =	simm.s32 $0x7;
	s12 =	simm.s32 $0x9E70;
	v8 =	vand.u32 $0x7E, v8;
	v6 =	vmul.bf16 v6, v2;
	v7 =	vld.idx.msk [tilespmem:v7+s20+$0x0], $0xffff  }
0x13a: {  	v12 =	vmov s25;
	v13 =	vld [tilespmem:s12+$0x0];
	v4 =	vmul.bf16 v4, v5;
	v8 =	vadd.s32 $0xA0, v8  }
0x13b: {  	[tilespmem:s8+$0xFFFFFFC0] =	vst v6;
	v6 =	vand.u32 $0x7F, v12;
	v12 =	vld [tilespmem:s12+$0xFFFFFFC0];
	v3 =	vmul.bf16 v3, v11  }
0x13c: {  	[tilespmem:s10+$0xFFFFFFD0] =	vst v4;
	v14 =	vld [tilespmem:s3+$0xFFFFFFD0];
	v15 =	vadd.s32 $0xA0, v6  }
0x13d: {  	v62 =	vld [tilespmem:s11+$0xFFFFFFE0];
	v6 =	vmul.bf16 v9, v1;
	[tilespmem:s10+$0x20] =	vst v3  }
0x13e: {  	v3 =	vpack.i.f32.bf16 v7, v7;
	v63 =	vld [tilespmem:s11+$0x30]  }
0x13f: {  	v4 =	vpack.i.f32.bf16 v10, v10;
	v7 =	vld.idx.msk [tilespmem:v8+s20+$0x0], $0xffff;
	v8 =	vmul.bf16 v13, v3;
	[tilespmem:s8+$0x10] =	vst v6  }
0x140: {  	s13 =	simm.s32 $0x10270;
	v9 =	vmul.bf16 v12, v4;
	v6 =	vld [tilespmem:s3+$0x20]  }
0x141: {  	s26 =	simm.s32 $0x8;
	v12 =	vmul.bf16 v14, v2;
	v10 =	vld.idx.msk [tilespmem:v15+s20+$0x0], $0xffff;
	[tilespmem:s13+$0x0] =	vst v8  }
0x142: {  	v13 =	vmul.bf16 v62, v5;
	v14 =	vmov s26;
	[tilespmem:s13+$0xFFFFFFC0] =	vst v9;
	v8 =	vld [tilespmem:s12+$0x10]  }
0x143: {  	s1 =	simm.s32 $0x9EF0;
	s31 =	simm.s32 $0x9;
	[tilespmem:s8+$0xFFFFFFD0] =	vst v12;
	v12 =	vand.u32 $0x7E, v14;
	v9 =	vld [tilespmem:s12+$0xFFFFFFD0];
	v11 =	vmul.bf16 v63, v11  }
0x144: {  	s14 =	simm.s32 $0xA;
	[tilespmem:s10+$0xFFFFFFE0] =	vst v13;
	v14 =	vmov s31;
	v13 =	vadd.s32 $0xA0, v12;
	v12 =	vld [tilespmem:s1+$0x0]  }
.LBB2_8:
0x145: {  	p0 =	slt.u32 s14, $0x4E;
	v14 =	vand.u32 $0x7F, v14;
	v15 =	vld [tilespmem:s1+$0xFFFFFFC0];
	v6 =	vmul.bf16 v6, v1;
	[tilespmem:s10+$0x30] =	vst v11;
	s15 =	smov.u32 s13  }
0x146: {  	v11 =	vadd.s32 $0xA0, v14;
	v14 =	vld [tilespmem:s3+$0xFFFFFFE0]  }
0x147: {  	v8 =	vmul.bf16 v8, v3;
	[tilespmem:s8+$0x20] =	vst v6;
	v16 =	vld [tilespmem:s11+$0xFFFFFFF0];
	s11 =	smov.u32 s3;
	s3 =	smov.u32 s12;
	s12 =	smov.u32 s1  }
0x148: {  	v17 =	vpack.i.f32.bf16 v10, v10;
	v6 =	vmul.bf16 v9, v4;
	v18 =	vld [tilespmem:s11+$0x30]  }
0x149: {  	v9 =	vpack.i.f32.bf16 v7, v7;
	v7 =	vld.idx.msk [tilespmem:v13+s20+$0x0], $0xffff;
	v12 =	vmul.bf16 v12, v17;
	[tilespmem:s13+$0x10] =	vst v8  }
.Ltmp5:
0x14a: {  	s13 =	sadd.s32 $0x80, s13;
	v8 =	vmul.bf16 v15, v9;
	[tilespmem:s15+$0xFFFFFFD0] =	vst v6;
	v6 =	vld [tilespmem:s3+$0x20];
	(pc) =	sbr.rel @p0 .LBB2_8-.Ltmp5, $4  }
0x14b: {  	v10 =	vld.idx.msk [tilespmem:v11+s20+$0x0], $0xffff;
	[tilespmem:s13+$0x0] =	vst v12;
	v11 =	vmul.bf16 v14, v2  }
0x14c: {  	v12 =	vmov s14;
	[tilespmem:s13+$0xFFFFFFC0] =	vst v8;
	v8 =	vld [tilespmem:s1+$0x10];
	v15 =	vmul.bf16 v16, v5;
	v5 =	vmovc v2;
	v2 =	vmovc v4;
	v4 =	vmov v9  }
0x14d: {  	s16 =	sadd.s32 $0x1, s14;
	v12 =	vand.u32 $0x7E, v12;
	s1 =	sadd.s32 $0x80, s1;
	v9 =	vld [tilespmem:s12+$0xFFFFFFD0];
	[tilespmem:s8+$0xFFFFFFE0] =	vst v11;
	v11 =	vmul.bf16 v18, v1;
	v1 =	vmovc v3;
	v3 =	vmov v17  }
0x14e: {  	v14 =	vmov s16;
	s14 =	sadd.s32 $0x2, s14;
	v13 =	vadd.s32 $0xA0, v12;
	v12 =	vld [tilespmem:s1+$0x0];
	[tilespmem:s10+$0xFFFFFFF0] =	vst v15;
	s10 =	smov.u32 s8;
	s8 =	smov.u32 s15  }
0x14f: {  	v14 =	vand.u32 $0x7F, v14  }
0x150: {  	v14 =	vadd.s32 $0xA0, v14;
	_ =	sdelay $0x2  }
0x151: {  	v15 =	vld [tilespmem:s1+$0xFFFFFFC0]  }
0x152: {  	v13 =	vld.idx.msk [tilespmem:v13+s20+$0x0], $0xffff  }
0x153: {  	s14 =	sadd.s32 $0x80, s1;
	v14 =	vld.idx.msk [tilespmem:v14+s20+$0x0], $0xffff  }
0x154: {  	v16 =	vld [tilespmem:s14+$0x0]  }
0x155: {  	v17 =	vld [tilespmem:s14+$0xFFFFFFC0]  }
0x156: {  	v10 =	vpack.i.f32.bf16 v10, v10  }
0x157: {  	v18 =	vld [tilespmem:s11+$0xFFFFFFF0];
	v7 =	vpack.i.f32.bf16 v7, v7;
	v12 =	vmul.bf16 v12, v10  }
0x158: {  	s31 =	sadd.s32 $0x80, s13;
	v15 =	vmul.bf16 v15, v7;
	v14 =	vpack.i.f32.bf16 v14, v14  }
0x159: {  	[tilespmem:s31+$0x0] =	vst v12;
	v12 =	vpack.i.f32.bf16 v13, v13;
	v13 =	vmul.bf16 v16, v14  }
0x15a: {  	s15 =	sadd.s32 $0x80, s31;
	[tilespmem:s31+$0xFFFFFFC0] =	vst v15;
	v15 =	vld [tilespmem:s1+$0x10];
	v58 =	vmul.bf16 v17, v12  }
0x15b: {  	[tilespmem:s15+$0x0] =	vst v13;
	v13 =	vld [tilespmem:s1+$0xFFFFFFD0]  }
0x15c: {  	v5 =	vmul.bf16 v18, v5;
	[tilespmem:s15+$0xFFFFFFC0] =	vst v58;
	v59 =	vld [tilespmem:s14+$0x10]  }
0x15d: {  	[tilespmem:s10+$0x30] =	vst v11;
	v8 =	vmul.bf16 v8, v3;
	v11 =	vld [tilespmem:s14+$0xFFFFFFD0]  }
0x15e: {  	[tilespmem:s10+$0xFFFFFFF0] =	vst v5;
	v5 =	vmul.bf16 v9, v4  }
0x15f: {  	[tilespmem:s13+$0x10] =	vst v8;
	v9 =	vld [tilespmem:s3+$0xFFFFFFE0];
	v8 =	vmul.bf16 v15, v10  }
0x160: {  	[tilespmem:s13+$0xFFFFFFD0] =	vst v5;
	v5 =	vld [tilespmem:s12+$0x20];
	v13 =	vmul.bf16 v13, v7  }
0x161: {  	v15 =	vld [tilespmem:s12+$0xFFFFFFE0];
	[tilespmem:s31+$0x10] =	vst v8;
	v8 =	vmul.bf16 v59, v14  }
0x162: {  	v11 =	vmul.bf16 v11, v12;
	[tilespmem:s31+$0xFFFFFFD0] =	vst v13;
	v13 =	vld [tilespmem:s1+$0x20]  }
0x163: {  	v6 =	vmul.bf16 v6, v1;
	v60 =	vld [tilespmem:s1+$0xFFFFFFE0];
	[tilespmem:s15+$0x10] =	vst v8  }
0x164: {  	[tilespmem:s15+$0xFFFFFFD0] =	vst v11;
	v8 =	vmul.bf16 v9, v2;
	v9 =	vld [tilespmem:s14+$0x20]  }
0x165: {  	[tilespmem:s8+$0x20] =	vst v6;
	v5 =	vmul.bf16 v5, v3;
	v6 =	vld [tilespmem:s14+$0xFFFFFFE0]  }
0x166: {  	v11 =	vld [tilespmem:s3+$0x30];
	[tilespmem:s8+$0xFFFFFFE0] =	vst v8;
	v8 =	vmul.bf16 v15, v4  }
0x167: {  	[tilespmem:s13+$0x20] =	vst v5;
	v5 =	vld [tilespmem:s3+$0xFFFFFFF0];
	v13 =	vmul.bf16 v13, v10  }
0x168: {  	v15 =	vld [tilespmem:s12+$0x30];
	[tilespmem:s13+$0xFFFFFFE0] =	vst v8;
	v8 =	vmul.bf16 v60, v7  }
0x169: {  	[tilespmem:s31+$0x20] =	vst v13;
	v13 =	vld [tilespmem:s12+$0xFFFFFFF0];
	v9 =	vmul.bf16 v9, v14  }
0x16a: {  	v6 =	vmul.bf16 v6, v12;
	v61 =	vld [tilespmem:s1+$0x30];
	[tilespmem:s31+$0xFFFFFFE0] =	vst v8  }
0x16b: {  	v1 =	vmul.bf16 v11, v1;
	[tilespmem:s15+$0x20] =	vst v9;
	v8 =	vld [tilespmem:s1+$0xFFFFFFF0]  }
0x16c: {  	[tilespmem:s15+$0xFFFFFFE0] =	vst v6;
	v2 =	vmul.bf16 v5, v2;
	v5 =	vld [tilespmem:s14+$0x30]  }
0x16d: {  	[tilespmem:s8+$0x30] =	vst v1;
	v1 =	vmul.bf16 v15, v3;
	v3 =	vld [tilespmem:s14+$0xFFFFFFF0]  }
0x16e: {  	[tilespmem:s8+$0xFFFFFFF0] =	vst v2;
	v2 =	vmul.bf16 v13, v4  }
0x16f: {  	[tilespmem:s13+$0x30] =	vst v1;
	v1 =	vmul.bf16 v61, v10  }
0x170: {  	[tilespmem:s13+$0xFFFFFFF0] =	vst v2;
	v2 =	vmul.bf16 v8, v7  }
0x171: {  	[tilespmem:s31+$0x30] =	vst v1;
	v1 =	vmul.bf16 v5, v14  }
0x172: {  	[tilespmem:s31+$0xFFFFFFF0] =	vst v2;
	v2 =	vmul.bf16 v3, v12  }
0x173: {  	s3 =	simm.s32 $0x1;
	[tilespmem:s15+$0x30] =	vst v1  }
0x174: {  	s10 =	simm.s32 $0x10130;
	s8 =	simm.s32 $0x27B0;
	v1 =	vmov s3;
	[tilespmem:s15+$0xFFFFFFF0] =	vst v2  }
0x175: {  	v1 =	vand.u32 $0x7F, v1;
	[spmem:s2] =	stream.indirect.scatter.add.bf16 [tilespmem:s10], [sflag:$0x8], $0x40, s8, s22, $0xb8;
	[tilespmem:$0x1D970] =	vst v63  }
0x176: {  	s11 =	simm.s32 $0x9D30;
	s12 =	simm.s32 $0x230;
	v1 =	vadd.s32 $0xF0, v1  }
0x177: {  	[tilespmem:s11], [sflag:$0x3] =	stream.indirect.gather [hbm4b:s4+s22], $0x40, s12, s22, $0xb8;
	[tilespmem:$0x1D970] =	vst v63  }
0x178: {  	_ =	swait.ge [sflag:s19], $0x1400  }
0x179: {  	[sflag:s19] =	ssyncset.done $0x0  }
0x17a: {  	s13 =	simm.s32 $0x0;
	[sflag:s19] =	ssyncadd.s32 $0xFFFFEC00  }
0x17b: {  	v2 =	vmov s13;
	s11 =	simm.s32 $0xB170;
	v1 =	vld.idx.msk [tilespmem:v1+s20+$0x0], $0xffff  }
0x17c: {  	v2 =	vand.u32 $0x7E, v2;
	v3 =	vld [tilespmem:s11+$0x0]  }
0x17d: {  	s14 =	simm.s32 $0x3;
	v2 =	vadd.s32 $0xF0, v2  }
0x17e: {  	v4 =	vmov s14  }
0x17f: {  	v4 =	vand.u32 $0x7F, v4  }
0x180: {  	v4 =	vadd.s32 $0xF0, v4;
	v11 =	vpack.i.f32.bf16 v1, v1  }
0x181: {  	s15 =	simm.s32 $0x2;
	v1 =	vmul.bf16 v3, v11  }
0x182: {  	s10 =	simm.s32 $0x11570;
	v2 =	vld.idx.msk [tilespmem:v2+s20+$0x0], $0xffff;
	v3 =	vmov s15  }
0x183: {  	v6 =	vld [tilespmem:s11+$0xFFFFFFC0];
	v3 =	vand.u32 $0x7E, v3;
	[tilespmem:s10+$0x0] =	vst v1  }
0x184: {  	v1 =	vadd.s32 $0xF0, v3;
	v3 =	vld [tilespmem:s11+$0x10]  }
0x185: {  	s16 =	simm.s32 $0x4;
	s3 =	simm.s32 $0xB1F0;
	v4 =	vld.idx.msk [tilespmem:v4+s20+$0x0], $0xffff  }
0x186: {  	v7 =	vmov s16;
	v8 =	vld [tilespmem:s3+$0x0]  }
0x187: {  	s17 =	simm.s32 $0x5;
	v5 =	vpack.i.f32.bf16 v2, v2;
	v2 =	vand.u32 $0x7E, v7  }
0x188: {  	v7 =	vmov s17;
	v6 =	vmul.bf16 v6, v5;
	v2 =	vadd.s32 $0xF0, v2  }
0x189: {  	v9 =	vld.idx.msk [tilespmem:v1+s20+$0x0], $0xffff;
	v1 =	vand.u32 $0x7F, v7;
	v3 =	vmul.bf16 v3, v11  }
0x18a: {  	[tilespmem:s10+$0xFFFFFFC0] =	vst v6;
	v6 =	vld [tilespmem:s3+$0xFFFFFFC0];
	v7 =	vadd.s32 $0xF0, v1;
	v1 =	vpack.i.f32.bf16 v4, v4  }
0x18b: {  	v4 =	vld [tilespmem:s11+$0xFFFFFFD0];
	v8 =	vmul.bf16 v8, v1;
	[tilespmem:s10+$0x10] =	vst v3  }
0x18c: {  	s8 =	simm.s32 $0x115F0;
	v3 =	vld [tilespmem:s11+$0x20]  }
0x18d: {  	s23 =	simm.s32 $0x6;
	v10 =	vld.idx.msk [tilespmem:v2+s20+$0x0], $0xffff;
	[tilespmem:s8+$0x0] =	vst v8  }
0x18e: {  	v8 =	vmov s23;
	v2 =	vpack.i.f32.bf16 v9, v9;
	v9 =	vld [tilespmem:s3+$0x10]  }
0x18f: {  	s25 =	simm.s32 $0x7;
	s12 =	simm.s32 $0xB270;
	v8 =	vand.u32 $0x7E, v8;
	v6 =	vmul.bf16 v6, v2;
	v7 =	vld.idx.msk [tilespmem:v7+s20+$0x0], $0xffff  }
0x190: {  	v12 =	vmov s25;
	v13 =	vld [tilespmem:s12+$0x0];
	v4 =	vmul.bf16 v4, v5;
	v8 =	vadd.s32 $0xF0, v8  }
0x191: {  	[tilespmem:s8+$0xFFFFFFC0] =	vst v6;
	v6 =	vand.u32 $0x7F, v12;
	v12 =	vld [tilespmem:s12+$0xFFFFFFC0];
	v3 =	vmul.bf16 v3, v11  }
0x192: {  	[tilespmem:s10+$0xFFFFFFD0] =	vst v4;
	v14 =	vld [tilespmem:s3+$0xFFFFFFD0];
	v15 =	vadd.s32 $0xF0, v6  }
0x193: {  	v62 =	vld [tilespmem:s11+$0xFFFFFFE0];
	v6 =	vmul.bf16 v9, v1;
	[tilespmem:s10+$0x20] =	vst v3  }
0x194: {  	v3 =	vpack.i.f32.bf16 v7, v7;
	v63 =	vld [tilespmem:s11+$0x30]  }
0x195: {  	v4 =	vpack.i.f32.bf16 v10, v10;
	v7 =	vld.idx.msk [tilespmem:v8+s20+$0x0], $0xffff;
	v8 =	vmul.bf16 v13, v3;
	[tilespmem:s8+$0x10] =	vst v6  }
0x196: {  	s13 =	simm.s32 $0x11670;
	v9 =	vmul.bf16 v12, v4;
	v6 =	vld [tilespmem:s3+$0x20]  }
0x197: {  	s26 =	simm.s32 $0x8;
	v12 =	vmul.bf16 v14, v2;
	v10 =	vld.idx.msk [tilespmem:v15+s20+$0x0], $0xffff;
	[tilespmem:s13+$0x0] =	vst v8  }
0x198: {  	v13 =	vmul.bf16 v62, v5;
	v14 =	vmov s26;
	[tilespmem:s13+$0xFFFFFFC0] =	vst v9;
	v8 =	vld [tilespmem:s12+$0x10]  }
0x199: {  	s1 =	simm.s32 $0xB2F0;
	s31 =	simm.s32 $0x9;
	[tilespmem:s8+$0xFFFFFFD0] =	vst v12;
	v12 =	vand.u32 $0x7E, v14;
	v9 =	vld [tilespmem:s12+$0xFFFFFFD0];
	v11 =	vmul.bf16 v63, v11  }
0x19a: {  	s14 =	simm.s32 $0xA;
	[tilespmem:s10+$0xFFFFFFE0] =	vst v13;
	v14 =	vmov s31;
	v13 =	vadd.s32 $0xF0, v12;
	v12 =	vld [tilespmem:s1+$0x0]  }
.LBB2_10:
0x19b: {  	p0 =	slt.u32 s14, $0x4E;
	v14 =	vand.u32 $0x7F, v14;
	v15 =	vld [tilespmem:s1+$0xFFFFFFC0];
	v6 =	vmul.bf16 v6, v1;
	[tilespmem:s10+$0x30] =	vst v11;
	s15 =	smov.u32 s13  }
0x19c: {  	v11 =	vadd.s32 $0xF0, v14;
	v14 =	vld [tilespmem:s3+$0xFFFFFFE0]  }
0x19d: {  	v8 =	vmul.bf16 v8, v3;
	[tilespmem:s8+$0x20] =	vst v6;
	v16 =	vld [tilespmem:s11+$0xFFFFFFF0];
	s11 =	smov.u32 s3;
	s3 =	smov.u32 s12;
	s12 =	smov.u32 s1  }
0x19e: {  	v17 =	vpack.i.f32.bf16 v10, v10;
	v6 =	vmul.bf16 v9, v4;
	v18 =	vld [tilespmem:s11+$0x30]  }
0x19f: {  	v9 =	vpack.i.f32.bf16 v7, v7;
	v7 =	vld.idx.msk [tilespmem:v13+s20+$0x0], $0xffff;
	v12 =	vmul.bf16 v12, v17;
	[tilespmem:s13+$0x10] =	vst v8  }
.Ltmp6:
0x1a0: {  	s13 =	sadd.s32 $0x80, s13;
	v8 =	vmul.bf16 v15, v9;
	[tilespmem:s15+$0xFFFFFFD0] =	vst v6;
	v6 =	vld [tilespmem:s3+$0x20];
	(pc) =	sbr.rel @p0 .LBB2_10-.Ltmp6, $4  }
0x1a1: {  	v10 =	vld.idx.msk [tilespmem:v11+s20+$0x0], $0xffff;
	[tilespmem:s13+$0x0] =	vst v12;
	v11 =	vmul.bf16 v14, v2  }
0x1a2: {  	v12 =	vmov s14;
	[tilespmem:s13+$0xFFFFFFC0] =	vst v8;
	v8 =	vld [tilespmem:s1+$0x10];
	v15 =	vmul.bf16 v16, v5;
	v5 =	vmovc v2;
	v2 =	vmovc v4;
	v4 =	vmov v9  }
0x1a3: {  	s16 =	sadd.s32 $0x1, s14;
	v12 =	vand.u32 $0x7E, v12;
	s1 =	sadd.s32 $0x80, s1;
	v9 =	vld [tilespmem:s12+$0xFFFFFFD0];
	[tilespmem:s8+$0xFFFFFFE0] =	vst v11;
	v11 =	vmul.bf16 v18, v1;
	v1 =	vmovc v3;
	v3 =	vmov v17  }
0x1a4: {  	v14 =	vmov s16;
	s14 =	sadd.s32 $0x2, s14;
	v13 =	vadd.s32 $0xF0, v12;
	v12 =	vld [tilespmem:s1+$0x0];
	[tilespmem:s10+$0xFFFFFFF0] =	vst v15;
	s10 =	smov.u32 s8;
	s8 =	smov.u32 s15  }
0x1a5: {  	v14 =	vand.u32 $0x7F, v14  }
0x1a6: {  	v14 =	vadd.s32 $0xF0, v14;
	_ =	sdelay $0x2  }
0x1a7: {  	v15 =	vld [tilespmem:s1+$0xFFFFFFC0]  }
0x1a8: {  	v13 =	vld.idx.msk [tilespmem:v13+s20+$0x0], $0xffff  }
0x1a9: {  	s14 =	sadd.s32 $0x80, s1;
	v14 =	vld.idx.msk [tilespmem:v14+s20+$0x0], $0xffff  }
0x1aa: {  	v16 =	vld [tilespmem:s14+$0x0]  }
0x1ab: {  	v17 =	vld [tilespmem:s14+$0xFFFFFFC0]  }
0x1ac: {  	v10 =	vpack.i.f32.bf16 v10, v10  }
0x1ad: {  	v18 =	vld [tilespmem:s11+$0xFFFFFFF0];
	v7 =	vpack.i.f32.bf16 v7, v7;
	v12 =	vmul.bf16 v12, v10  }
0x1ae: {  	s31 =	sadd.s32 $0x80, s13;
	v15 =	vmul.bf16 v15, v7;
	v14 =	vpack.i.f32.bf16 v14, v14  }
0x1af: {  	[tilespmem:s31+$0x0] =	vst v12;
	v12 =	vpack.i.f32.bf16 v13, v13;
	v13 =	vmul.bf16 v16, v14  }
0x1b0: {  	s15 =	sadd.s32 $0x80, s31;
	[tilespmem:s31+$0xFFFFFFC0] =	vst v15;
	v15 =	vld [tilespmem:s1+$0x10];
	v58 =	vmul.bf16 v17, v12  }
0x1b1: {  	[tilespmem:s15+$0x0] =	vst v13;
	v13 =	vld [tilespmem:s1+$0xFFFFFFD0]  }
0x1b2: {  	v5 =	vmul.bf16 v18, v5;
	[tilespmem:s15+$0xFFFFFFC0] =	vst v58;
	v59 =	vld [tilespmem:s14+$0x10]  }
0x1b3: {  	[tilespmem:s10+$0x30] =	vst v11;
	v8 =	vmul.bf16 v8, v3;
	v11 =	vld [tilespmem:s14+$0xFFFFFFD0]  }
0x1b4: {  	[tilespmem:s10+$0xFFFFFFF0] =	vst v5;
	v5 =	vmul.bf16 v9, v4  }
0x1b5: {  	[tilespmem:s13+$0x10] =	vst v8;
	v9 =	vld [tilespmem:s3+$0xFFFFFFE0];
	v8 =	vmul.bf16 v15, v10  }
0x1b6: {  	[tilespmem:s13+$0xFFFFFFD0] =	vst v5;
	v5 =	vld [tilespmem:s12+$0x20];
	v13 =	vmul.bf16 v13, v7  }
0x1b7: {  	v15 =	vld [tilespmem:s12+$0xFFFFFFE0];
	[tilespmem:s31+$0x10] =	vst v8;
	v8 =	vmul.bf16 v59, v14  }
0x1b8: {  	v11 =	vmul.bf16 v11, v12;
	[tilespmem:s31+$0xFFFFFFD0] =	vst v13;
	v13 =	vld [tilespmem:s1+$0x20]  }
0x1b9: {  	v6 =	vmul.bf16 v6, v1;
	v60 =	vld [tilespmem:s1+$0xFFFFFFE0];
	[tilespmem:s15+$0x10] =	vst v8  }
0x1ba: {  	[tilespmem:s15+$0xFFFFFFD0] =	vst v11;
	v8 =	vmul.bf16 v9, v2;
	v9 =	vld [tilespmem:s14+$0x20]  }
0x1bb: {  	[tilespmem:s8+$0x20] =	vst v6;
	v5 =	vmul.bf16 v5, v3;
	v6 =	vld [tilespmem:s14+$0xFFFFFFE0]  }
0x1bc: {  	v11 =	vld [tilespmem:s3+$0x30];
	[tilespmem:s8+$0xFFFFFFE0] =	vst v8;
	v8 =	vmul.bf16 v15, v4  }
0x1bd: {  	[tilespmem:s13+$0x20] =	vst v5;
	v5 =	vld [tilespmem:s3+$0xFFFFFFF0];
	v13 =	vmul.bf16 v13, v10  }
0x1be: {  	v15 =	vld [tilespmem:s12+$0x30];
	[tilespmem:s13+$0xFFFFFFE0] =	vst v8;
	v8 =	vmul.bf16 v60, v7  }
0x1bf: {  	[tilespmem:s31+$0x20] =	vst v13;
	v13 =	vld [tilespmem:s12+$0xFFFFFFF0];
	v9 =	vmul.bf16 v9, v14  }
0x1c0: {  	v6 =	vmul.bf16 v6, v12;
	v61 =	vld [tilespmem:s1+$0x30];
	[tilespmem:s31+$0xFFFFFFE0] =	vst v8  }
0x1c1: {  	v1 =	vmul.bf16 v11, v1;
	[tilespmem:s15+$0x20] =	vst v9;
	v8 =	vld [tilespmem:s1+$0xFFFFFFF0]  }
0x1c2: {  	[tilespmem:s15+$0xFFFFFFE0] =	vst v6;
	v2 =	vmul.bf16 v5, v2;
	v5 =	vld [tilespmem:s14+$0x30]  }
0x1c3: {  	[tilespmem:s8+$0x30] =	vst v1;
	v1 =	vmul.bf16 v15, v3;
	v3 =	vld [tilespmem:s14+$0xFFFFFFF0]  }
0x1c4: {  	[tilespmem:s8+$0xFFFFFFF0] =	vst v2;
	v2 =	vmul.bf16 v13, v4  }
0x1c5: {  	[tilespmem:s13+$0x30] =	vst v1;
	v1 =	vmul.bf16 v61, v10  }
0x1c6: {  	[tilespmem:s13+$0xFFFFFFF0] =	vst v2;
	v2 =	vmul.bf16 v8, v7  }
0x1c7: {  	[tilespmem:s31+$0x30] =	vst v1;
	v1 =	vmul.bf16 v5, v14  }
0x1c8: {  	[tilespmem:s31+$0xFFFFFFF0] =	vst v2;
	v2 =	vmul.bf16 v3, v12  }
0x1c9: {  	s3 =	simm.s32 $0x1;
	[tilespmem:s15+$0x30] =	vst v1  }
0x1ca: {  	s10 =	simm.s32 $0x11530;
	s8 =	simm.s32 $0x2800;
	v1 =	vmov s3;
	[tilespmem:s15+$0xFFFFFFF0] =	vst v2  }
0x1cb: {  	v1 =	vand.u32 $0x7F, v1;
	[spmem:s2] =	stream.indirect.scatter.add.bf16 [tilespmem:s10], [sflag:$0x9], $0x40, s8, s22, $0xb8;
	[tilespmem:$0x1D970] =	vst v63  }
0x1cc: {  	s11 =	simm.s32 $0xB130;
	s12 =	simm.s32 $0x280;
	v1 =	vadd.s32 $0x140, v1  }
0x1cd: {  	[tilespmem:s11], [sflag:$0x4] =	stream.indirect.gather [hbm4b:s4+s22], $0x40, s12, s22, $0xb8;
	[tilespmem:$0x1D970] =	vst v63  }
0x1ce: {  	_ =	swait.ge [sflag:s24], $0x1400  }
0x1cf: {  	[sflag:s24] =	ssyncset.done $0x0  }
0x1d0: {  	s13 =	simm.s32 $0x0;
	[sflag:s24] =	ssyncadd.s32 $0xFFFFEC00  }
0x1d1: {  	v2 =	vmov s13;
	s11 =	simm.s32 $0xC570;
	v1 =	vld.idx.msk [tilespmem:v1+s20+$0x0], $0xffff  }
0x1d2: {  	v2 =	vand.u32 $0x7E, v2;
	v3 =	vld [tilespmem:s11+$0x0]  }
0x1d3: {  	s14 =	simm.s32 $0x3;
	v2 =	vadd.s32 $0x140, v2  }
0x1d4: {  	v4 =	vmov s14  }
0x1d5: {  	v4 =	vand.u32 $0x7F, v4  }
0x1d6: {  	v4 =	vadd.s32 $0x140, v4;
	v11 =	vpack.i.f32.bf16 v1, v1  }
0x1d7: {  	s15 =	simm.s32 $0x2;
	v1 =	vmul.bf16 v3, v11  }
0x1d8: {  	s10 =	simm.s32 $0x12970;
	v2 =	vld.idx.msk [tilespmem:v2+s20+$0x0], $0xffff;
	v3 =	vmov s15  }
0x1d9: {  	v6 =	vld [tilespmem:s11+$0xFFFFFFC0];
	v3 =	vand.u32 $0x7E, v3;
	[tilespmem:s10+$0x0] =	vst v1  }
0x1da: {  	v1 =	vadd.s32 $0x140, v3;
	v3 =	vld [tilespmem:s11+$0x10]  }
0x1db: {  	s16 =	simm.s32 $0x4;
	s3 =	simm.s32 $0xC5F0;
	v4 =	vld.idx.msk [tilespmem:v4+s20+$0x0], $0xffff  }
0x1dc: {  	v7 =	vmov s16;
	v8 =	vld [tilespmem:s3+$0x0]  }
0x1dd: {  	s17 =	simm.s32 $0x5;
	v5 =	vpack.i.f32.bf16 v2, v2;
	v2 =	vand.u32 $0x7E, v7  }
0x1de: {  	v7 =	vmov s17;
	v6 =	vmul.bf16 v6, v5;
	v2 =	vadd.s32 $0x140, v2  }
0x1df: {  	v9 =	vld.idx.msk [tilespmem:v1+s20+$0x0], $0xffff;
	v1 =	vand.u32 $0x7F, v7;
	v3 =	vmul.bf16 v3, v11  }
0x1e0: {  	[tilespmem:s10+$0xFFFFFFC0] =	vst v6;
	v6 =	vld [tilespmem:s3+$0xFFFFFFC0];
	v7 =	vadd.s32 $0x140, v1;
	v1 =	vpack.i.f32.bf16 v4, v4  }
0x1e1: {  	v4 =	vld [tilespmem:s11+$0xFFFFFFD0];
	v8 =	vmul.bf16 v8, v1;
	[tilespmem:s10+$0x10] =	vst v3  }
0x1e2: {  	s8 =	simm.s32 $0x129F0;
	v3 =	vld [tilespmem:s11+$0x20]  }
0x1e3: {  	s23 =	simm.s32 $0x6;
	v10 =	vld.idx.msk [tilespmem:v2+s20+$0x0], $0xffff;
	[tilespmem:s8+$0x0] =	vst v8  }
0x1e4: {  	v8 =	vmov s23;
	v2 =	vpack.i.f32.bf16 v9, v9;
	v9 =	vld [tilespmem:s3+$0x10]  }
0x1e5: {  	s25 =	simm.s32 $0x7;
	s12 =	simm.s32 $0xC670;
	v8 =	vand.u32 $0x7E, v8;
	v6 =	vmul.bf16 v6, v2;
	v7 =	vld.idx.msk [tilespmem:v7+s20+$0x0], $0xffff  }
0x1e6: {  	v12 =	vmov s25;
	v13 =	vld [tilespmem:s12+$0x0];
	v4 =	vmul.bf16 v4, v5;
	v8 =	vadd.s32 $0x140, v8  }
0x1e7: {  	[tilespmem:s8+$0xFFFFFFC0] =	vst v6;
	v6 =	vand.u32 $0x7F, v12;
	v12 =	vld [tilespmem:s12+$0xFFFFFFC0];
	v3 =	vmul.bf16 v3, v11  }
0x1e8: {  	[tilespmem:s10+$0xFFFFFFD0] =	vst v4;
	v14 =	vld [tilespmem:s3+$0xFFFFFFD0];
	v15 =	vadd.s32 $0x140, v6  }
0x1e9: {  	v62 =	vld [tilespmem:s11+$0xFFFFFFE0];
	v6 =	vmul.bf16 v9, v1;
	[tilespmem:s10+$0x20] =	vst v3  }
0x1ea: {  	v3 =	vpack.i.f32.bf16 v7, v7;
	v63 =	vld [tilespmem:s11+$0x30]  }
0x1eb: {  	v4 =	vpack.i.f32.bf16 v10, v10;
	v7 =	vld.idx.msk [tilespmem:v8+s20+$0x0], $0xffff;
	v8 =	vmul.bf16 v13, v3;
	[tilespmem:s8+$0x10] =	vst v6  }
0x1ec: {  	s13 =	simm.s32 $0x12A70;
	v9 =	vmul.bf16 v12, v4;
	v6 =	vld [tilespmem:s3+$0x20]  }
0x1ed: {  	s26 =	simm.s32 $0x8;
	v12 =	vmul.bf16 v14, v2;
	v10 =	vld.idx.msk [tilespmem:v15+s20+$0x0], $0xffff;
	[tilespmem:s13+$0x0] =	vst v8  }
0x1ee: {  	v13 =	vmul.bf16 v62, v5;
	v14 =	vmov s26;
	[tilespmem:s13+$0xFFFFFFC0] =	vst v9;
	v8 =	vld [tilespmem:s12+$0x10]  }
0x1ef: {  	s1 =	simm.s32 $0xC6F0;
	s31 =	simm.s32 $0x9;
	[tilespmem:s8+$0xFFFFFFD0] =	vst v12;
	v12 =	vand.u32 $0x7E, v14;
	v9 =	vld [tilespmem:s12+$0xFFFFFFD0];
	v11 =	vmul.bf16 v63, v11  }
0x1f0: {  	s14 =	simm.s32 $0xA;
	[tilespmem:s10+$0xFFFFFFE0] =	vst v13;
	v14 =	vmov s31;
	v13 =	vadd.s32 $0x140, v12;
	v12 =	vld [tilespmem:s1+$0x0]  }
.LBB2_12:
0x1f1: {  	p0 =	slt.u32 s14, $0x4E;
	v14 =	vand.u32 $0x7F, v14;
	v15 =	vld [tilespmem:s1+$0xFFFFFFC0];
	v6 =	vmul.bf16 v6, v1;
	[tilespmem:s10+$0x30] =	vst v11;
	s15 =	smov.u32 s13  }
0x1f2: {  	v11 =	vadd.s32 $0x140, v14;
	v14 =	vld [tilespmem:s3+$0xFFFFFFE0]  }
0x1f3: {  	v8 =	vmul.bf16 v8, v3;
	[tilespmem:s8+$0x20] =	vst v6;
	v16 =	vld [tilespmem:s11+$0xFFFFFFF0];
	s11 =	smov.u32 s3;
	s3 =	smov.u32 s12;
	s12 =	smov.u32 s1  }
0x1f4: {  	v17 =	vpack.i.f32.bf16 v10, v10;
	v6 =	vmul.bf16 v9, v4;
	v18 =	vld [tilespmem:s11+$0x30]  }
0x1f5: {  	v9 =	vpack.i.f32.bf16 v7, v7;
	v7 =	vld.idx.msk [tilespmem:v13+s20+$0x0], $0xffff;
	v12 =	vmul.bf16 v12, v17;
	[tilespmem:s13+$0x10] =	vst v8  }
.Ltmp7:
0x1f6: {  	s13 =	sadd.s32 $0x80, s13;
	v8 =	vmul.bf16 v15, v9;
	[tilespmem:s15+$0xFFFFFFD0] =	vst v6;
	v6 =	vld [tilespmem:s3+$0x20];
	(pc) =	sbr.rel @p0 .LBB2_12-.Ltmp7, $4  }
0x1f7: {  	v10 =	vld.idx.msk [tilespmem:v11+s20+$0x0], $0xffff;
	[tilespmem:s13+$0x0] =	vst v12;
	v11 =	vmul.bf16 v14, v2  }
0x1f8: {  	v12 =	vmov s14;
	[tilespmem:s13+$0xFFFFFFC0] =	vst v8;
	v8 =	vld [tilespmem:s1+$0x10];
	v15 =	vmul.bf16 v16, v5;
	v5 =	vmovc v2;
	v2 =	vmovc v4;
	v4 =	vmov v9  }
0x1f9: {  	s16 =	sadd.s32 $0x1, s14;
	v12 =	vand.u32 $0x7E, v12;
	s1 =	sadd.s32 $0x80, s1;
	v9 =	vld [tilespmem:s12+$0xFFFFFFD0];
	[tilespmem:s8+$0xFFFFFFE0] =	vst v11;
	v11 =	vmul.bf16 v18, v1;
	v1 =	vmovc v3;
	v3 =	vmov v17  }
0x1fa: {  	v14 =	vmov s16;
	s14 =	sadd.s32 $0x2, s14;
	v13 =	vadd.s32 $0x140, v12;
	v12 =	vld [tilespmem:s1+$0x0];
	[tilespmem:s10+$0xFFFFFFF0] =	vst v15;
	s10 =	smov.u32 s8;
	s8 =	smov.u32 s15  }
0x1fb: {  	v14 =	vand.u32 $0x7F, v14  }
0x1fc: {  	v14 =	vadd.s32 $0x140, v14;
	_ =	sdelay $0x1  }
0x1fd: {  	v15 =	vld [tilespmem:s1+$0xFFFFFFC0]  }
0x1fe: {  	v13 =	vld.idx.msk [tilespmem:v13+s20+$0x0], $0xffff;
	s14 =	sadd.s32 $0x80, s1  }
0x1ff: {  	v17 =	vld [tilespmem:s14+$0xFFFFFFC0]  }
0x200: {  	v14 =	vld.idx.msk [tilespmem:v14+s20+$0x0], $0xffff  }
0x201: {  	v16 =	vld [tilespmem:s14+$0x0]  }
0x202: {  	v7 =	vpack.i.f32.bf16 v7, v7  }
0x203: {  	v10 =	vpack.i.f32.bf16 v10, v10;
	v15 =	vmul.bf16 v15, v7  }
0x204: {  	s17 =	sadd.s32 $0x80, s13;
	[tilespmem:s10+$0x30] =	vst v11;
	v12 =	vmul.bf16 v12, v10;
	v38 =	vpack.i.f32.bf16 v13, v13  }
0x205: {  	v18 =	vld [tilespmem:s11+$0xFFFFFFF0];
	v41 =	vmul.bf16 v17, v38;
	[tilespmem:s17+$0xFFFFFFC0] =	vst v15;
	v14 =	vpack.i.f32.bf16 v14, v14  }
0x206: {  	s15 =	sadd.s32 $0x80, s17;
	[tilespmem:s17+$0x0] =	vst v12;
	v42 =	vld [tilespmem:s1+$0xFFFFFFD0];
	v39 =	vmul.bf16 v16, v14  }
0x207: {  	v6 =	vmul.bf16 v6, v1;
	v40 =	vld [tilespmem:s1+$0x10];
	[tilespmem:s15+$0xFFFFFFC0] =	vst v41  }
0x208: {  	v8 =	vmul.bf16 v8, v3;
	v44 =	vld [tilespmem:s14+$0xFFFFFFD0];
	[tilespmem:s15+$0x0] =	vst v39  }
0x209: {  	[tilespmem:s8+$0x20] =	vst v6;
	v45 =	vmul.bf16 v9, v4;
	v43 =	vld [tilespmem:s14+$0x10]  }
0x20a: {  	v46 =	vld [tilespmem:s3+$0xFFFFFFE0];
	[tilespmem:s13+$0x10] =	vst v8;
	v5 =	vmul.bf16 v18, v5  }
0x20b: {  	[tilespmem:s13+$0xFFFFFFD0] =	vst v45;
	v48 =	vld [tilespmem:s12+$0x20];
	v13 =	vmul.bf16 v42, v7  }
0x20c: {  	v49 =	vld [tilespmem:s12+$0xFFFFFFE0];
	[tilespmem:s10+$0xFFFFFFF0] =	vst v5;
	v47 =	vmul.bf16 v40, v10  }
0x20d: {  	v56 =	vld [tilespmem:s3+$0x30];
	v11 =	vmul.bf16 v44, v38;
	[tilespmem:s17+$0xFFFFFFD0] =	vst v13  }
0x20e: {  	[tilespmem:s17+$0x10] =	vst v47;
	v52 =	vld [tilespmem:s1+$0xFFFFFFE0];
	v50 =	vmul.bf16 v43, v14  }
0x20f: {  	v53 =	vmul.bf16 v46, v2;
	v51 =	vld [tilespmem:s1+$0x20];
	[tilespmem:s15+$0xFFFFFFD0] =	vst v11  }
0x210: {  	v5 =	vmul.bf16 v48, v3;
	v55 =	vld [tilespmem:s14+$0xFFFFFFE0];
	[tilespmem:s15+$0x10] =	vst v50  }
0x211: {  	[tilespmem:s8+$0xFFFFFFE0] =	vst v53;
	v57 =	vmul.bf16 v49, v4;
	v54 =	vld [tilespmem:s14+$0x20]  }
0x212: {  	v58 =	vld [tilespmem:s3+$0xFFFFFFF0];
	v1 =	vmul.bf16 v56, v1;
	[tilespmem:s13+$0x20] =	vst v5  }
0x213: {  	v59 =	vld [tilespmem:s12+$0x30];
	[tilespmem:s13+$0xFFFFFFE0] =	vst v57;
	v60 =	vmul.bf16 v52, v7  }
0x214: {  	[tilespmem:s8+$0x30] =	vst v1;
	v61 =	vld [tilespmem:s12+$0xFFFFFFF0];
	v13 =	vmul.bf16 v51, v10  }
0x215: {  	v6 =	vmul.bf16 v55, v38;
	[tilespmem:s17+$0xFFFFFFE0] =	vst v60  }
0x216: {  	[tilespmem:s17+$0x20] =	vst v13;
	v8 =	vld [tilespmem:s1+$0xFFFFFFF0];
	v9 =	vmul.bf16 v54, v14  }
0x217: {  	v2 =	vmul.bf16 v58, v2;
	v62 =	vld [tilespmem:s1+$0x30];
	[tilespmem:s15+$0xFFFFFFE0] =	vst v6  }
0x218: {  	v1 =	vmul.bf16 v59, v3;
	v3 =	vld [tilespmem:s14+$0xFFFFFFF0];
	[tilespmem:s15+$0x20] =	vst v9  }
0x219: {  	[tilespmem:s8+$0xFFFFFFF0] =	vst v2;
	v2 =	vmul.bf16 v61, v4;
	v63 =	vld [tilespmem:s14+$0x30];
	_ =	sdelay $0x1  }
0x21a: {  	[tilespmem:s13+$0xFFFFFFF0] =	vst v2;
	v2 =	vmul.bf16 v8, v7  }
0x21b: {  	[tilespmem:s13+$0x30] =	vst v1;
	v1 =	vmul.bf16 v62, v10  }
0x21c: {  	[tilespmem:s17+$0xFFFFFFF0] =	vst v2;
	v2 =	vmul.bf16 v3, v38  }
0x21d: {  	[tilespmem:s17+$0x30] =	vst v1;
	v1 =	vmul.bf16 v63, v14  }
0x21e: {  	[tilespmem:s15+$0xFFFFFFF0] =	vst v2  }
0x21f: {  	s23 =	simm.s32 $0x2850;
	s25 =	simm.s32 $0x12930;
	[tilespmem:s15+$0x30] =	vst v1  }
0x220: {  	[spmem:s2] =	stream.indirect.scatter.add.bf16 [tilespmem:s25], [sflag:$0xA], $0x40, s23, s22, $0xb8;
	[tilespmem:$0x1D970] =	vst v63  }
0x221: {  	s26 =	simm.s32 $0xC530;
	s31 =	simm.s32 $0x2D0;
	s11 =	simm.s32 $0x1  }
0x222: {  	[tilespmem:s26], [sflag:$0x5] =	stream.indirect.gather [hbm4b:s4+s22], $0x40, s31, s22, $0xb8;
	[tilespmem:$0x1D970] =	vst v63  }
.LBB2_14:
0x223: {  	s13 =	smul.u32 $0x5, s11;
	_ =	sdelay $0x1  }
0x224: {  	v1 =	vmov s13  }
0x225: {  	v1 =	vmul.u32 $0x50, v1  }
0x226: {  	s1 =	simm.s32 $0x1  }
0x227: {  	v2 =	vmov s1;
	v1 =	vbroadcast v1, $0x0  }
0x228: {  	v3 =	vand.u32 $0x78, v2  }
0x229: {  	_ =	swait.ge [sflag:s0], $0x1400;
	v2 =	vand.u32 $0x7, v2;
	v3 =	vadd.s32 v1, v3  }
0x22a: {  	[sflag:s0] =	ssyncset.done $0x0;
	v2 =	vor.u32 v2, v3  }
0x22b: {  	[sflag:s0] =	ssyncadd.s32 $0xFFFFEC00  }
0x22c: {  	s26 =	simm.s32 $0x0;
	_ =	swait.ge [sflag:s29], $0x1400  }
0x22d: {  	[sflag:s29] =	ssyncset.done $0x0;
	v3 =	vmov s26  }
0x22e: {  	[sflag:s29] =	ssyncadd.s32 $0xFFFFEC00;
	v4 =	vand.u32 $0x78, v3  }
0x22f: {  	s31 =	simm.s32 $0x7570;
	v3 =	vand.u32 $0x6, v3;
	v4 =	vadd.s32 v1, v4;
	v2 =	vld.idx.msk [tilespmem:v2+s20+$0x0], $0xffff  }
0x230: {  	s3 =	simm.s32 $0x3;
	v3 =	vor.u32 v3, v4;
	v4 =	vld [tilespmem:s31+$0x0]  }
0x231: {  	v5 =	vmov s3  }
0x232: {  	v6 =	vand.u32 $0x78, v5  }
0x233: {  	s15 =	simm.s32 $0x2;
	v5 =	vand.u32 $0x7, v5;
	v6 =	vadd.s32 v1, v6  }
0x234: {  	v7 =	vmov s15;
	v5 =	vor.u32 v5, v6;
	v6 =	vpack.i.f32.bf16 v2, v2  }
0x235: {  	v2 =	vld.idx.msk [tilespmem:v3+s20+$0x0], $0xffff;
	v3 =	vand.u32 $0x78, v7;
	v4 =	vmul.bf16 v4, v6  }
0x236: {  	s3 =	simm.s32 $0xD970;
	v7 =	vand.u32 $0x6, v7;
	v3 =	vadd.s32 v1, v3  }
0x237: {  	v3 =	vor.u32 v7, v3;
	v7 =	vld [tilespmem:s31+$0xFFFFFFC0];
	[tilespmem:s3+$0x0] =	vst v4  }
0x238: {  	s8 =	simm.s32 $0x4;
	v4 =	vld [tilespmem:s31+$0x10]  }
0x239: {  	s12 =	simm.s32 $0x75F0;
	v8 =	vmov s8;
	v5 =	vld.idx.msk [tilespmem:v5+s20+$0x0], $0xffff  }
0x23a: {  	s16 =	simm.s32 $0x5;
	v9 =	vld [tilespmem:s12+$0x0];
	v11 =	vpack.i.f32.bf16 v2, v2;
	v2 =	vand.u32 $0x78, v8  }
0x23b: {  	v10 =	vmov s16;
	v8 =	vand.u32 $0x6, v8;
	v2 =	vadd.s32 v1, v2  }
0x23c: {  	v3 =	vld.idx.msk [tilespmem:v3+s20+$0x0], $0xffff;
	v7 =	vmul.bf16 v7, v11;
	v2 =	vor.u32 v8, v2;
	v8 =	vand.u32 $0x78, v10  }
0x23d: {  	v12 =	vld [tilespmem:s12+$0xFFFFFFC0];
	v10 =	vand.u32 $0x7, v10;
	v8 =	vadd.s32 v1, v8;
	v4 =	vmul.bf16 v4, v6  }
0x23e: {  	v17 =	vpack.i.f32.bf16 v5, v5;
	[tilespmem:s3+$0xFFFFFFC0] =	vst v7;
	v7 =	vor.u32 v10, v8  }
0x23f: {  	v8 =	vmul.bf16 v9, v17;
	v5 =	vld [tilespmem:s31+$0xFFFFFFD0];
	[tilespmem:s3+$0x10] =	vst v4  }
0x240: {  	s17 =	simm.s32 $0x6;
	s14 =	simm.s32 $0xD9F0;
	v4 =	vld [tilespmem:s31+$0x20]  }
0x241: {  	[tilespmem:s14+$0x0] =	vst v8;
	v9 =	vld.idx.msk [tilespmem:v2+s20+$0x0], $0xffff;
	v2 =	vpack.i.f32.bf16 v3, v3;
	v3 =	vmov s17  }
0x242: {  	s23 =	simm.s32 $0x7;
	v8 =	vmul.bf16 v12, v2;
	v10 =	vand.u32 $0x78, v3;
	v12 =	vld [tilespmem:s12+$0x10]  }
0x243: {  	v13 =	vmov s23;
	s15 =	simm.s32 $0x7670;
	v3 =	vand.u32 $0x6, v3;
	v7 =	vld.idx.msk [tilespmem:v7+s20+$0x0], $0xffff;
	v10 =	vadd.s32 v1, v10  }
0x244: {  	v14 =	vld [tilespmem:s15+$0x0];
	v5 =	vmul.bf16 v5, v11;
	v10 =	vor.u32 v3, v10;
	v3 =	vand.u32 $0x78, v13  }
0x245: {  	[tilespmem:s14+$0xFFFFFFC0] =	vst v8;
	v8 =	vand.u32 $0x7, v13;
	v13 =	vld [tilespmem:s15+$0xFFFFFFC0];
	v3 =	vadd.s32 v1, v3;
	v4 =	vmul.bf16 v4, v6  }
0x246: {  	[tilespmem:s3+$0xFFFFFFD0] =	vst v5;
	v5 =	vld [tilespmem:s12+$0xFFFFFFD0];
	v8 =	vor.u32 v8, v3  }
0x247: {  	v15 =	vld [tilespmem:s31+$0xFFFFFFE0];
	v12 =	vmul.bf16 v12, v17;
	[tilespmem:s3+$0x20] =	vst v4  }
0x248: {  	v3 =	vpack.i.f32.bf16 v7, v7;
	v7 =	vld [tilespmem:s31+$0x30]  }
0x249: {  	v4 =	vpack.i.f32.bf16 v9, v9;
	v10 =	vld.idx.msk [tilespmem:v10+s20+$0x0], $0xffff;
	v9 =	vmul.bf16 v14, v3;
	[tilespmem:s14+$0x10] =	vst v12  }
0x24a: {  	s10 =	simm.s32 $0x8;
	s8 =	simm.s32 $0xDA70;
	v12 =	vmul.bf16 v13, v4;
	v13 =	vld [tilespmem:s12+$0x20]  }
0x24b: {  	s25 =	simm.s32 $0x9;
	v14 =	vmov s10;
	v8 =	vld.idx.msk [tilespmem:v8+s20+$0x0], $0xffff;
	[tilespmem:s8+$0x0] =	vst v9  }
0x24c: {  	v16 =	vmov s25;
	v9 =	vand.u32 $0x78, v14;
	[tilespmem:s8+$0xFFFFFFC0] =	vst v12;
	v12 =	vld [tilespmem:s15+$0x10]  }
0x24d: {  	s10 =	simm.s32 $0x76F0;
	v5 =	vmul.bf16 v5, v2;
	v14 =	vand.u32 $0x6, v14;
	v9 =	vadd.s32 v1, v9;
	v18 =	vld [tilespmem:s15+$0xFFFFFFD0]  }
0x24e: {  	v19 =	vld [tilespmem:s10+$0x0];
	v15 =	vmul.bf16 v15, v11;
	v9 =	vor.u32 v14, v9;
	v14 =	vand.u32 $0x78, v16  }
0x24f: {  	[tilespmem:s14+$0xFFFFFFD0] =	vst v5;
	v5 =	vand.u32 $0x7, v16;
	v16 =	vld [tilespmem:s10+$0xFFFFFFC0];
	v14 =	vadd.s32 v1, v14;
	v13 =	vmul.bf16 v13, v17  }
0x250: {  	[tilespmem:s3+$0xFFFFFFE0] =	vst v15;
	v6 =	vmul.bf16 v7, v6;
	v15 =	vld [tilespmem:s12+$0xFFFFFFE0];
	v14 =	vor.u32 v5, v14  }
0x251: {  	v12 =	vmul.bf16 v12, v3;
	[tilespmem:s14+$0x20] =	vst v13;
	v13 =	vld [tilespmem:s31+$0xFFFFFFF0]  }
0x252: {  	[tilespmem:s3+$0x30] =	vst v6;
	v5 =	vpack.i.f32.bf16 v8, v8;
	v8 =	vmul.bf16 v18, v4;
	v18 =	vld [tilespmem:s12+$0x30]  }
0x253: {  	v6 =	vpack.i.f32.bf16 v10, v10;
	v10 =	vmul.bf16 v19, v5;
	v7 =	vld.idx.msk [tilespmem:v9+s20+$0x0], $0xffff;
	[tilespmem:s8+$0x10] =	vst v12  }
0x254: {  	s16 =	simm.s32 $0xDAF0;
	s26 =	simm.s32 $0xA;
	v12 =	vmul.bf16 v16, v6;
	[tilespmem:s8+$0xFFFFFFD0] =	vst v8;
	v8 =	vld [tilespmem:s15+$0x20]  }
0x255: {  	v16 =	vmov s26;
	[tilespmem:s16+$0x0] =	vst v10;
	v19 =	vmul.bf16 v15, v2;
	v9 =	vld.idx.msk [tilespmem:v14+s20+$0x0], $0xffff  }
0x256: {  	s31 =	simm.s32 $0xB;
	v15 =	vand.u32 $0x78, v16;
	v14 =	vand.u32 $0x6, v16;
	v10 =	vld [tilespmem:s10+$0x10];
	[tilespmem:s16+$0xFFFFFFC0] =	vst v12;
	v13 =	vmul.bf16 v13, v11  }
0x257: {  	s1 =	simm.s32 $0xC;
	s17 =	simm.s32 $0x7770;
	v16 =	vadd.s32 v1, v15;
	v15 =	vmov s31;
	[tilespmem:s14+$0xFFFFFFE0] =	vst v19;
	v11 =	vld [tilespmem:s10+$0xFFFFFFD0];
	v12 =	vmul.bf16 v18, v17  }
.LBB2_15:
0x258: {  	p0 =	slt.u32 s1, $0x4E;
	v14 =	vor.u32 v14, v16;
	v16 =	vand.u32 $0x78, v15;
	v17 =	vld [tilespmem:s17+$0x0];
	[tilespmem:s3+$0xFFFFFFF0] =	vst v13;
	v18 =	vmov v6;
	s3 =	smov.u32 s14;
	s14 =	smov.u32 s8  }
0x259: {  	v6 =	vand.u32 $0x7, v15;
	s8 =	smov.u32 s16;
	v13 =	vadd.s32 v1, v16;
	v15 =	vld [tilespmem:s17+$0xFFFFFFC0];
	v8 =	vmul.bf16 v8, v3;
	[tilespmem:s3+$0x30] =	vst v12  }
0x25a: {  	v12 =	vor.u32 v6, v13;
	v13 =	vld [tilespmem:s15+$0xFFFFFFE0]  }
0x25b: {  	v10 =	vmul.bf16 v10, v5;
	[tilespmem:s14+$0x20] =	vst v8;
	v16 =	vld [tilespmem:s12+$0xFFFFFFF0];
	s12 =	smov.u32 s15;
	s15 =	smov.u32 s10;
	s10 =	smov.u32 s17  }
0x25c: {  	v19 =	vpack.i.f32.bf16 v9, v9;
	v8 =	vmul.bf16 v11, v18;
	v20 =	vld [tilespmem:s12+$0x30]  }
.Ltmp8:
0x25d: {  	v6 =	vpack.i.f32.bf16 v7, v7;
	v7 =	vld.idx.msk [tilespmem:v14+s20+$0x0], $0xffff;
	v11 =	vmul.bf16 v17, v19;
	[tilespmem:s16+$0x10] =	vst v10;
	(pc) =	sbr.rel @p0 .LBB2_15-.Ltmp8, $4  }
0x25e: {  	s16 =	sadd.s32 $0x80, s16;
	v10 =	vmul.bf16 v15, v6;
	[tilespmem:s8+$0xFFFFFFD0] =	vst v8;
	v8 =	vld [tilespmem:s15+$0x20]  }
0x25f: {  	v14 =	vmov s1;
	v9 =	vld.idx.msk [tilespmem:v12+s20+$0x0], $0xffff;
	[tilespmem:s16+$0x0] =	vst v11;
	v12 =	vmul.bf16 v13, v4  }
0x260: {  	s23 =	sadd.s32 $0x1, s1;
	v11 =	vand.u32 $0x78, v14;
	v14 =	vand.u32 $0x6, v14;
	[tilespmem:s16+$0xFFFFFFC0] =	vst v10;
	v10 =	vld [tilespmem:s17+$0x10];
	v13 =	vmul.bf16 v16, v2;
	v2 =	vmovc v4;
	v4 =	vmovc v18  }
0x261: {  	s1 =	sadd.s32 $0x2, s1;
	v15 =	vmov s23;
	v16 =	vadd.s32 v1, v11;
	s17 =	sadd.s32 $0x80, s17;
	v11 =	vld [tilespmem:s10+$0xFFFFFFD0];
	[tilespmem:s14+$0xFFFFFFE0] =	vst v12;
	v12 =	vmul.bf16 v20, v3;
	v3 =	vmovc v5;
	v5 =	vmovc v19  }
0x262: {  	v17 =	vand.u32 $0x78, v15  }
0x263: {  	v15 =	vand.u32 $0x7, v15;
	v1 =	vadd.s32 v1, v17  }
0x264: {  	v1 =	vor.u32 v15, v1  }
0x265: {  	v14 =	vor.u32 v14, v16  }
0x266: {  	v16 =	vld [tilespmem:s17+$0xFFFFFFC0];
	s25 =	sadd.s32 $0x80, s17  }
0x267: {  	v17 =	vld [tilespmem:s25+$0x0]  }
0x268: {  	v15 =	vld [tilespmem:s17+$0x0]  }
0x269: {  	v1 =	vld.idx.msk [tilespmem:v1+s20+$0x0], $0xffff  }
0x26a: {  	v14 =	vld.idx.msk [tilespmem:v14+s20+$0x0], $0xffff  }
0x26b: {  	v18 =	vld [tilespmem:s25+$0xFFFFFFC0]  }
0x26c: {  	v8 =	vmul.bf16 v8, v3;
	v9 =	vpack.i.f32.bf16 v9, v9  }
0x26d: {  	v7 =	vpack.i.f32.bf16 v7, v7;
	[tilespmem:s3+$0xFFFFFFF0] =	vst v13;
	v15 =	vmul.bf16 v15, v9  }
0x26e: {  	s1 =	sadd.s32 $0x80, s16;
	[tilespmem:s8+$0x20] =	vst v8;
	v13 =	vmul.bf16 v16, v7;
	v1 =	vpack.i.f32.bf16 v1, v1  }
0x26f: {  	v8 =	vmul.bf16 v11, v6;
	v11 =	vld [tilespmem:s12+$0xFFFFFFF0];
	[tilespmem:s1+$0x0] =	vst v15;
	v14 =	vpack.i.f32.bf16 v14, v14;
	v15 =	vmul.bf16 v17, v1  }
0x270: {  	s23 =	sadd.s32 $0x80, s1;
	[tilespmem:s1+$0xFFFFFFC0] =	vst v13;
	v13 =	vld [tilespmem:s17+$0x10];
	v16 =	vmul.bf16 v18, v14  }
0x271: {  	v17 =	vld [tilespmem:s17+$0xFFFFFFD0];
	[tilespmem:s23+$0x0] =	vst v15  }
0x272: {  	[tilespmem:s23+$0xFFFFFFC0] =	vst v16;
	v15 =	vld [tilespmem:s25+$0x10]  }
0x273: {  	[tilespmem:s14+$0x30] =	vst v12;
	v10 =	vmul.bf16 v10, v5;
	v12 =	vld [tilespmem:s25+$0xFFFFFFD0]  }
0x274: {  	v16 =	vld [tilespmem:s15+$0xFFFFFFE0]  }
0x275: {  	[tilespmem:s16+$0x10] =	vst v10;
	v10 =	vmul.bf16 v13, v9  }
0x276: {  	[tilespmem:s16+$0xFFFFFFD0] =	vst v8;
	v8 =	vld [tilespmem:s10+$0x20];
	v13 =	vmul.bf16 v17, v7  }
0x277: {  	[tilespmem:s1+$0x10] =	vst v10;
	v17 =	vld [tilespmem:s10+$0xFFFFFFE0];
	v10 =	vmul.bf16 v15, v1  }
0x278: {  	v12 =	vmul.bf16 v12, v14;
	[tilespmem:s1+$0xFFFFFFD0] =	vst v13;
	v13 =	vld [tilespmem:s17+$0x20]  }
0x279: {  	v2 =	vmul.bf16 v11, v2;
	v15 =	vmul.bf16 v16, v4;
	v16 =	vld [tilespmem:s17+$0xFFFFFFE0];
	[tilespmem:s23+$0x10] =	vst v10  }
0x27a: {  	[tilespmem:s23+$0xFFFFFFD0] =	vst v12;
	v10 =	vld [tilespmem:s25+$0x20]  }
0x27b: {  	v8 =	vmul.bf16 v8, v5;
	[tilespmem:s14+$0xFFFFFFF0] =	vst v2;
	v11 =	vld [tilespmem:s25+$0xFFFFFFE0]  }
0x27c: {  	v12 =	vld [tilespmem:s15+$0x30];
	[tilespmem:s8+$0xFFFFFFE0] =	vst v15;
	v2 =	vmul.bf16 v17, v6  }
0x27d: {  	[tilespmem:s16+$0x20] =	vst v8;
	v8 =	vld [tilespmem:s15+$0xFFFFFFF0];
	v13 =	vmul.bf16 v13, v9  }
0x27e: {  	v15 =	vld [tilespmem:s10+$0x30];
	[tilespmem:s16+$0xFFFFFFE0] =	vst v2;
	v2 =	vmul.bf16 v16, v7  }
0x27f: {  	[tilespmem:s1+$0x20] =	vst v13;
	v13 =	vld [tilespmem:s10+$0xFFFFFFF0];
	v10 =	vmul.bf16 v10, v1  }
0x280: {  	v16 =	vld [tilespmem:s17+$0x30];
	[tilespmem:s1+$0xFFFFFFE0] =	vst v2;
	v2 =	vmul.bf16 v11, v14  }
0x281: {  	v3 =	vmul.bf16 v12, v3;
	[tilespmem:s23+$0x20] =	vst v10;
	v10 =	vld [tilespmem:s17+$0xFFFFFFF0]  }
0x282: {  	v4 =	vmul.bf16 v8, v4;
	[tilespmem:s23+$0xFFFFFFE0] =	vst v2;
	v8 =	vld [tilespmem:s25+$0x30]  }
0x283: {  	[tilespmem:s8+$0x30] =	vst v3;
	v2 =	vmul.bf16 v15, v5;
	v3 =	vld [tilespmem:s25+$0xFFFFFFF0]  }
0x284: {  	[tilespmem:s8+$0xFFFFFFF0] =	vst v4;
	v4 =	vmul.bf16 v13, v6  }
0x285: {  	[tilespmem:s16+$0x30] =	vst v2;
	v2 =	vmul.bf16 v16, v9  }
0x286: {  	[tilespmem:s16+$0xFFFFFFF0] =	vst v4;
	v4 =	vmul.bf16 v10, v7  }
0x287: {  	s8 =	smul.u32 $0x640, s11;
	[tilespmem:s1+$0x30] =	vst v2;
	v1 =	vmul.bf16 v8, v1  }
0x288: {  	s15 =	sadd.s32 $0x1, s13;
	v2 =	vmul.bf16 v3, v14;
	[tilespmem:s1+$0xFFFFFFF0] =	vst v4  }
0x289: {  	p0 =	seq.s32 s11, $0x18;
	s12 =	sshra.s32 s8, $0x2;
	[tilespmem:s23+$0x30] =	vst v1;
	v1 =	vmov s15  }
0x28a: {  	s26 =	simm.s32 $0x1;
	s14 =	sshra.s32 @!p0 s8, $0x2;
	s25 =	sadd.s32 $0x2710, s12;
	[tilespmem:s23+$0xFFFFFFF0] =	vst v2;
	v1 =	vmul.u32 $0x50, v1  }
0x28b: {  	[spmem:s2] =	stream.indirect.scatter.add.bf16 [tilespmem:s21], [sflag:$0x6], $0x40, s25, s22, $0xb8;
	[tilespmem:$0x1D970] =	vst v63  }
0x28c: {  	s10 =	simm.s32 @!p0 $0x7530;
	s8 =	simm.s32 @!p0 $0x50;
	s3 =	sadd.s32 @!p0 $0x190, s14;
	v2 =	vmov s26;
	v1 =	vbroadcast v1, $0x0  }
0x28d: {  	v3 =	vand.u32 $0x78, v2;
	[tilespmem:s10], [sflag:$0x1] =	stream.indirect.gather @!p0 [hbm4b:s4+s8], $0x40, s3, s8, $0xb8;
	[tilespmem:$0x1D970] =	vst v63  }
0x28e: {  	v2 =	vand.u32 $0x7, v2;
	_ =	swait.ge [sflag:s28], $0x1400;
	v3 =	vadd.s32 v1, v3  }
0x28f: {  	[sflag:s28] =	ssyncset.done $0x0;
	v2 =	vor.u32 v2, v3  }
0x290: {  	[sflag:s28] =	ssyncadd.s32 $0xFFFFEC00  }
0x291: {  	s3 =	simm.s32 $0x0;
	_ =	swait.ge [sflag:s5], $0x1400  }
0x292: {  	v3 =	vmov s3;
	[sflag:s5] =	ssyncset.done $0x0  }
0x293: {  	v4 =	vand.u32 $0x78, v3;
	[sflag:s5] =	ssyncadd.s32 $0xFFFFEC00  }
0x294: {  	s1 =	simm.s32 $0x8970;
	v3 =	vand.u32 $0x6, v3;
	v4 =	vadd.s32 v1, v4;
	v2 =	vld.idx.msk [tilespmem:v2+s20+$0x0], $0xffff  }
0x295: {  	s8 =	simm.s32 $0x3;
	v3 =	vor.u32 v3, v4;
	v4 =	vld [tilespmem:s1+$0x0]  }
0x296: {  	v5 =	vmov s8  }
0x297: {  	v6 =	vand.u32 $0x78, v5  }
0x298: {  	s10 =	simm.s32 $0x2;
	v5 =	vand.u32 $0x7, v5;
	v6 =	vadd.s32 v1, v6  }
0x299: {  	v7 =	vmov s10;
	v5 =	vor.u32 v5, v6;
	v6 =	vpack.i.f32.bf16 v2, v2  }
0x29a: {  	v2 =	vld.idx.msk [tilespmem:v3+s20+$0x0], $0xffff;
	v3 =	vand.u32 $0x78, v7;
	v4 =	vmul.bf16 v4, v6  }
0x29b: {  	s8 =	simm.s32 $0xED70;
	v7 =	vand.u32 $0x6, v7;
	v3 =	vadd.s32 v1, v3  }
0x29c: {  	v3 =	vor.u32 v7, v3;
	v7 =	vld [tilespmem:s1+$0xFFFFFFC0];
	[tilespmem:s8+$0x0] =	vst v4  }
0x29d: {  	s16 =	simm.s32 $0x4;
	v4 =	vld [tilespmem:s1+$0x10]  }
0x29e: {  	v8 =	vmov s16;
	s16 =	simm.s32 $0x89F0;
	v5 =	vld.idx.msk [tilespmem:v5+s20+$0x0], $0xffff  }
0x29f: {  	s17 =	simm.s32 $0x5;
	v9 =	vld [tilespmem:s16+$0x0];
	v11 =	vpack.i.f32.bf16 v2, v2;
	v2 =	vand.u32 $0x78, v8  }
0x2a0: {  	v10 =	vmov s17;
	v8 =	vand.u32 $0x6, v8;
	v2 =	vadd.s32 v1, v2  }
0x2a1: {  	v3 =	vld.idx.msk [tilespmem:v3+s20+$0x0], $0xffff;
	v7 =	vmul.bf16 v7, v11;
	v2 =	vor.u32 v8, v2;
	v8 =	vand.u32 $0x78, v10  }
0x2a2: {  	v12 =	vld [tilespmem:s16+$0xFFFFFFC0];
	v10 =	vand.u32 $0x7, v10;
	v8 =	vadd.s32 v1, v8;
	v4 =	vmul.bf16 v4, v6  }
0x2a3: {  	v17 =	vpack.i.f32.bf16 v5, v5;
	[tilespmem:s8+$0xFFFFFFC0] =	vst v7;
	v7 =	vor.u32 v10, v8  }
0x2a4: {  	v8 =	vmul.bf16 v9, v17;
	v5 =	vld [tilespmem:s1+$0xFFFFFFD0];
	[tilespmem:s8+$0x10] =	vst v4  }
0x2a5: {  	s17 =	simm.s32 $0xEDF0;
	s23 =	simm.s32 $0x6;
	v4 =	vld [tilespmem:s1+$0x20]  }
0x2a6: {  	[tilespmem:s17+$0x0] =	vst v8;
	v9 =	vld.idx.msk [tilespmem:v2+s20+$0x0], $0xffff;
	v2 =	vpack.i.f32.bf16 v3, v3;
	v3 =	vmov s23  }
0x2a7: {  	s25 =	simm.s32 $0x7;
	v8 =	vmul.bf16 v12, v2;
	v10 =	vand.u32 $0x78, v3;
	v12 =	vld [tilespmem:s16+$0x10]  }
0x2a8: {  	v13 =	vmov s25;
	s3 =	simm.s32 $0x8A70;
	v3 =	vand.u32 $0x6, v3;
	v7 =	vld.idx.msk [tilespmem:v7+s20+$0x0], $0xffff;
	v10 =	vadd.s32 v1, v10  }
0x2a9: {  	v14 =	vld [tilespmem:s3+$0x0];
	v10 =	vor.u32 v3, v10;
	v3 =	vand.u32 $0x78, v13  }
0x2aa: {  	s31 =	simm.s32 $0x8AF0;
	v5 =	vmul.bf16 v5, v11;
	[tilespmem:s17+$0xFFFFFFC0] =	vst v8;
	v8 =	vand.u32 $0x7, v13;
	v13 =	vld [tilespmem:s3+$0xFFFFFFC0];
	v3 =	vadd.s32 v1, v3  }
0x2ab: {  	v19 =	vld [tilespmem:s31+$0x0];
	v4 =	vmul.bf16 v4, v6;
	v8 =	vor.u32 v8, v3  }
0x2ac: {  	[tilespmem:s8+$0xFFFFFFD0] =	vst v5;
	v5 =	vld [tilespmem:s16+$0xFFFFFFD0];
	v12 =	vmul.bf16 v12, v17  }
0x2ad: {  	v15 =	vld [tilespmem:s1+$0xFFFFFFE0];
	[tilespmem:s8+$0x20] =	vst v4;
	v3 =	vpack.i.f32.bf16 v7, v7  }
0x2ae: {  	v4 =	vpack.i.f32.bf16 v9, v9;
	v7 =	vld [tilespmem:s1+$0x30];
	v9 =	vmul.bf16 v14, v3;
	[tilespmem:s17+$0x10] =	vst v12  }
0x2af: {  	s10 =	simm.s32 $0xEE70;
	s23 =	simm.s32 $0x8;
	v12 =	vmul.bf16 v13, v4;
	v13 =	vld [tilespmem:s16+$0x20]  }
0x2b0: {  	s26 =	simm.s32 $0x9;
	v14 =	vmov s23;
	v8 =	vld.idx.msk [tilespmem:v8+s20+$0x0], $0xffff;
	[tilespmem:s10+$0x0] =	vst v9  }
0x2b1: {  	v16 =	vmov s26;
	v9 =	vand.u32 $0x78, v14;
	[tilespmem:s10+$0xFFFFFFC0] =	vst v12;
	v12 =	vld [tilespmem:s3+$0x10]  }
0x2b2: {  	v5 =	vmul.bf16 v5, v2;
	v14 =	vand.u32 $0x6, v14;
	v9 =	vadd.s32 v1, v9;
	v18 =	vld [tilespmem:s3+$0xFFFFFFD0]  }
0x2b3: {  	v10 =	vld.idx.msk [tilespmem:v10+s20+$0x0], $0xffff;
	v15 =	vmul.bf16 v15, v11;
	v9 =	vor.u32 v14, v9;
	v14 =	vand.u32 $0x78, v16  }
0x2b4: {  	[tilespmem:s17+$0xFFFFFFD0] =	vst v5;
	v5 =	vand.u32 $0x7, v16;
	v16 =	vld [tilespmem:s31+$0xFFFFFFC0];
	v14 =	vadd.s32 v1, v14;
	v13 =	vmul.bf16 v13, v17  }
0x2b5: {  	[tilespmem:s8+$0xFFFFFFE0] =	vst v15;
	v6 =	vmul.bf16 v7, v6;
	v15 =	vld [tilespmem:s16+$0xFFFFFFE0];
	v14 =	vor.u32 v5, v14  }
0x2b6: {  	v12 =	vmul.bf16 v12, v3;
	[tilespmem:s17+$0x20] =	vst v13;
	v13 =	vld [tilespmem:s1+$0xFFFFFFF0]  }
0x2b7: {  	[tilespmem:s8+$0x30] =	vst v6;
	v5 =	vpack.i.f32.bf16 v8, v8;
	v8 =	vmul.bf16 v18, v4;
	v18 =	vld [tilespmem:s16+$0x30]  }
0x2b8: {  	v6 =	vpack.i.f32.bf16 v10, v10;
	v10 =	vmul.bf16 v19, v5;
	v7 =	vld.idx.msk [tilespmem:v9+s20+$0x0], $0xffff;
	[tilespmem:s10+$0x10] =	vst v12  }
0x2b9: {  	s25 =	simm.s32 $0xEEF0;
	s23 =	simm.s32 $0xA;
	v12 =	vmul.bf16 v16, v6;
	[tilespmem:s10+$0xFFFFFFD0] =	vst v8;
	v8 =	vld [tilespmem:s3+$0x20]  }
0x2ba: {  	v16 =	vmov s23;
	[tilespmem:s25+$0x0] =	vst v10;
	v19 =	vmul.bf16 v15, v2;
	v9 =	vld.idx.msk [tilespmem:v14+s20+$0x0], $0xffff  }
0x2bb: {  	s26 =	simm.s32 $0xB;
	v15 =	vand.u32 $0x78, v16;
	v14 =	vand.u32 $0x6, v16;
	v10 =	vld [tilespmem:s31+$0x10];
	[tilespmem:s25+$0xFFFFFFC0] =	vst v12;
	v13 =	vmul.bf16 v13, v11  }
0x2bc: {  	s1 =	simm.s32 $0x8B70;
	s23 =	simm.s32 $0xC;
	v16 =	vadd.s32 v1, v15;
	v15 =	vmov s26;
	[tilespmem:s17+$0xFFFFFFE0] =	vst v19;
	v11 =	vld [tilespmem:s31+$0xFFFFFFD0];
	v12 =	vmul.bf16 v18, v17  }
.LBB2_17:
0x2bd: {  	p1 =	slt.u32 s23, $0x4E;
	v14 =	vor.u32 v14, v16;
	v16 =	vand.u32 $0x78, v15;
	v17 =	vld [tilespmem:s1+$0x0];
	[tilespmem:s8+$0xFFFFFFF0] =	vst v13;
	v18 =	vmov v6;
	s8 =	smov.u32 s17;
	s17 =	smov.u32 s10  }
0x2be: {  	v6 =	vand.u32 $0x7, v15;
	s10 =	smov.u32 s25;
	v13 =	vadd.s32 v1, v16;
	v15 =	vld [tilespmem:s1+$0xFFFFFFC0];
	v8 =	vmul.bf16 v8, v3;
	[tilespmem:s8+$0x30] =	vst v12  }
0x2bf: {  	v12 =	vor.u32 v6, v13;
	v13 =	vld [tilespmem:s3+$0xFFFFFFE0]  }
0x2c0: {  	v10 =	vmul.bf16 v10, v5;
	[tilespmem:s17+$0x20] =	vst v8;
	v16 =	vld [tilespmem:s16+$0xFFFFFFF0];
	s16 =	smov.u32 s3;
	s3 =	smov.u32 s31;
	s31 =	smov.u32 s1  }
0x2c1: {  	v19 =	vpack.i.f32.bf16 v9, v9;
	v8 =	vmul.bf16 v11, v18;
	v20 =	vld [tilespmem:s16+$0x30]  }
.Ltmp9:
0x2c2: {  	v6 =	vpack.i.f32.bf16 v7, v7;
	v7 =	vld.idx.msk [tilespmem:v14+s20+$0x0], $0xffff;
	v11 =	vmul.bf16 v17, v19;
	[tilespmem:s25+$0x10] =	vst v10;
	(pc) =	sbr.rel @p1 .LBB2_17-.Ltmp9, $4  }
0x2c3: {  	s25 =	sadd.s32 $0x80, s25;
	v10 =	vmul.bf16 v15, v6;
	[tilespmem:s10+$0xFFFFFFD0] =	vst v8;
	v8 =	vld [tilespmem:s3+$0x20]  }
0x2c4: {  	v14 =	vmov s23;
	v9 =	vld.idx.msk [tilespmem:v12+s20+$0x0], $0xffff;
	[tilespmem:s25+$0x0] =	vst v11;
	v12 =	vmul.bf16 v13, v4  }
0x2c5: {  	s26 =	sadd.s32 $0x1, s23;
	v11 =	vand.u32 $0x78, v14;
	v14 =	vand.u32 $0x6, v14;
	[tilespmem:s25+$0xFFFFFFC0] =	vst v10;
	v10 =	vld [tilespmem:s1+$0x10];
	v13 =	vmul.bf16 v16, v2;
	v2 =	vmovc v4;
	v4 =	vmovc v18  }
0x2c6: {  	s23 =	sadd.s32 $0x2, s23;
	v15 =	vmov s26;
	v16 =	vadd.s32 v1, v11;
	s1 =	sadd.s32 $0x80, s1;
	v11 =	vld [tilespmem:s31+$0xFFFFFFD0];
	[tilespmem:s17+$0xFFFFFFE0] =	vst v12;
	v12 =	vmul.bf16 v20, v3;
	v3 =	vmovc v5;
	v5 =	vmovc v19  }
0x2c7: {  	v17 =	vand.u32 $0x78, v15  }
0x2c8: {  	v15 =	vand.u32 $0x7, v15;
	v1 =	vadd.s32 v1, v17  }
0x2c9: {  	v1 =	vor.u32 v15, v1  }
0x2ca: {  	v14 =	vor.u32 v14, v16  }
0x2cb: {  	v16 =	vld [tilespmem:s1+$0xFFFFFFC0];
	s23 =	sadd.s32 $0x80, s1  }
0x2cc: {  	v17 =	vld [tilespmem:s23+$0x0]  }
0x2cd: {  	v15 =	vld [tilespmem:s1+$0x0]  }
0x2ce: {  	v1 =	vld.idx.msk [tilespmem:v1+s20+$0x0], $0xffff  }
0x2cf: {  	v14 =	vld.idx.msk [tilespmem:v14+s20+$0x0], $0xffff  }
0x2d0: {  	v18 =	vld [tilespmem:s23+$0xFFFFFFC0]  }
0x2d1: {  	v8 =	vmul.bf16 v8, v3;
	v9 =	vpack.i.f32.bf16 v9, v9  }
0x2d2: {  	v7 =	vpack.i.f32.bf16 v7, v7;
	[tilespmem:s8+$0xFFFFFFF0] =	vst v13;
	v15 =	vmul.bf16 v15, v9  }
0x2d3: {  	s8 =	sadd.s32 $0x80, s25;
	[tilespmem:s10+$0x20] =	vst v8;
	v13 =	vmul.bf16 v16, v7;
	v1 =	vpack.i.f32.bf16 v1, v1  }
0x2d4: {  	v8 =	vmul.bf16 v11, v6;
	v11 =	vld [tilespmem:s16+$0xFFFFFFF0];
	[tilespmem:s8+$0x0] =	vst v15;
	v14 =	vpack.i.f32.bf16 v14, v14;
	v15 =	vmul.bf16 v17, v1  }
0x2d5: {  	s26 =	sadd.s32 $0x80, s8;
	[tilespmem:s8+$0xFFFFFFC0] =	vst v13;
	v13 =	vld [tilespmem:s1+$0x10];
	v16 =	vmul.bf16 v18, v14  }
0x2d6: {  	v17 =	vld [tilespmem:s1+$0xFFFFFFD0];
	[tilespmem:s26+$0x0] =	vst v15  }
0x2d7: {  	[tilespmem:s26+$0xFFFFFFC0] =	vst v16;
	v15 =	vld [tilespmem:s23+$0x10]  }
0x2d8: {  	[tilespmem:s17+$0x30] =	vst v12;
	v10 =	vmul.bf16 v10, v5;
	v12 =	vld [tilespmem:s23+$0xFFFFFFD0]  }
0x2d9: {  	v16 =	vld [tilespmem:s3+$0xFFFFFFE0]  }
0x2da: {  	[tilespmem:s25+$0x10] =	vst v10;
	v10 =	vmul.bf16 v13, v9  }
0x2db: {  	[tilespmem:s25+$0xFFFFFFD0] =	vst v8;
	v8 =	vld [tilespmem:s31+$0x20];
	v13 =	vmul.bf16 v17, v7  }
0x2dc: {  	[tilespmem:s8+$0x10] =	vst v10;
	v17 =	vld [tilespmem:s31+$0xFFFFFFE0];
	v10 =	vmul.bf16 v15, v1  }
0x2dd: {  	v12 =	vmul.bf16 v12, v14;
	[tilespmem:s8+$0xFFFFFFD0] =	vst v13;
	v13 =	vld [tilespmem:s1+$0x20]  }
0x2de: {  	v2 =	vmul.bf16 v11, v2;
	v15 =	vmul.bf16 v16, v4;
	v16 =	vld [tilespmem:s1+$0xFFFFFFE0];
	[tilespmem:s26+$0x10] =	vst v10  }
0x2df: {  	[tilespmem:s26+$0xFFFFFFD0] =	vst v12;
	v10 =	vld [tilespmem:s23+$0x20]  }
0x2e0: {  	v8 =	vmul.bf16 v8, v5;
	[tilespmem:s17+$0xFFFFFFF0] =	vst v2;
	v11 =	vld [tilespmem:s23+$0xFFFFFFE0]  }
0x2e1: {  	v12 =	vld [tilespmem:s3+$0x30];
	[tilespmem:s10+$0xFFFFFFE0] =	vst v15;
	v2 =	vmul.bf16 v17, v6  }
0x2e2: {  	[tilespmem:s25+$0x20] =	vst v8;
	v8 =	vld [tilespmem:s3+$0xFFFFFFF0];
	v13 =	vmul.bf16 v13, v9  }
0x2e3: {  	v15 =	vld [tilespmem:s31+$0x30];
	[tilespmem:s25+$0xFFFFFFE0] =	vst v2;
	v2 =	vmul.bf16 v16, v7  }
0x2e4: {  	[tilespmem:s8+$0x20] =	vst v13;
	v13 =	vld [tilespmem:s31+$0xFFFFFFF0];
	v10 =	vmul.bf16 v10, v1  }
0x2e5: {  	v16 =	vld [tilespmem:s1+$0x30];
	[tilespmem:s8+$0xFFFFFFE0] =	vst v2;
	v2 =	vmul.bf16 v11, v14  }
0x2e6: {  	v3 =	vmul.bf16 v12, v3;
	[tilespmem:s26+$0x20] =	vst v10;
	v10 =	vld [tilespmem:s1+$0xFFFFFFF0]  }
0x2e7: {  	v4 =	vmul.bf16 v8, v4;
	[tilespmem:s26+$0xFFFFFFE0] =	vst v2;
	v8 =	vld [tilespmem:s23+$0x30]  }
0x2e8: {  	[tilespmem:s10+$0x30] =	vst v3;
	v2 =	vmul.bf16 v15, v5;
	v3 =	vld [tilespmem:s23+$0xFFFFFFF0]  }
0x2e9: {  	[tilespmem:s10+$0xFFFFFFF0] =	vst v4;
	v4 =	vmul.bf16 v13, v6  }
0x2ea: {  	[tilespmem:s25+$0x30] =	vst v2;
	v2 =	vmul.bf16 v16, v9  }
0x2eb: {  	[tilespmem:s25+$0xFFFFFFF0] =	vst v4;
	v4 =	vmul.bf16 v10, v7  }
0x2ec: {  	s23 =	smul.u32 $0x140, s15;
	[tilespmem:s8+$0x30] =	vst v2;
	v1 =	vmul.bf16 v8, v1  }
0x2ed: {  	s15 =	sadd.s32 $0x2, s13;
	v2 =	vmul.bf16 v3, v14;
	[tilespmem:s8+$0xFFFFFFF0] =	vst v4  }
0x2ee: {  	s1 =	sshra.s32 s23, $0x2;
	[tilespmem:s26+$0x30] =	vst v1;
	v1 =	vmov s15  }
0x2ef: {  	s25 =	simm.s32 $0xED30;
	s1 =	sadd.s32 $0x2710, s1;
	[tilespmem:s26+$0xFFFFFFF0] =	vst v2;
	s26 =	simm.s32 $0x1;
	v1 =	vmul.u32 $0x50, v1  }
0x2f0: {  	[spmem:s2] =	stream.indirect.scatter.add.bf16 [tilespmem:s25], [sflag:$0x7], $0x40, s1, s22, $0xb8;
	[tilespmem:$0x1D970] =	vst v63  }
0x2f1: {  	s3 =	sadd.s32 @!p0 $0x1E0, s14;
	s10 =	simm.s32 @!p0 $0x8930;
	s8 =	simm.s32 @!p0 $0x50;
	v2 =	vmov s26;
	v1 =	vbroadcast v1, $0x0  }
0x2f2: {  	v3 =	vand.u32 $0x78, v2;
	[tilespmem:s10], [sflag:$0x2] =	stream.indirect.gather @!p0 [hbm4b:s4+s8], $0x40, s3, s8, $0xb8;
	[tilespmem:$0x1D970] =	vst v63  }
0x2f3: {  	v2 =	vand.u32 $0x7, v2;
	_ =	swait.ge [sflag:s30], $0x1400;
	v3 =	vadd.s32 v1, v3  }
0x2f4: {  	[sflag:s30] =	ssyncset.done $0x0;
	v2 =	vor.u32 v2, v3  }
0x2f5: {  	[sflag:s30] =	ssyncadd.s32 $0xFFFFEC00  }
0x2f6: {  	s16 =	simm.s32 $0x0;
	_ =	swait.ge [sflag:s6], $0x1400  }
0x2f7: {  	v3 =	vmov s16;
	[sflag:s6] =	ssyncset.done $0x0  }
0x2f8: {  	v4 =	vand.u32 $0x78, v3;
	[sflag:s6] =	ssyncadd.s32 $0xFFFFEC00  }
0x2f9: {  	s1 =	simm.s32 $0x9D70;
	v3 =	vand.u32 $0x6, v3;
	v4 =	vadd.s32 v1, v4;
	v2 =	vld.idx.msk [tilespmem:v2+s20+$0x0], $0xffff  }
0x2fa: {  	s17 =	simm.s32 $0x3;
	v3 =	vor.u32 v3, v4;
	v4 =	vld [tilespmem:s1+$0x0]  }
0x2fb: {  	v5 =	vmov s17  }
0x2fc: {  	v6 =	vand.u32 $0x78, v5  }
0x2fd: {  	v5 =	vand.u32 $0x7, v5;
	s23 =	simm.s32 $0x2;
	v6 =	vadd.s32 v1, v6  }
0x2fe: {  	v7 =	vmov s23;
	v5 =	vor.u32 v5, v6;
	v6 =	vpack.i.f32.bf16 v2, v2  }
0x2ff: {  	v2 =	vld.idx.msk [tilespmem:v3+s20+$0x0], $0xffff;
	v3 =	vand.u32 $0x78, v7;
	v4 =	vmul.bf16 v4, v6  }
0x300: {  	s8 =	simm.s32 $0x10170;
	v7 =	vand.u32 $0x6, v7;
	v3 =	vadd.s32 v1, v3  }
0x301: {  	v3 =	vor.u32 v7, v3;
	v7 =	vld [tilespmem:s1+$0xFFFFFFC0];
	[tilespmem:s8+$0x0] =	vst v4  }
0x302: {  	s25 =	simm.s32 $0x4;
	v4 =	vld [tilespmem:s1+$0x10]  }
0x303: {  	v8 =	vmov s25;
	s16 =	simm.s32 $0x9DF0;
	v5 =	vld.idx.msk [tilespmem:v5+s20+$0x0], $0xffff  }
0x304: {  	s26 =	simm.s32 $0x5;
	v9 =	vld [tilespmem:s16+$0x0];
	v11 =	vpack.i.f32.bf16 v2, v2;
	v2 =	vand.u32 $0x78, v8  }
0x305: {  	v10 =	vmov s26;
	v8 =	vand.u32 $0x6, v8;
	v2 =	vadd.s32 v1, v2  }
0x306: {  	v3 =	vld.idx.msk [tilespmem:v3+s20+$0x0], $0xffff;
	v7 =	vmul.bf16 v7, v11;
	v2 =	vor.u32 v8, v2;
	v8 =	vand.u32 $0x78, v10  }
0x307: {  	v12 =	vld [tilespmem:s16+$0xFFFFFFC0];
	v10 =	vand.u32 $0x7, v10;
	v8 =	vadd.s32 v1, v8;
	v4 =	vmul.bf16 v4, v6  }
0x308: {  	v17 =	vpack.i.f32.bf16 v5, v5;
	[tilespmem:s8+$0xFFFFFFC0] =	vst v7;
	v7 =	vor.u32 v10, v8  }
0x309: {  	v8 =	vmul.bf16 v9, v17;
	v5 =	vld [tilespmem:s1+$0xFFFFFFD0];
	[tilespmem:s8+$0x10] =	vst v4  }
0x30a: {  	s17 =	simm.s32 $0x101F0;
	s10 =	simm.s32 $0x6;
	v4 =	vld [tilespmem:s1+$0x20]  }
0x30b: {  	[tilespmem:s17+$0x0] =	vst v8;
	v9 =	vld.idx.msk [tilespmem:v2+s20+$0x0], $0xffff;
	v2 =	vpack.i.f32.bf16 v3, v3;
	v3 =	vmov s10  }
0x30c: {  	s23 =	simm.s32 $0x7;
	v8 =	vmul.bf16 v12, v2;
	v10 =	vand.u32 $0x78, v3;
	v12 =	vld [tilespmem:s16+$0x10]  }
0x30d: {  	v13 =	vmov s23;
	s3 =	simm.s32 $0x9E70;
	v3 =	vand.u32 $0x6, v3;
	v7 =	vld.idx.msk [tilespmem:v7+s20+$0x0], $0xffff;
	v10 =	vadd.s32 v1, v10  }
0x30e: {  	v14 =	vld [tilespmem:s3+$0x0];
	v10 =	vor.u32 v3, v10;
	v3 =	vand.u32 $0x78, v13  }
0x30f: {  	s31 =	simm.s32 $0x9EF0;
	v5 =	vmul.bf16 v5, v11;
	[tilespmem:s17+$0xFFFFFFC0] =	vst v8;
	v8 =	vand.u32 $0x7, v13;
	v13 =	vld [tilespmem:s3+$0xFFFFFFC0];
	v3 =	vadd.s32 v1, v3  }
0x310: {  	v19 =	vld [tilespmem:s31+$0x0];
	v4 =	vmul.bf16 v4, v6;
	v8 =	vor.u32 v8, v3  }
0x311: {  	[tilespmem:s8+$0xFFFFFFD0] =	vst v5;
	v5 =	vld [tilespmem:s16+$0xFFFFFFD0];
	v12 =	vmul.bf16 v12, v17  }
0x312: {  	v15 =	vld [tilespmem:s1+$0xFFFFFFE0];
	[tilespmem:s8+$0x20] =	vst v4;
	v3 =	vpack.i.f32.bf16 v7, v7  }
0x313: {  	v4 =	vpack.i.f32.bf16 v9, v9;
	v7 =	vld [tilespmem:s1+$0x30];
	v9 =	vmul.bf16 v14, v3;
	[tilespmem:s17+$0x10] =	vst v12  }
0x314: {  	s25 =	simm.s32 $0x8;
	s10 =	simm.s32 $0x10270;
	v12 =	vmul.bf16 v13, v4;
	v13 =	vld [tilespmem:s16+$0x20]  }
0x315: {  	s26 =	simm.s32 $0x9;
	v14 =	vmov s25;
	v8 =	vld.idx.msk [tilespmem:v8+s20+$0x0], $0xffff;
	[tilespmem:s10+$0x0] =	vst v9  }
0x316: {  	v16 =	vmov s26;
	v9 =	vand.u32 $0x78, v14;
	[tilespmem:s10+$0xFFFFFFC0] =	vst v12;
	v12 =	vld [tilespmem:s3+$0x10]  }
0x317: {  	v5 =	vmul.bf16 v5, v2;
	v14 =	vand.u32 $0x6, v14;
	v9 =	vadd.s32 v1, v9;
	v18 =	vld [tilespmem:s3+$0xFFFFFFD0]  }
0x318: {  	v10 =	vld.idx.msk [tilespmem:v10+s20+$0x0], $0xffff;
	v15 =	vmul.bf16 v15, v11;
	v9 =	vor.u32 v14, v9;
	v14 =	vand.u32 $0x78, v16  }
0x319: {  	[tilespmem:s17+$0xFFFFFFD0] =	vst v5;
	v5 =	vand.u32 $0x7, v16;
	v16 =	vld [tilespmem:s31+$0xFFFFFFC0];
	v14 =	vadd.s32 v1, v14;
	v13 =	vmul.bf16 v13, v17  }
0x31a: {  	[tilespmem:s8+$0xFFFFFFE0] =	vst v15;
	v6 =	vmul.bf16 v7, v6;
	v15 =	vld [tilespmem:s16+$0xFFFFFFE0];
	v14 =	vor.u32 v5, v14  }
0x31b: {  	v12 =	vmul.bf16 v12, v3;
	[tilespmem:s17+$0x20] =	vst v13;
	v13 =	vld [tilespmem:s1+$0xFFFFFFF0]  }
0x31c: {  	[tilespmem:s8+$0x30] =	vst v6;
	v5 =	vpack.i.f32.bf16 v8, v8;
	v8 =	vmul.bf16 v18, v4;
	v18 =	vld [tilespmem:s16+$0x30]  }
0x31d: {  	v6 =	vpack.i.f32.bf16 v10, v10;
	v10 =	vmul.bf16 v19, v5;
	v7 =	vld.idx.msk [tilespmem:v9+s20+$0x0], $0xffff;
	[tilespmem:s10+$0x10] =	vst v12  }
0x31e: {  	s23 =	simm.s32 $0xA;
	s25 =	simm.s32 $0x102F0;
	v12 =	vmul.bf16 v16, v6;
	[tilespmem:s10+$0xFFFFFFD0] =	vst v8;
	v8 =	vld [tilespmem:s3+$0x20]  }
0x31f: {  	v16 =	vmov s23;
	[tilespmem:s25+$0x0] =	vst v10;
	v19 =	vmul.bf16 v15, v2;
	v9 =	vld.idx.msk [tilespmem:v14+s20+$0x0], $0xffff  }
0x320: {  	s26 =	simm.s32 $0xB;
	v15 =	vand.u32 $0x78, v16;
	v14 =	vand.u32 $0x6, v16;
	v10 =	vld [tilespmem:s31+$0x10];
	[tilespmem:s25+$0xFFFFFFC0] =	vst v12;
	v13 =	vmul.bf16 v13, v11  }
0x321: {  	s1 =	simm.s32 $0x9F70;
	s23 =	simm.s32 $0xC;
	v16 =	vadd.s32 v1, v15;
	v15 =	vmov s26;
	[tilespmem:s17+$0xFFFFFFE0] =	vst v19;
	v11 =	vld [tilespmem:s31+$0xFFFFFFD0];
	v12 =	vmul.bf16 v18, v17  }
.LBB2_19:
0x322: {  	p1 =	slt.u32 s23, $0x4E;
	v14 =	vor.u32 v14, v16;
	v16 =	vand.u32 $0x78, v15;
	v17 =	vld [tilespmem:s1+$0x0];
	[tilespmem:s8+$0xFFFFFFF0] =	vst v13;
	v18 =	vmov v6;
	s8 =	smov.u32 s17;
	s17 =	smov.u32 s10  }
0x323: {  	v6 =	vand.u32 $0x7, v15;
	s10 =	smov.u32 s25;
	v13 =	vadd.s32 v1, v16;
	v15 =	vld [tilespmem:s1+$0xFFFFFFC0];
	v8 =	vmul.bf16 v8, v3;
	[tilespmem:s8+$0x30] =	vst v12  }
0x324: {  	v12 =	vor.u32 v6, v13;
	v13 =	vld [tilespmem:s3+$0xFFFFFFE0]  }
0x325: {  	v10 =	vmul.bf16 v10, v5;
	[tilespmem:s17+$0x20] =	vst v8;
	v16 =	vld [tilespmem:s16+$0xFFFFFFF0];
	s16 =	smov.u32 s3;
	s3 =	smov.u32 s31;
	s31 =	smov.u32 s1  }
0x326: {  	v19 =	vpack.i.f32.bf16 v9, v9;
	v8 =	vmul.bf16 v11, v18;
	v20 =	vld [tilespmem:s16+$0x30]  }
.Ltmp10:
0x327: {  	v6 =	vpack.i.f32.bf16 v7, v7;
	v7 =	vld.idx.msk [tilespmem:v14+s20+$0x0], $0xffff;
	v11 =	vmul.bf16 v17, v19;
	[tilespmem:s25+$0x10] =	vst v10;
	(pc) =	sbr.rel @p1 .LBB2_19-.Ltmp10, $4  }
0x328: {  	s25 =	sadd.s32 $0x80, s25;
	v10 =	vmul.bf16 v15, v6;
	[tilespmem:s10+$0xFFFFFFD0] =	vst v8;
	v8 =	vld [tilespmem:s3+$0x20]  }
0x329: {  	v14 =	vmov s23;
	v9 =	vld.idx.msk [tilespmem:v12+s20+$0x0], $0xffff;
	[tilespmem:s25+$0x0] =	vst v11;
	v12 =	vmul.bf16 v13, v4  }
0x32a: {  	s26 =	sadd.s32 $0x1, s23;
	v11 =	vand.u32 $0x78, v14;
	v14 =	vand.u32 $0x6, v14;
	[tilespmem:s25+$0xFFFFFFC0] =	vst v10;
	v10 =	vld [tilespmem:s1+$0x10];
	v13 =	vmul.bf16 v16, v2;
	v2 =	vmovc v4;
	v4 =	vmovc v18  }
0x32b: {  	s23 =	sadd.s32 $0x2, s23;
	v15 =	vmov s26;
	v16 =	vadd.s32 v1, v11;
	s1 =	sadd.s32 $0x80, s1;
	v11 =	vld [tilespmem:s31+$0xFFFFFFD0];
	[tilespmem:s17+$0xFFFFFFE0] =	vst v12;
	v12 =	vmul.bf16 v20, v3;
	v3 =	vmovc v5;
	v5 =	vmovc v19  }
0x32c: {  	v17 =	vand.u32 $0x78, v15  }
0x32d: {  	v15 =	vand.u32 $0x7, v15;
	v1 =	vadd.s32 v1, v17  }
0x32e: {  	v1 =	vor.u32 v15, v1  }
0x32f: {  	v14 =	vor.u32 v14, v16  }
0x330: {  	v16 =	vld [tilespmem:s1+$0xFFFFFFC0];
	s23 =	sadd.s32 $0x80, s1  }
0x331: {  	v17 =	vld [tilespmem:s23+$0x0]  }
0x332: {  	v15 =	vld [tilespmem:s1+$0x0]  }
0x333: {  	v1 =	vld.idx.msk [tilespmem:v1+s20+$0x0], $0xffff  }
0x334: {  	v14 =	vld.idx.msk [tilespmem:v14+s20+$0x0], $0xffff  }
0x335: {  	v18 =	vld [tilespmem:s23+$0xFFFFFFC0]  }
0x336: {  	v8 =	vmul.bf16 v8, v3;
	v9 =	vpack.i.f32.bf16 v9, v9  }
0x337: {  	v7 =	vpack.i.f32.bf16 v7, v7;
	[tilespmem:s8+$0xFFFFFFF0] =	vst v13;
	v15 =	vmul.bf16 v15, v9  }
0x338: {  	s8 =	sadd.s32 $0x80, s25;
	[tilespmem:s10+$0x20] =	vst v8;
	v13 =	vmul.bf16 v16, v7;
	v1 =	vpack.i.f32.bf16 v1, v1  }
0x339: {  	v8 =	vmul.bf16 v11, v6;
	v11 =	vld [tilespmem:s16+$0xFFFFFFF0];
	[tilespmem:s8+$0x0] =	vst v15;
	v14 =	vpack.i.f32.bf16 v14, v14;
	v15 =	vmul.bf16 v17, v1  }
0x33a: {  	s26 =	sadd.s32 $0x80, s8;
	[tilespmem:s8+$0xFFFFFFC0] =	vst v13;
	v13 =	vld [tilespmem:s1+$0x10];
	v16 =	vmul.bf16 v18, v14  }
0x33b: {  	v17 =	vld [tilespmem:s1+$0xFFFFFFD0];
	[tilespmem:s26+$0x0] =	vst v15  }
0x33c: {  	[tilespmem:s26+$0xFFFFFFC0] =	vst v16;
	v15 =	vld [tilespmem:s23+$0x10]  }
0x33d: {  	[tilespmem:s17+$0x30] =	vst v12;
	v10 =	vmul.bf16 v10, v5;
	v12 =	vld [tilespmem:s23+$0xFFFFFFD0]  }
0x33e: {  	v16 =	vld [tilespmem:s3+$0xFFFFFFE0]  }
0x33f: {  	[tilespmem:s25+$0x10] =	vst v10;
	v10 =	vmul.bf16 v13, v9  }
0x340: {  	[tilespmem:s25+$0xFFFFFFD0] =	vst v8;
	v8 =	vld [tilespmem:s31+$0x20];
	v13 =	vmul.bf16 v17, v7  }
0x341: {  	[tilespmem:s8+$0x10] =	vst v10;
	v17 =	vld [tilespmem:s31+$0xFFFFFFE0];
	v10 =	vmul.bf16 v15, v1  }
0x342: {  	v12 =	vmul.bf16 v12, v14;
	[tilespmem:s8+$0xFFFFFFD0] =	vst v13;
	v13 =	vld [tilespmem:s1+$0x20]  }
0x343: {  	v2 =	vmul.bf16 v11, v2;
	v15 =	vmul.bf16 v16, v4;
	v16 =	vld [tilespmem:s1+$0xFFFFFFE0];
	[tilespmem:s26+$0x10] =	vst v10  }
0x344: {  	[tilespmem:s26+$0xFFFFFFD0] =	vst v12;
	v10 =	vld [tilespmem:s23+$0x20]  }
0x345: {  	v8 =	vmul.bf16 v8, v5;
	[tilespmem:s17+$0xFFFFFFF0] =	vst v2;
	v11 =	vld [tilespmem:s23+$0xFFFFFFE0]  }
0x346: {  	v12 =	vld [tilespmem:s3+$0x30];
	[tilespmem:s10+$0xFFFFFFE0] =	vst v15;
	v2 =	vmul.bf16 v17, v6  }
0x347: {  	[tilespmem:s25+$0x20] =	vst v8;
	v8 =	vld [tilespmem:s3+$0xFFFFFFF0];
	v13 =	vmul.bf16 v13, v9  }
0x348: {  	v15 =	vld [tilespmem:s31+$0x30];
	[tilespmem:s25+$0xFFFFFFE0] =	vst v2;
	v2 =	vmul.bf16 v16, v7  }
0x349: {  	[tilespmem:s8+$0x20] =	vst v13;
	v13 =	vld [tilespmem:s31+$0xFFFFFFF0];
	v10 =	vmul.bf16 v10, v1  }
0x34a: {  	v16 =	vld [tilespmem:s1+$0x30];
	[tilespmem:s8+$0xFFFFFFE0] =	vst v2;
	v2 =	vmul.bf16 v11, v14  }
0x34b: {  	v3 =	vmul.bf16 v12, v3;
	[tilespmem:s26+$0x20] =	vst v10;
	v10 =	vld [tilespmem:s1+$0xFFFFFFF0]  }
0x34c: {  	v4 =	vmul.bf16 v8, v4;
	[tilespmem:s26+$0xFFFFFFE0] =	vst v2;
	v8 =	vld [tilespmem:s23+$0x30]  }
0x34d: {  	[tilespmem:s10+$0x30] =	vst v3;
	v2 =	vmul.bf16 v15, v5;
	v3 =	vld [tilespmem:s23+$0xFFFFFFF0]  }
0x34e: {  	[tilespmem:s10+$0xFFFFFFF0] =	vst v4;
	v4 =	vmul.bf16 v13, v6  }
0x34f: {  	[tilespmem:s25+$0x30] =	vst v2;
	v2 =	vmul.bf16 v16, v9  }
0x350: {  	[tilespmem:s25+$0xFFFFFFF0] =	vst v4;
	v4 =	vmul.bf16 v10, v7  }
0x351: {  	s23 =	smul.u32 $0x140, s15;
	[tilespmem:s8+$0x30] =	vst v2;
	v1 =	vmul.bf16 v8, v1  }
0x352: {  	s15 =	sadd.s32 $0x3, s13;
	v2 =	vmul.bf16 v3, v14;
	[tilespmem:s8+$0xFFFFFFF0] =	vst v4  }
0x353: {  	s1 =	sshra.s32 s23, $0x2;
	[tilespmem:s26+$0x30] =	vst v1;
	v1 =	vmov s15  }
0x354: {  	s25 =	simm.s32 $0x10130;
	s1 =	sadd.s32 $0x2710, s1;
	[tilespmem:s26+$0xFFFFFFF0] =	vst v2;
	s26 =	simm.s32 $0x1;
	v1 =	vmul.u32 $0x50, v1  }
0x355: {  	[spmem:s2] =	stream.indirect.scatter.add.bf16 [tilespmem:s25], [sflag:$0x8], $0x40, s1, s22, $0xb8;
	[tilespmem:$0x1D970] =	vst v63  }
0x356: {  	s3 =	sadd.s32 @!p0 $0x230, s14;
	s10 =	simm.s32 @!p0 $0x9D30;
	s8 =	simm.s32 @!p0 $0x50;
	v2 =	vmov s26;
	v1 =	vbroadcast v1, $0x0  }
0x357: {  	v3 =	vand.u32 $0x78, v2;
	[tilespmem:s10], [sflag:$0x3] =	stream.indirect.gather @!p0 [hbm4b:s4+s8], $0x40, s3, s8, $0xb8;
	[tilespmem:$0x1D970] =	vst v63  }
0x358: {  	v2 =	vand.u32 $0x7, v2;
	_ =	swait.ge [sflag:s19], $0x1400;
	v3 =	vadd.s32 v1, v3  }
0x359: {  	[sflag:s19] =	ssyncset.done $0x0;
	v2 =	vor.u32 v2, v3  }
0x35a: {  	[sflag:s19] =	ssyncadd.s32 $0xFFFFEC00  }
0x35b: {  	s16 =	simm.s32 $0x0;
	_ =	swait.ge [sflag:s7], $0x1400  }
0x35c: {  	v3 =	vmov s16;
	[sflag:s7] =	ssyncset.done $0x0  }
0x35d: {  	v4 =	vand.u32 $0x78, v3;
	[sflag:s7] =	ssyncadd.s32 $0xFFFFEC00  }
0x35e: {  	s1 =	simm.s32 $0xB170;
	v3 =	vand.u32 $0x6, v3;
	v4 =	vadd.s32 v1, v4;
	v2 =	vld.idx.msk [tilespmem:v2+s20+$0x0], $0xffff  }
0x35f: {  	s17 =	simm.s32 $0x3;
	v3 =	vor.u32 v3, v4;
	v4 =	vld [tilespmem:s1+$0x0]  }
0x360: {  	v5 =	vmov s17  }
0x361: {  	v6 =	vand.u32 $0x78, v5  }
0x362: {  	v5 =	vand.u32 $0x7, v5;
	s23 =	simm.s32 $0x2;
	v6 =	vadd.s32 v1, v6  }
0x363: {  	v7 =	vmov s23;
	v5 =	vor.u32 v5, v6;
	v6 =	vpack.i.f32.bf16 v2, v2  }
0x364: {  	v2 =	vld.idx.msk [tilespmem:v3+s20+$0x0], $0xffff;
	v3 =	vand.u32 $0x78, v7;
	v4 =	vmul.bf16 v4, v6  }
0x365: {  	s3 =	simm.s32 $0x11570;
	v7 =	vand.u32 $0x6, v7;
	v3 =	vadd.s32 v1, v3  }
0x366: {  	v3 =	vor.u32 v7, v3;
	v7 =	vld [tilespmem:s1+$0xFFFFFFC0];
	[tilespmem:s3+$0x0] =	vst v4  }
0x367: {  	s25 =	simm.s32 $0x4;
	v4 =	vld [tilespmem:s1+$0x10]  }
0x368: {  	v8 =	vmov s25;
	s10 =	simm.s32 $0xB1F0;
	v5 =	vld.idx.msk [tilespmem:v5+s20+$0x0], $0xffff  }
0x369: {  	s26 =	simm.s32 $0x5;
	v9 =	vld [tilespmem:s10+$0x0];
	v11 =	vpack.i.f32.bf16 v2, v2;
	v2 =	vand.u32 $0x78, v8  }
0x36a: {  	v10 =	vmov s26;
	v8 =	vand.u32 $0x6, v8;
	v2 =	vadd.s32 v1, v2  }
0x36b: {  	v3 =	vld.idx.msk [tilespmem:v3+s20+$0x0], $0xffff;
	v7 =	vmul.bf16 v7, v11;
	v2 =	vor.u32 v8, v2;
	v8 =	vand.u32 $0x78, v10  }
0x36c: {  	v12 =	vld [tilespmem:s10+$0xFFFFFFC0];
	v10 =	vand.u32 $0x7, v10;
	v8 =	vadd.s32 v1, v8;
	v4 =	vmul.bf16 v4, v6  }
0x36d: {  	v17 =	vpack.i.f32.bf16 v5, v5;
	[tilespmem:s3+$0xFFFFFFC0] =	vst v7;
	v7 =	vor.u32 v10, v8  }
0x36e: {  	v8 =	vmul.bf16 v9, v17;
	v5 =	vld [tilespmem:s1+$0xFFFFFFD0];
	[tilespmem:s3+$0x10] =	vst v4  }
0x36f: {  	s17 =	simm.s32 $0x115F0;
	s16 =	simm.s32 $0x6;
	v9 =	vld [tilespmem:s1+$0x20]  }
0x370: {  	[tilespmem:s17+$0x0] =	vst v8;
	v10 =	vld.idx.msk [tilespmem:v2+s20+$0x0], $0xffff;
	v4 =	vpack.i.f32.bf16 v3, v3;
	v2 =	vmov s16  }
0x371: {  	s23 =	simm.s32 $0x7;
	v3 =	vmul.bf16 v12, v4;
	v8 =	vand.u32 $0x78, v2;
	v12 =	vld [tilespmem:s10+$0x10]  }
0x372: {  	v13 =	vmov s23;
	s16 =	simm.s32 $0xB270;
	v2 =	vand.u32 $0x6, v2;
	v7 =	vld.idx.msk [tilespmem:v7+s20+$0x0], $0xffff;
	v8 =	vadd.s32 v1, v8  }
0x373: {  	v14 =	vld [tilespmem:s16+$0x0];
	v5 =	vmul.bf16 v5, v11;
	v8 =	vor.u32 v2, v8;
	v2 =	vand.u32 $0x78, v13  }
0x374: {  	[tilespmem:s17+$0xFFFFFFC0] =	vst v3;
	v3 =	vand.u32 $0x7, v13;
	v13 =	vld [tilespmem:s16+$0xFFFFFFC0];
	v2 =	vadd.s32 v1, v2;
	v9 =	vmul.bf16 v9, v6  }
0x375: {  	[tilespmem:s3+$0xFFFFFFD0] =	vst v5;
	v5 =	vld [tilespmem:s10+$0xFFFFFFD0];
	v15 =	vor.u32 v3, v2  }
0x376: {  	v16 =	vld [tilespmem:s1+$0xFFFFFFE0];
	v12 =	vmul.bf16 v12, v17;
	[tilespmem:s3+$0x20] =	vst v9  }
0x377: {  	v2 =	vpack.i.f32.bf16 v7, v7;
	v7 =	vld [tilespmem:s1+$0x30]  }
0x378: {  	v3 =	vpack.i.f32.bf16 v10, v10;
	v9 =	vld.idx.msk [tilespmem:v8+s20+$0x0], $0xffff;
	v8 =	vmul.bf16 v14, v2;
	[tilespmem:s17+$0x10] =	vst v12  }
0x379: {  	s25 =	simm.s32 $0x8;
	s8 =	simm.s32 $0x11670;
	v10 =	vmul.bf16 v13, v3;
	v12 =	vld [tilespmem:s10+$0x20]  }
0x37a: {  	v13 =	vmov s25;
	v14 =	vld.idx.msk [tilespmem:v15+s20+$0x0], $0xffff;
	[tilespmem:s8+$0x0] =	vst v8  }
0x37b: {  	s26 =	simm.s32 $0x9;
	v5 =	vmul.bf16 v5, v4;
	v8 =	vand.u32 $0x78, v13;
	[tilespmem:s8+$0xFFFFFFC0] =	vst v10;
	v10 =	vld [tilespmem:s16+$0x10]  }
0x37c: {  	s31 =	simm.s32 $0xB2F0;
	v13 =	vand.u32 $0x6, v13;
	v15 =	vmov s26;
	v8 =	vadd.s32 v1, v8;
	v18 =	vld [tilespmem:s16+$0xFFFFFFD0]  }
0x37d: {  	v19 =	vld [tilespmem:s31+$0x0];
	v16 =	vmul.bf16 v16, v11;
	v8 =	vor.u32 v13, v8;
	v13 =	vand.u32 $0x78, v15  }
0x37e: {  	[tilespmem:s17+$0xFFFFFFD0] =	vst v5;
	v5 =	vand.u32 $0x7, v15;
	v15 =	vld [tilespmem:s31+$0xFFFFFFC0];
	v13 =	vadd.s32 v1, v13;
	v12 =	vmul.bf16 v12, v17  }
0x37f: {  	[tilespmem:s3+$0xFFFFFFE0] =	vst v16;
	v6 =	vmul.bf16 v7, v6;
	v16 =	vld [tilespmem:s10+$0xFFFFFFE0];
	v13 =	vor.u32 v5, v13  }
0x380: {  	v7 =	vmul.bf16 v10, v2;
	[tilespmem:s17+$0x20] =	vst v12;
	v12 =	vld [tilespmem:s1+$0xFFFFFFF0]  }
0x381: {  	[tilespmem:s3+$0x30] =	vst v6;
	v5 =	vpack.i.f32.bf16 v14, v14;
	v10 =	vmul.bf16 v18, v3;
	v18 =	vld [tilespmem:s10+$0x30]  }
0x382: {  	v6 =	vpack.i.f32.bf16 v9, v9;
	v14 =	vmul.bf16 v19, v5;
	v8 =	vld.idx.msk [tilespmem:v8+s20+$0x0], $0xffff;
	[tilespmem:s8+$0x10] =	vst v7  }
0x383: {  	s23 =	simm.s32 $0xA;
	s25 =	simm.s32 $0x116F0;
	v15 =	vmul.bf16 v15, v6;
	[tilespmem:s8+$0xFFFFFFD0] =	vst v10;
	v7 =	vld [tilespmem:s16+$0x20]  }
0x384: {  	v10 =	vmov s23;
	[tilespmem:s25+$0x0] =	vst v14;
	v19 =	vmul.bf16 v16, v4;
	v9 =	vld.idx.msk [tilespmem:v13+s20+$0x0], $0xffff  }
0x385: {  	s26 =	simm.s32 $0xB;
	v16 =	vand.u32 $0x78, v10;
	v14 =	vand.u32 $0x6, v10;
	[tilespmem:s25+$0xFFFFFFC0] =	vst v15;
	v10 =	vld [tilespmem:s31+$0x10];
	v13 =	vmul.bf16 v12, v11  }
0x386: {  	s1 =	simm.s32 $0xB370;
	s23 =	simm.s32 $0xC;
	v15 =	vmov s26;
	v16 =	vadd.s32 v1, v16;
	[tilespmem:s17+$0xFFFFFFE0] =	vst v19;
	v11 =	vld [tilespmem:s31+$0xFFFFFFD0];
	v12 =	vmul.bf16 v18, v17  }
.LBB2_21:
0x387: {  	p1 =	slt.u32 s23, $0x4E;
	v14 =	vor.u32 v14, v16;
	v16 =	vand.u32 $0x78, v15;
	v17 =	vld [tilespmem:s1+$0x0];
	[tilespmem:s3+$0xFFFFFFF0] =	vst v13;
	v18 =	vmov v6;
	s3 =	smov.u32 s17;
	s17 =	smov.u32 s8  }
0x388: {  	v6 =	vand.u32 $0x7, v15;
	s8 =	smov.u32 s25;
	v13 =	vadd.s32 v1, v16;
	v15 =	vld [tilespmem:s1+$0xFFFFFFC0];
	v7 =	vmul.bf16 v7, v2;
	[tilespmem:s3+$0x30] =	vst v12  }
0x389: {  	v12 =	vor.u32 v6, v13;
	v13 =	vld [tilespmem:s16+$0xFFFFFFE0]  }
0x38a: {  	v10 =	vmul.bf16 v10, v5;
	[tilespmem:s17+$0x20] =	vst v7;
	v16 =	vld [tilespmem:s10+$0xFFFFFFF0];
	s10 =	smov.u32 s16;
	s16 =	smov.u32 s31;
	s31 =	smov.u32 s1  }
0x38b: {  	v19 =	vpack.i.f32.bf16 v9, v9;
	v7 =	vmul.bf16 v11, v18;
	v20 =	vld [tilespmem:s10+$0x30]  }
.Ltmp11:
0x38c: {  	v6 =	vpack.i.f32.bf16 v8, v8;
	v8 =	vld.idx.msk [tilespmem:v14+s20+$0x0], $0xffff;
	v11 =	vmul.bf16 v17, v19;
	[tilespmem:s25+$0x10] =	vst v10;
	(pc) =	sbr.rel @p1 .LBB2_21-.Ltmp11, $4  }
0x38d: {  	s25 =	sadd.s32 $0x80, s25;
	v10 =	vmul.bf16 v15, v6;
	[tilespmem:s8+$0xFFFFFFD0] =	vst v7;
	v7 =	vld [tilespmem:s16+$0x20]  }
0x38e: {  	v14 =	vmov s23;
	v9 =	vld.idx.msk [tilespmem:v12+s20+$0x0], $0xffff;
	[tilespmem:s25+$0x0] =	vst v11;
	v12 =	vmul.bf16 v13, v3  }
0x38f: {  	s26 =	sadd.s32 $0x1, s23;
	v11 =	vand.u32 $0x78, v14;
	v14 =	vand.u32 $0x6, v14;
	[tilespmem:s25+$0xFFFFFFC0] =	vst v10;
	v10 =	vld [tilespmem:s1+$0x10];
	v13 =	vmul.bf16 v16, v4;
	v4 =	vmovc v3;
	v3 =	vmovc v18  }
0x390: {  	s23 =	sadd.s32 $0x2, s23;
	v15 =	vmov s26;
	v16 =	vadd.s32 v1, v11;
	s1 =	sadd.s32 $0x80, s1;
	v11 =	vld [tilespmem:s31+$0xFFFFFFD0];
	[tilespmem:s17+$0xFFFFFFE0] =	vst v12;
	v12 =	vmul.bf16 v20, v2;
	v2 =	vmovc v5;
	v5 =	vmovc v19  }
0x391: {  	v17 =	vand.u32 $0x78, v15  }
0x392: {  	v15 =	vand.u32 $0x7, v15;
	v1 =	vadd.s32 v1, v17  }
0x393: {  	v1 =	vor.u32 v15, v1  }
0x394: {  	v14 =	vor.u32 v14, v16  }
0x395: {  	v16 =	vld [tilespmem:s1+$0xFFFFFFC0];
	s23 =	sadd.s32 $0x80, s1  }
0x396: {  	v17 =	vld [tilespmem:s23+$0x0]  }
0x397: {  	v15 =	vld [tilespmem:s1+$0x0]  }
0x398: {  	v1 =	vld.idx.msk [tilespmem:v1+s20+$0x0], $0xffff  }
0x399: {  	v14 =	vld.idx.msk [tilespmem:v14+s20+$0x0], $0xffff  }
0x39a: {  	v18 =	vld [tilespmem:s23+$0xFFFFFFC0]  }
0x39b: {  	v9 =	vpack.i.f32.bf16 v9, v9  }
0x39c: {  	v19 =	vld [tilespmem:s10+$0xFFFFFFF0];
	v8 =	vpack.i.f32.bf16 v8, v8;
	v15 =	vmul.bf16 v15, v9  }
0x39d: {  	[tilespmem:s3+$0xFFFFFFF0] =	vst v13;
	s10 =	sadd.s32 $0x80, s25;
	v13 =	vmul.bf16 v16, v8;
	v1 =	vpack.i.f32.bf16 v1, v1  }
0x39e: {  	[tilespmem:s10+$0x0] =	vst v15;
	v14 =	vpack.i.f32.bf16 v14, v14;
	v15 =	vmul.bf16 v17, v1  }
0x39f: {  	s26 =	sadd.s32 $0x80, s10;
	[tilespmem:s10+$0xFFFFFFC0] =	vst v13;
	v13 =	vld [tilespmem:s1+$0x10];
	v16 =	vmul.bf16 v18, v14  }
0x3a0: {  	v17 =	vld [tilespmem:s1+$0xFFFFFFD0];
	[tilespmem:s26+$0x0] =	vst v15  }
0x3a1: {  	v4 =	vmul.bf16 v19, v4;
	[tilespmem:s26+$0xFFFFFFC0] =	vst v16;
	v15 =	vld [tilespmem:s23+$0x10]  }
0x3a2: {  	[tilespmem:s17+$0x30] =	vst v12;
	v10 =	vmul.bf16 v10, v5;
	v12 =	vld [tilespmem:s23+$0xFFFFFFD0]  }
0x3a3: {  	[tilespmem:s17+$0xFFFFFFF0] =	vst v4;
	v4 =	vmul.bf16 v11, v6  }
0x3a4: {  	[tilespmem:s25+$0x10] =	vst v10;
	v11 =	vld [tilespmem:s16+$0xFFFFFFE0];
	v10 =	vmul.bf16 v13, v9  }
0x3a5: {  	[tilespmem:s25+$0xFFFFFFD0] =	vst v4;
	v4 =	vld [tilespmem:s31+$0x20];
	v13 =	vmul.bf16 v17, v8  }
0x3a6: {  	v16 =	vld [tilespmem:s31+$0xFFFFFFE0];
	[tilespmem:s10+$0x10] =	vst v10;
	v10 =	vmul.bf16 v15, v1  }
0x3a7: {  	v12 =	vmul.bf16 v12, v14;
	[tilespmem:s10+$0xFFFFFFD0] =	vst v13;
	v13 =	vld [tilespmem:s1+$0x20]  }
0x3a8: {  	v7 =	vmul.bf16 v7, v2;
	v15 =	vld [tilespmem:s1+$0xFFFFFFE0];
	[tilespmem:s26+$0x10] =	vst v10  }
0x3a9: {  	[tilespmem:s26+$0xFFFFFFD0] =	vst v12;
	v10 =	vmul.bf16 v11, v3;
	v11 =	vld [tilespmem:s23+$0x20]  }
0x3aa: {  	[tilespmem:s8+$0x20] =	vst v7;
	v4 =	vmul.bf16 v4, v5;
	v7 =	vld [tilespmem:s23+$0xFFFFFFE0]  }
0x3ab: {  	v12 =	vld [tilespmem:s16+$0x30];
	[tilespmem:s8+$0xFFFFFFE0] =	vst v10;
	v10 =	vmul.bf16 v16, v6  }
0x3ac: {  	[tilespmem:s25+$0x20] =	vst v4;
	v13 =	vmul.bf16 v13, v9;
	v4 =	vld [tilespmem:s16+$0xFFFFFFF0]  }
0x3ad: {  	v16 =	vld [tilespmem:s31+$0x30];
	[tilespmem:s25+$0xFFFFFFE0] =	vst v10;
	v10 =	vmul.bf16 v15, v8  }
0x3ae: {  	[tilespmem:s10+$0x20] =	vst v13;
	v13 =	vld [tilespmem:s31+$0xFFFFFFF0];
	v11 =	vmul.bf16 v11, v1  }
0x3af: {  	v7 =	vmul.bf16 v7, v14;
	v15 =	vld [tilespmem:s1+$0x30];
	[tilespmem:s10+$0xFFFFFFE0] =	vst v10  }
0x3b0: {  	v2 =	vmul.bf16 v12, v2;
	v10 =	vld [tilespmem:s1+$0xFFFFFFF0];
	[tilespmem:s26+$0x20] =	vst v11  }
0x3b1: {  	[tilespmem:s26+$0xFFFFFFE0] =	vst v7;
	v3 =	vmul.bf16 v4, v3;
	v4 =	vld [tilespmem:s23+$0x30]  }
0x3b2: {  	[tilespmem:s8+$0x30] =	vst v2;
	v2 =	vmul.bf16 v16, v5;
	v5 =	vld [tilespmem:s23+$0xFFFFFFF0]  }
0x3b3: {  	[tilespmem:s8+$0xFFFFFFF0] =	vst v3;
	v3 =	vmul.bf16 v13, v6  }
0x3b4: {  	[tilespmem:s25+$0x30] =	vst v2;
	v2 =	vmul.bf16 v15, v9  }
0x3b5: {  	[tilespmem:s25+$0xFFFFFFF0] =	vst v3;
	v3 =	vmul.bf16 v10, v8  }
0x3b6: {  	s17 =	smul.u32 $0x140, s15;
	[tilespmem:s10+$0x30] =	vst v2;
	v1 =	vmul.bf16 v4, v1  }
0x3b7: {  	s13 =	sadd.s32 $0x4, s13;
	v2 =	vmul.bf16 v5, v14;
	[tilespmem:s10+$0xFFFFFFF0] =	vst v3  }
0x3b8: {  	s1 =	sshra.s32 s17, $0x2;
	[tilespmem:s26+$0x30] =	vst v1;
	v1 =	vmov s13  }
0x3b9: {  	s1 =	sadd.s32 $0x2710, s1;
	s23 =	simm.s32 $0x11530;
	s25 =	simm.s32 $0x1;
	[tilespmem:s26+$0xFFFFFFF0] =	vst v2;
	v1 =	vmul.u32 $0x50, v1  }
0x3ba: {  	[spmem:s2] =	stream.indirect.scatter.add.bf16 [tilespmem:s23], [sflag:$0x9], $0x40, s1, s22, $0xb8;
	[tilespmem:$0x1D970] =	vst v63  }
0x3bb: {  	s3 =	sadd.s32 @!p0 $0x280, s14;
	s8 =	simm.s32 @!p0 $0x50;
	s10 =	simm.s32 @!p0 $0xB130;
	v2 =	vmov s25;
	v1 =	vbroadcast v1, $0x0  }
0x3bc: {  	v3 =	vand.u32 $0x78, v2;
	[tilespmem:s10], [sflag:$0x4] =	stream.indirect.gather @!p0 [hbm4b:s4+s8], $0x40, s3, s8, $0xb8;
	[tilespmem:$0x1D970] =	vst v63  }
0x3bd: {  	v2 =	vand.u32 $0x7, v2;
	_ =	swait.ge [sflag:s24], $0x1400;
	v3 =	vadd.s32 v1, v3  }
0x3be: {  	[sflag:s24] =	ssyncset.done $0x0;
	v2 =	vor.u32 v2, v3  }
0x3bf: {  	[sflag:s24] =	ssyncadd.s32 $0xFFFFEC00  }
0x3c0: {  	s26 =	simm.s32 $0x0;
	_ =	swait.ge [sflag:s9], $0x1400  }
0x3c1: {  	v3 =	vmov s26;
	[sflag:s9] =	ssyncset.done $0x0  }
0x3c2: {  	v4 =	vand.u32 $0x78, v3;
	[sflag:s9] =	ssyncadd.s32 $0xFFFFEC00  }
0x3c3: {  	s31 =	simm.s32 $0xC570;
	v3 =	vand.u32 $0x6, v3;
	v4 =	vadd.s32 v1, v4;
	v2 =	vld.idx.msk [tilespmem:v2+s20+$0x0], $0xffff  }
0x3c4: {  	s8 =	simm.s32 $0x3;
	v3 =	vor.u32 v3, v4;
	v4 =	vld [tilespmem:s31+$0x0]  }
0x3c5: {  	v5 =	vmov s8  }
0x3c6: {  	v6 =	vand.u32 $0x78, v5  }
0x3c7: {  	s10 =	simm.s32 $0x2;
	v5 =	vand.u32 $0x7, v5;
	v6 =	vadd.s32 v1, v6  }
0x3c8: {  	v7 =	vmov s10;
	v5 =	vor.u32 v5, v6;
	v6 =	vpack.i.f32.bf16 v2, v2  }
0x3c9: {  	v2 =	vld.idx.msk [tilespmem:v3+s20+$0x0], $0xffff;
	v3 =	vand.u32 $0x78, v7;
	v4 =	vmul.bf16 v4, v6  }
0x3ca: {  	s3 =	simm.s32 $0x12970;
	v7 =	vand.u32 $0x6, v7;
	v3 =	vadd.s32 v1, v3  }
0x3cb: {  	v3 =	vor.u32 v7, v3;
	v7 =	vld [tilespmem:s31+$0xFFFFFFC0];
	[tilespmem:s3+$0x0] =	vst v4  }
0x3cc: {  	s14 =	simm.s32 $0x4;
	v4 =	vld [tilespmem:s31+$0x10]  }
0x3cd: {  	v8 =	vmov s14;
	s10 =	simm.s32 $0xC5F0;
	v5 =	vld.idx.msk [tilespmem:v5+s20+$0x0], $0xffff  }
0x3ce: {  	s15 =	simm.s32 $0x5;
	v9 =	vld [tilespmem:s10+$0x0];
	v11 =	vpack.i.f32.bf16 v2, v2;
	v2 =	vand.u32 $0x78, v8  }
0x3cf: {  	v10 =	vmov s15;
	v8 =	vand.u32 $0x6, v8;
	v2 =	vadd.s32 v1, v2  }
0x3d0: {  	v3 =	vld.idx.msk [tilespmem:v3+s20+$0x0], $0xffff;
	v7 =	vmul.bf16 v7, v11;
	v2 =	vor.u32 v8, v2;
	v8 =	vand.u32 $0x78, v10  }
0x3d1: {  	v12 =	vld [tilespmem:s10+$0xFFFFFFC0];
	v10 =	vand.u32 $0x7, v10;
	v8 =	vadd.s32 v1, v8;
	v4 =	vmul.bf16 v4, v6  }
0x3d2: {  	v17 =	vpack.i.f32.bf16 v5, v5;
	[tilespmem:s3+$0xFFFFFFC0] =	vst v7;
	v7 =	vor.u32 v10, v8  }
0x3d3: {  	v8 =	vmul.bf16 v9, v17;
	v5 =	vld [tilespmem:s31+$0xFFFFFFD0];
	[tilespmem:s3+$0x10] =	vst v4  }
0x3d4: {  	s16 =	simm.s32 $0x6;
	s15 =	simm.s32 $0x129F0;
	v9 =	vld [tilespmem:s31+$0x20]  }
0x3d5: {  	[tilespmem:s15+$0x0] =	vst v8;
	v10 =	vld.idx.msk [tilespmem:v2+s20+$0x0], $0xffff;
	v4 =	vpack.i.f32.bf16 v3, v3;
	v2 =	vmov s16  }
0x3d6: {  	s17 =	simm.s32 $0x7;
	v3 =	vmul.bf16 v12, v4;
	v8 =	vand.u32 $0x78, v2;
	v12 =	vld [tilespmem:s10+$0x10]  }
0x3d7: {  	v13 =	vmov s17;
	s14 =	simm.s32 $0xC670;
	v2 =	vand.u32 $0x6, v2;
	v7 =	vld.idx.msk [tilespmem:v7+s20+$0x0], $0xffff;
	v8 =	vadd.s32 v1, v8  }
0x3d8: {  	v14 =	vld [tilespmem:s14+$0x0];
	v5 =	vmul.bf16 v5, v11;
	v8 =	vor.u32 v2, v8;
	v2 =	vand.u32 $0x78, v13  }
0x3d9: {  	[tilespmem:s15+$0xFFFFFFC0] =	vst v3;
	v3 =	vand.u32 $0x7, v13;
	v13 =	vld [tilespmem:s14+$0xFFFFFFC0];
	v2 =	vadd.s32 v1, v2;
	v9 =	vmul.bf16 v9, v6  }
0x3da: {  	[tilespmem:s3+$0xFFFFFFD0] =	vst v5;
	v5 =	vld [tilespmem:s10+$0xFFFFFFD0];
	v15 =	vor.u32 v3, v2  }
0x3db: {  	v16 =	vld [tilespmem:s31+$0xFFFFFFE0];
	v12 =	vmul.bf16 v12, v17;
	[tilespmem:s3+$0x20] =	vst v9  }
0x3dc: {  	v2 =	vpack.i.f32.bf16 v7, v7;
	v7 =	vld [tilespmem:s31+$0x30]  }
0x3dd: {  	v3 =	vpack.i.f32.bf16 v10, v10;
	v9 =	vld.idx.msk [tilespmem:v8+s20+$0x0], $0xffff;
	v8 =	vmul.bf16 v14, v2;
	[tilespmem:s15+$0x10] =	vst v12  }
0x3de: {  	s23 =	simm.s32 $0x8;
	s8 =	simm.s32 $0x12A70;
	v10 =	vmul.bf16 v13, v3;
	v12 =	vld [tilespmem:s10+$0x20]  }
0x3df: {  	v13 =	vmov s23;
	v14 =	vld.idx.msk [tilespmem:v15+s20+$0x0], $0xffff;
	[tilespmem:s8+$0x0] =	vst v8  }
0x3e0: {  	s25 =	simm.s32 $0x9;
	v5 =	vmul.bf16 v5, v4;
	v8 =	vand.u32 $0x78, v13;
	[tilespmem:s8+$0xFFFFFFC0] =	vst v10;
	v10 =	vld [tilespmem:s14+$0x10]  }
0x3e1: {  	s16 =	simm.s32 $0xC6F0;
	v13 =	vand.u32 $0x6, v13;
	v15 =	vmov s25;
	v8 =	vadd.s32 v1, v8;
	v18 =	vld [tilespmem:s14+$0xFFFFFFD0]  }
0x3e2: {  	v19 =	vld [tilespmem:s16+$0x0];
	v16 =	vmul.bf16 v16, v11;
	v8 =	vor.u32 v13, v8;
	v13 =	vand.u32 $0x78, v15  }
0x3e3: {  	[tilespmem:s15+$0xFFFFFFD0] =	vst v5;
	v5 =	vand.u32 $0x7, v15;
	v15 =	vld [tilespmem:s16+$0xFFFFFFC0];
	v13 =	vadd.s32 v1, v13;
	v12 =	vmul.bf16 v12, v17  }
0x3e4: {  	[tilespmem:s3+$0xFFFFFFE0] =	vst v16;
	v6 =	vmul.bf16 v7, v6;
	v16 =	vld [tilespmem:s10+$0xFFFFFFE0];
	v13 =	vor.u32 v5, v13  }
0x3e5: {  	v7 =	vmul.bf16 v10, v2;
	[tilespmem:s15+$0x20] =	vst v12;
	v12 =	vld [tilespmem:s31+$0xFFFFFFF0]  }
0x3e6: {  	[tilespmem:s3+$0x30] =	vst v6;
	v5 =	vpack.i.f32.bf16 v14, v14;
	v10 =	vmul.bf16 v18, v3;
	v18 =	vld [tilespmem:s10+$0x30]  }
0x3e7: {  	v6 =	vpack.i.f32.bf16 v9, v9;
	v14 =	vmul.bf16 v19, v5;
	v8 =	vld.idx.msk [tilespmem:v8+s20+$0x0], $0xffff;
	[tilespmem:s8+$0x10] =	vst v7  }
0x3e8: {  	s17 =	simm.s32 $0x12AF0;
	s26 =	simm.s32 $0xA;
	v15 =	vmul.bf16 v15, v6;
	[tilespmem:s8+$0xFFFFFFD0] =	vst v10;
	v7 =	vld [tilespmem:s14+$0x20]  }
0x3e9: {  	v10 =	vmov s26;
	[tilespmem:s17+$0x0] =	vst v14;
	v19 =	vmul.bf16 v16, v4;
	v9 =	vld.idx.msk [tilespmem:v13+s20+$0x0], $0xffff  }
0x3ea: {  	s31 =	simm.s32 $0xB;
	v16 =	vand.u32 $0x78, v10;
	v14 =	vand.u32 $0x6, v10;
	[tilespmem:s17+$0xFFFFFFC0] =	vst v15;
	v10 =	vld [tilespmem:s16+$0x10];
	v13 =	vmul.bf16 v12, v11  }
0x3eb: {  	s1 =	simm.s32 $0xC770;
	s23 =	simm.s32 $0xC;
	v15 =	vmov s31;
	v16 =	vadd.s32 v1, v16;
	[tilespmem:s15+$0xFFFFFFE0] =	vst v19;
	v11 =	vld [tilespmem:s16+$0xFFFFFFD0];
	v12 =	vmul.bf16 v18, v17  }
.LBB2_23:
0x3ec: {  	p1 =	slt.u32 s23, $0x4E;
	v14 =	vor.u32 v14, v16;
	v16 =	vand.u32 $0x78, v15;
	v17 =	vld [tilespmem:s1+$0x0];
	[tilespmem:s3+$0xFFFFFFF0] =	vst v13;
	v18 =	vmov v6;
	s3 =	smov.u32 s15;
	s15 =	smov.u32 s8  }
0x3ed: {  	v6 =	vand.u32 $0x7, v15;
	s8 =	smov.u32 s17;
	v13 =	vadd.s32 v1, v16;
	v15 =	vld [tilespmem:s1+$0xFFFFFFC0];
	v7 =	vmul.bf16 v7, v2;
	[tilespmem:s3+$0x30] =	vst v12  }
0x3ee: {  	v12 =	vor.u32 v6, v13;
	v13 =	vld [tilespmem:s14+$0xFFFFFFE0]  }
0x3ef: {  	v10 =	vmul.bf16 v10, v5;
	[tilespmem:s15+$0x20] =	vst v7;
	v16 =	vld [tilespmem:s10+$0xFFFFFFF0];
	s10 =	smov.u32 s14;
	s14 =	smov.u32 s16;
	s16 =	smov.u32 s1  }
0x3f0: {  	v19 =	vpack.i.f32.bf16 v9, v9;
	v7 =	vmul.bf16 v11, v18;
	v20 =	vld [tilespmem:s10+$0x30]  }
.Ltmp12:
0x3f1: {  	v6 =	vpack.i.f32.bf16 v8, v8;
	v8 =	vld.idx.msk [tilespmem:v14+s20+$0x0], $0xffff;
	v11 =	vmul.bf16 v17, v19;
	[tilespmem:s17+$0x10] =	vst v10;
	(pc) =	sbr.rel @p1 .LBB2_23-.Ltmp12, $4  }
0x3f2: {  	s17 =	sadd.s32 $0x80, s17;
	v10 =	vmul.bf16 v15, v6;
	[tilespmem:s8+$0xFFFFFFD0] =	vst v7;
	v7 =	vld [tilespmem:s14+$0x20]  }
0x3f3: {  	v14 =	vmov s23;
	v9 =	vld.idx.msk [tilespmem:v12+s20+$0x0], $0xffff;
	[tilespmem:s17+$0x0] =	vst v11;
	v12 =	vmul.bf16 v13, v3  }
0x3f4: {  	s25 =	sadd.s32 $0x1, s23;
	v11 =	vand.u32 $0x78, v14;
	v14 =	vand.u32 $0x6, v14;
	[tilespmem:s17+$0xFFFFFFC0] =	vst v10;
	v10 =	vld [tilespmem:s1+$0x10];
	v13 =	vmul.bf16 v16, v4;
	v4 =	vmovc v3;
	v3 =	vmovc v18  }
0x3f5: {  	s23 =	sadd.s32 $0x2, s23;
	v15 =	vmov s25;
	v16 =	vadd.s32 v1, v11;
	s1 =	sadd.s32 $0x80, s1;
	v11 =	vld [tilespmem:s16+$0xFFFFFFD0];
	[tilespmem:s15+$0xFFFFFFE0] =	vst v12;
	v12 =	vmul.bf16 v20, v2;
	v2 =	vmovc v5;
	v5 =	vmovc v19  }
0x3f6: {  	v17 =	vand.u32 $0x78, v15  }
0x3f7: {  	v14 =	vor.u32 v14, v16;
	v32 =	vand.u32 $0x7, v15;
	v1 =	vadd.s32 v1, v17  }
0x3f8: {  	v1 =	vor.u32 v32, v1  }
0x3f9: {  	v33 =	vld [tilespmem:s1+$0x0]  }
0x3fa: {  	v34 =	vld [tilespmem:s1+$0xFFFFFFC0];
	s23 =	sadd.s32 $0x80, s1  }
0x3fb: {  	v18 =	vld [tilespmem:s23+$0xFFFFFFC0]  }
0x3fc: {  	v14 =	vld.idx.msk [tilespmem:v14+s20+$0x0], $0xffff  }
0x3fd: {  	v1 =	vld.idx.msk [tilespmem:v1+s20+$0x0], $0xffff  }
0x3fe: {  	v35 =	vld [tilespmem:s23+$0x0]  }
0x3ff: {  	v9 =	vpack.i.f32.bf16 v9, v9  }
0x400: {  	v8 =	vpack.i.f32.bf16 v8, v8;
	v15 =	vmul.bf16 v33, v9  }
0x401: {  	v19 =	vld [tilespmem:s10+$0xFFFFFFF0];
	[tilespmem:s3+$0xFFFFFFF0] =	vst v13;
	s10 =	sadd.s32 $0x80, s17;
	v36 =	vmul.bf16 v34, v8;
	v14 =	vpack.i.f32.bf16 v14, v14  }
0x402: {  	[tilespmem:s10+$0x0] =	vst v15;
	v39 =	vmul.bf16 v18, v14;
	v1 =	vpack.i.f32.bf16 v1, v1  }
0x403: {  	s25 =	sadd.s32 $0x80, s10;
	[tilespmem:s10+$0xFFFFFFC0] =	vst v36;
	v38 =	vld [tilespmem:s1+$0x10];
	v37 =	vmul.bf16 v35, v1  }
0x404: {  	v40 =	vld [tilespmem:s1+$0xFFFFFFD0];
	[tilespmem:s25+$0xFFFFFFC0] =	vst v39  }
0x405: {  	v7 =	vmul.bf16 v7, v2;
	v42 =	vld [tilespmem:s23+$0xFFFFFFD0];
	[tilespmem:s25+$0x0] =	vst v37  }
0x406: {  	[tilespmem:s15+$0x30] =	vst v12;
	v10 =	vmul.bf16 v10, v5;
	v41 =	vld [tilespmem:s23+$0x10]  }
0x407: {  	[tilespmem:s8+$0x20] =	vst v7;
	v43 =	vmul.bf16 v11, v6  }
0x408: {  	v44 =	vld [tilespmem:s14+$0xFFFFFFE0];
	[tilespmem:s17+$0x10] =	vst v10;
	v45 =	vmul.bf16 v38, v9  }
0x409: {  	[tilespmem:s17+$0xFFFFFFD0] =	vst v43;
	v46 =	vld [tilespmem:s16+$0x20];
	v47 =	vmul.bf16 v40, v8  }
0x40a: {  	v48 =	vld [tilespmem:s16+$0xFFFFFFE0];
	[tilespmem:s10+$0x10] =	vst v45;
	v12 =	vmul.bf16 v42, v14  }
0x40b: {  	[tilespmem:s10+$0xFFFFFFD0] =	vst v47;
	v50 =	vld [tilespmem:s1+$0x20];
	v49 =	vmul.bf16 v41, v1  }
0x40c: {  	v4 =	vmul.bf16 v19, v4;
	v51 =	vld [tilespmem:s1+$0xFFFFFFE0];
	[tilespmem:s25+$0xFFFFFFD0] =	vst v12  }
0x40d: {  	v52 =	vmul.bf16 v44, v3;
	v54 =	vld [tilespmem:s23+$0xFFFFFFE0];
	[tilespmem:s25+$0x10] =	vst v49  }
0x40e: {  	[tilespmem:s15+$0xFFFFFFF0] =	vst v4;
	v4 =	vmul.bf16 v46, v5;
	v53 =	vld [tilespmem:s23+$0x20]  }
0x40f: {  	v55 =	vld [tilespmem:s14+$0x30];
	[tilespmem:s8+$0xFFFFFFE0] =	vst v52;
	v56 =	vmul.bf16 v48, v6  }
0x410: {  	v57 =	vld [tilespmem:s14+$0xFFFFFFF0];
	[tilespmem:s17+$0x20] =	vst v4;
	v13 =	vmul.bf16 v50, v9  }
0x411: {  	v58 =	vld [tilespmem:s16+$0x30];
	[tilespmem:s17+$0xFFFFFFE0] =	vst v56;
	v59 =	vmul.bf16 v51, v8  }
0x412: {  	v60 =	vld [tilespmem:s16+$0xFFFFFFF0];
	[tilespmem:s10+$0x20] =	vst v13;
	v7 =	vmul.bf16 v54, v14  }
0x413: {  	[tilespmem:s10+$0xFFFFFFE0] =	vst v59;
	v61 =	vld [tilespmem:s1+$0x30];
	v11 =	vmul.bf16 v53, v1  }
0x414: {  	v2 =	vmul.bf16 v55, v2;
	v10 =	vld [tilespmem:s1+$0xFFFFFFF0];
	[tilespmem:s25+$0xFFFFFFE0] =	vst v7  }
0x415: {  	v3 =	vmul.bf16 v57, v3;
	v63 =	vld [tilespmem:s23+$0xFFFFFFF0];
	[tilespmem:s25+$0x20] =	vst v11  }
0x416: {  	[tilespmem:s8+$0x30] =	vst v2;
	v2 =	vmul.bf16 v58, v5;
	v62 =	vld [tilespmem:s23+$0x30]  }
0x417: {  	[tilespmem:s8+$0xFFFFFFF0] =	vst v3;
	v3 =	vmul.bf16 v60, v6  }
0x418: {  	[tilespmem:s17+$0x30] =	vst v2;
	v2 =	vmul.bf16 v61, v9  }
0x419: {  	s26 =	smul.u32 $0x140, s13;
	[tilespmem:s17+$0xFFFFFFF0] =	vst v3;
	v3 =	vmul.bf16 v10, v8  }
.Ltmp13:
0x41a: {  	[tilespmem:s10+$0x30] =	vst v2;
	v2 =	vmul.bf16 v63, v14;
	(pc) =	sbr.rel @p0 .LBB2_26-.Ltmp13, $4  }
0x41b: {  	[tilespmem:s10+$0xFFFFFFF0] =	vst v3;
	v1 =	vmul.bf16 v62, v1  }
0x41c: {  	s1 =	sshra.s32 s26, $0x2;
	[tilespmem:s25+$0xFFFFFFF0] =	vst v2  }
0x41d: {  	s31 =	simm.s32 $0x12930;
	s1 =	sadd.s32 $0x2710, s1;
	[tilespmem:s25+$0x30] =	vst v1  }
0x41e: {  	[spmem:s2] =	stream.indirect.scatter.add.bf16 [tilespmem:s31], [sflag:$0xA], $0x40, s1, s22, $0xb8;
	[tilespmem:$0x1D970] =	vst v63  }
.Ltmp14:
0x41f: {  	(pc) =	sbr.rel .LBB2_14-.Ltmp14, $3  }
0x420: {  	_ =	sdelay $0x1  }
0x421: {  	s1 =	sadd.s32 $0x2D0, s12;
	s3 =	simm.s32 $0xC530;
	s11 =	sadd.s32 $0x1, s11  }
0x422: {  	[tilespmem:s3], [sflag:$0x5] =	stream.indirect.gather [hbm4b:s4+s22], $0x40, s1, s22, $0xb8;
	[tilespmem:$0x1D970] =	vst v63  }
.LBB2_27:
0x423: {  	_ =	sfence.sel $0x180000  }
0x424: {  	[bflag:$0x0] =	sbarrier.arrive $0xFFFF  }
0x425: {  	_ =	strace $0x90000047  }
0x426: {  	s0 =	stileid.u32;
	[bflag:$0x2] =	sbarrier.arrive $0xFFFF  }
0x427: {  	p0 =	sne.s32 s0, $0x0;
	s0 =	rddreg [dreg:$0x4]  }
0x428: {  	s0 =	sadd.s32 @!p0 $0x100000, s0  }
0x429: {  	[sflag:s0] =	ssyncadd.tile.s32 @!p0 $0x1;
	_ =	shalt  }
.Lfunc_end2:
_tile_overlayer_lowered:
.L_overlay_start_2:
0x42a: {  	(tag) =	ssettag $0x2  }
0x42b: {  	s0 =	rddreg [dreg:$0x0];
	s2 =	stileid.u32  }
0x42c: {  	s1 =	rddreg [dreg:$0x1];
	p0 =	sne.s32 s2, $0x0  }
0x42d: {  	s3 =	rddreg [dreg:$0x2];
	[bflag:$0x3] =	sbarrier.arrive $0xFFFF;
	s2 =	simm.s32 @!p0 $0x1C0B  }
0x42e: {  	[timem:s3], [sflag:s2] =	dma.local @!p0 [hbm:s0], s1  }
0x42f: {  	s0 =	simm.s32 @!p0 $0xB  }
0x430: {  	_ =	swait.ge @!p0 [sflag:s0], s1  }
0x431: {  	s1 =	ssub.s32 @!p0 $0x0, s1;
	[sflag:s0] =	ssyncset.done @!p0 $0x0  }
0x432: {  	[sflag:s0] =	ssyncadd.s32 @!p0 s1  }
0x433: {  	[bflag:$0x3] =	sbarrier.arrive $0xFFFF  }
0x434: {  	_ =	shalt  }

</sc_bundles>
